<compile_context>
chip_gen: v7x
topology: tpu7x:2x2x1
jax: 0.10.2.dev20260603
libtpu: 0.0.44.dev20260713+nightly
codegen_flags: <defaults>
</compile_context>

<pallas_src>
import jax
import jax.numpy as jnp
from jax import lax
from jax.experimental import pallas as pl
from jax.experimental.pallas import tpu as pltpu
from jax.experimental.pallas import tpu_sc as plsc

N = 10000
D = 128
H = 256
QD = 128
E = 320000

NC = 2
NS = 16
NW = NC * NS

CHUNK = 128
KPT = 80
EPAD = NW * KPT * CHUNK
NPAD = 10112
RPT = NPAD // NS

BN = 2000

_mesh = plsc.VectorSubcoreMesh(core_axis_name="c", subcore_axis_name="s")


def _gather_agg_body(tab_hbm, src_hbm, dst_hbm, z_hbm, sum_out,
                     is0, id0, is1, id1, rows0, rows1, accum, sem0, sem1):
    c = lax.axis_index("c")
    s = lax.axis_index("s")
    wid = c * NS + s
    r0 = s * RPT
    pltpu.sync_copy(z_hbm.at[pl.ds(r0, RPT)], accum.at[pl.ds(r0, RPT)])
    plsc.subcore_barrier()

    def load_start(j, isb, idb, rowsb, sem):
        off = (wid * KPT + j) * CHUNK
        pltpu.sync_copy(src_hbm.at[pl.ds(off, CHUNK)], isb.at[0])
        pltpu.sync_copy(dst_hbm.at[pl.ds(off, CHUNK)], idb.at[0])
        pltpu.async_copy(tab_hbm.at[isb.at[0]], rowsb, sem)

    load_start(0, is0, id0, rows0, sem0)
    HALF = KPT // 2

    def pair(jj, carry):
        j = jj * 2
        load_start(j + 1, is1, id1, rows1, sem1)
        pltpu.make_async_copy(tab_hbm.at[is0.at[0]], rows0, sem0).wait()
        pltpu.sync_copy(rows0, accum.at[id0.at[0]], add=True)

        @pl.when(jj < HALF - 1)
        def _():
            load_start(j + 2, is0, id0, rows0, sem0)

        pltpu.make_async_copy(tab_hbm.at[is1.at[0]], rows1, sem1).wait()
        pltpu.sync_copy(rows1, accum.at[id1.at[0]], add=True)
        return carry

    lax.fori_loop(0, HALF, pair, 0)
    plsc.subcore_barrier()
    pltpu.sync_copy(accum.at[pl.ds(r0, RPT)],
                    sum_out.at[pl.ds(c * NPAD + r0, RPT)])


def _count_body(dst_hbm, z_hbm, ones_hbm, cnt_out,
                idx_d, ones_v, accum, sem):
    c = lax.axis_index("c")
    s = lax.axis_index("s")
    wid = c * NS + s
    r0 = s * RPT
    pltpu.sync_copy(z_hbm.at[pl.ds(r0, RPT)], accum.at[pl.ds(r0, RPT)])
    pltpu.sync_copy(ones_hbm, ones_v)
    plsc.subcore_barrier()

    def body(j, carry):
        off = (wid * KPT + j) * CHUNK
        pltpu.sync_copy(dst_hbm.at[pl.ds(off, CHUNK)], idx_d.at[0])
        pltpu.sync_copy(ones_v, accum.at[idx_d.at[0]], add=True)
        return carry

    lax.fori_loop(0, KPT, body, 0)
    plsc.subcore_barrier()
    pltpu.sync_copy(accum.at[pl.ds(r0, RPT)],
                    cnt_out.at[pl.ds(c * NPAD + r0, RPT)])


_agg = pl.kernel(
    _gather_agg_body,
    out_type=jax.ShapeDtypeStruct((2 * NPAD, D), jnp.float32),
    mesh=_mesh,
    scratch_types=[pltpu.VMEM((1, CHUNK), jnp.int32),
                   pltpu.VMEM((1, CHUNK), jnp.int32),
                   pltpu.VMEM((1, CHUNK), jnp.int32),
                   pltpu.VMEM((1, CHUNK), jnp.int32),
                   pltpu.VMEM((CHUNK, D), jnp.float32),
                   pltpu.VMEM((CHUNK, D), jnp.float32),
                   pltpu.VMEM_SHARED((NPAD, D), jnp.float32),
                   pltpu.SemaphoreType.DMA,
                   pltpu.SemaphoreType.DMA],
)

_count = pl.kernel(
    _count_body,
    out_type=jax.ShapeDtypeStruct((2 * NPAD, D), jnp.float32),
    mesh=_mesh,
    scratch_types=[pltpu.VMEM((1, CHUNK), jnp.int32),
                   pltpu.VMEM((CHUNK, D), jnp.float32),
                   pltpu.VMEM_SHARED((NPAD, D), jnp.float32),
                   pltpu.SemaphoreType.DMA],
)


def _dot(a, b):
    return jnp.dot(a, b, preferred_element_type=jnp.float32)


def _layer1_tc(x_ref, s0_ref, s1_ref, c0_ref, c1_ref, q_ref, w1_ref, b1_ref,
               ha_ref, hb_ref):
    inv = 1.0 / (c0_ref[:, :1] + c1_ref[:, :1] + 1.0)
    xb = x_ref[...]
    agg = (s0_ref[...] + s1_ref[...] + xb) * inv
    qrow = _dot(q_ref[...], w1_ref[2 * D:, :]) + b1_ref[...]
    h = _dot(xb, w1_ref[:D, :]) + _dot(agg, w1_ref[D:2 * D, :]) + qrow
    h = jnp.maximum(h, 0.0)
    ha_ref[...] = h[:, :D]
    hb_ref[...] = h[:, D:]


def _layer2_tc(ha_ref, hb_ref, sa0_ref, sa1_ref, sb0_ref, sb1_ref,
               c0_ref, c1_ref, q_ref,
               w2_ref, b2_ref, ws1_ref, bs1_ref, ws2_ref, bs2_ref,
               out_ref):
    inv = 1.0 / (c0_ref[:, :1] + c1_ref[:, :1] + 1.0)
    ha = ha_ref[...]
    hb = hb_ref[...]
    aa = (sa0_ref[...] + sa1_ref[...] + ha) * inv
    ab = (sb0_ref[...] + sb1_ref[...] + hb) * inv
    qv = q_ref[...]
    qrow2 = _dot(qv, w2_ref[4 * D:, :]) + b2_ref[...]
    h = (_dot(ha, w2_ref[:D, :]) + _dot(hb, w2_ref[D:2 * D, :])
         + _dot(aa, w2_ref[2 * D:3 * D, :]) + _dot(ab, w2_ref[3 * D:4 * D, :])
         + qrow2)
    h = jnp.maximum(h, 0.0)
    qrow3 = _dot(qv, ws1_ref[H:, :]) + bs1_ref[...]
    sb = jnp.maximum(_dot(h[:, :D], ws1_ref[:D, :])
                     + _dot(h[:, D:], ws1_ref[D:H, :]) + qrow3, 0.0)
    out_ref[...] = _dot(sb, ws2_ref[...]) + bs2_ref[...]


def _row_spec(cols):
    return pl.BlockSpec((BN, cols), lambda i: (i, 0))


def _full_spec(shape):
    return pl.BlockSpec(shape, lambda i: tuple(0 for _ in shape))


_layer1_call = pl.pallas_call(
    _layer1_tc,
    grid=(N // BN,),
    in_specs=[_row_spec(D), _row_spec(D), _row_spec(D),
              _row_spec(D), _row_spec(D),
              _full_spec((1, QD)), _full_spec((2 * D + QD, H)),
              _full_spec((1, H))],
    out_specs=[_row_spec(D), _row_spec(D)],
    out_shape=[jax.ShapeDtypeStruct((N, D), jnp.float32),
               jax.ShapeDtypeStruct((N, D), jnp.float32)],
)

_layer2_call = pl.pallas_call(
    _layer2_tc,
    grid=(N // BN,),
    in_specs=[_row_spec(D), _row_spec(D),
              _row_spec(D), _row_spec(D), _row_spec(D), _row_spec(D),
              _row_spec(D), _row_spec(D),
              _full_spec((1, QD)), _full_spec((2 * H + QD, H)),
              _full_spec((1, H)), _full_spec((H + QD, D)),
              _full_spec((1, D)), _full_spec((D, 1)), _full_spec((1, 1))],
    out_specs=[pl.BlockSpec((BN, 1), lambda i: (i, 0))],
    out_shape=[jax.ShapeDtypeStruct((N, 1), jnp.float32)],
)


@jax.jit
def kernel(x, edge_index, q, W1, b1, W2, b2, Ws1, bs1, Ws2, bs2):
    pad = EPAD - E
    src = jnp.concatenate(
        [edge_index[0].astype(jnp.int32), jnp.zeros((pad,), jnp.int32)])
    dst = jnp.concatenate(
        [edge_index[1].astype(jnp.int32), jnp.full((pad,), N, jnp.int32)])
    z = jnp.zeros((NPAD, D), jnp.float32)
    ones = jnp.ones((CHUNK, D), jnp.float32)

    sums1 = _agg(x, src, dst, z)
    cnts = _count(dst, z, ones)
    c0 = cnts[:N]
    c1 = cnts[NPAD:NPAD + N]
    q2 = q.reshape(1, QD)
    ha, hb = _layer1_call(x, sums1[:N], sums1[NPAD:NPAD + N], c0, c1,
                          q2, W1, b1.reshape(1, H))

    sums2a = _agg(ha, src, dst, z)
    sums2b = _agg(hb, src, dst, z)
    (out,) = _layer2_call(ha, hb, sums2a[:N], sums2a[NPAD:NPAD + N],
                          sums2b[:N], sums2b[NPAD:NPAD + N], c0, c1,
                          q2, W2, b2.reshape(1, H), Ws1, bs1.reshape(1, D),
                          Ws2, bs2.reshape(1, 1))
    return out[:, 0]

# --- scband reference (transcript-rebuilt; emitter-appended) ---
"""Pipeline reference for scband-query-gnn-30812095381570 (READ-ONLY COPY).

The authoritative reference and input builder live on the scoring server;
editing this copy changes nothing except your own understanding.
"""

import jax, jax.numpy as jnp
import numpy as np

N = 10000
E = 320000
D = 128   # in_dim
H = 256   # hidden_dim
Q = 128   # query_dim


def setup_inputs(seed: int = 0) -> dict:
    key = jax.random.key(seed)
    ks = jax.random.split(key, 12)
    x = jax.random.normal(ks[0], (N, D), dtype=jnp.float32)
    edge_index = jax.random.randint(ks[1], (2, E), 0, N)
    q = jax.random.normal(ks[2], (Q,), dtype=jnp.float32)
    # layer 1: Linear(2*D + Q -> H)
    f1 = 2 * D + Q
    W1 = jax.random.normal(ks[3], (f1, H), dtype=jnp.float32) / np.sqrt(f1)
    b1 = jnp.zeros((H,), dtype=jnp.float32)
    # layer 2: Linear(2*H + Q -> H)
    f2 = 2 * H + Q
    W2 = jax.random.normal(ks[4], (f2, H), dtype=jnp.float32) / np.sqrt(f2)
    b2 = jnp.zeros((H,), dtype=jnp.float32)
    # score head: Linear(H + Q -> 128) -> ReLU -> Linear(128 -> 1)
    f3 = H + Q
    Ws1 = jax.random.normal(ks[5], (f3, 128), dtype=jnp.float32) / np.sqrt(f3)
    bs1 = jnp.zeros((128,), dtype=jnp.float32)
    Ws2 = jax.random.normal(ks[6], (128, 1), dtype=jnp.float32) / np.sqrt(128)
    bs2 = jnp.zeros((1,), dtype=jnp.float32)
    return {"x": x, "edge_index": edge_index, "q": q,
            "W1": W1, "b1": b1, "W2": W2, "b2": b2,
            "Ws1": Ws1, "bs1": bs1, "Ws2": Ws2, "bs2": bs2}


def _mean_aggregate(h, src, dst, n_nodes):
    # PyG MessagePassing with aggr='mean': gather source features, scatter-mean to dst
    msgs = jnp.take(h, src, axis=0)
    summed = jax.ops.segment_sum(msgs, dst, num_segments=n_nodes)
    cnt = jax.ops.segment_sum(jnp.ones((src.shape[0],), dtype=h.dtype), dst, num_segments=n_nodes)
    return summed / jnp.maximum(cnt, 1.0)[:, None]


def _layer(h, src, dst, q, W, b, n_nodes):
    agg = _mean_aggregate(h, src, dst, n_nodes)
    q_expand = jnp.broadcast_to(q[None, :], (n_nodes, q.shape[0]))
    cat = jnp.concatenate([h, agg, q_expand], axis=-1)
    out = cat @ W + b
    return jax.nn.relu(out)  # dropout p=0.0 / eval mode -> identity


def reference(x, edge_index, q, W1, b1, W2, b2, Ws1, bs1, Ws2, bs2):
    n = x.shape[0]
    # add_self_loops
    loop = jnp.arange(n, dtype=edge_index.dtype)
    src = jnp.concatenate([edge_index[0], loop])
    dst = jnp.concatenate([edge_index[1], loop])
    h = _layer(x, src, dst, q, W1, b1, n)
    h = _layer(h, src, dst, q, W2, b2, n)
    q_expand = jnp.broadcast_to(q[None, :], (n, q.shape[0]))
    s = jnp.concatenate([h, q_expand], axis=-1)
    s = jax.nn.relu(s @ Ws1 + bs1)
    logits = (s @ Ws2 + bs2).squeeze(-1)
    return logits

if __name__ == "__main__":
    import jax
    _d = setup_inputs()
    print(jax.jit(kernel)(*tuple(_d.values())))

</pallas_src>

<mosaic_0001>
#map = affine_map<(d0, d1) -> (0, 0)>
#map1 = affine_map<(d0, d1) -> (0)>
module attributes {stable_mosaic.version = 14 : i64} {
  func.func @_gather_agg_body(%arg0: i32, %arg1: i32, %arg2: memref<10000x128xf32, #tpu.memory_space<hbm>>, %arg3: memref<327680xi32, #tpu.memory_space<hbm>>, %arg4: memref<327680xi32, #tpu.memory_space<hbm>>, %arg5: memref<10112x128xf32, #tpu.memory_space<hbm>>, %arg6: memref<20224x128xf32, #tpu.memory_space<hbm>>, %arg7: memref<1x128xi32, #tpu.memory_space<vmem>>, %arg8: memref<1x128xi32, #tpu.memory_space<vmem>>, %arg9: memref<1x128xi32, #tpu.memory_space<vmem>>, %arg10: memref<1x128xi32, #tpu.memory_space<vmem>>, %arg11: memref<128x128xf32, #tpu.memory_space<vmem>>, %arg12: memref<128x128xf32, #tpu.memory_space<vmem>>, %arg13: memref<10112x128xf32, #tpu.memory_space<vmem_shared>>, %arg14: memref<!tpu.dma_semaphore, #tpu.memory_space<semaphore_mem>>, %arg15: memref<!tpu.dma_semaphore, #tpu.memory_space<semaphore_mem>>) attributes {dimension_semantics = [#tpu.dimension_semantics<core_parallel>, #tpu.dimension_semantics<subcore_parallel>], iteration_bounds = array<i64: 2, 16>, scalar_prefetch = 0 : i64, scratch_operands = 9 : i64, tpu.core_type = #tpu.core_type<sc_vector_subcore>, window_params = [{transform_indices = #map}, {transform_indices = #map1}, {transform_indices = #map1}, {transform_indices = #map}, {transform_indices = #map}]} {
    %mul3A = arith.constant 16 : i32
    %mul3A_0 = arith.muli %arg0, %mul3A : i32
    %add3A = arith.addi %mul3A_0, %arg1 : i32
    %mul3A_1 = arith.constant 632 : i32
    %mul3A_2 = arith.muli %arg1, %mul3A_1 : i32
    "tpu.region"() ({
      %run_scoped3A_25 = tpu.sem_alloc : memref<!tpu.dma_semaphore, #tpu.memory_space<semaphore_mem>>
      %dma_start3A_26 = arith.constant 0 : i32
      %dma_start3A_27 = tpu.memref_slice %arg13[%mul3A_2, %dma_start3A_26] : memref<10112x128xf32, #tpu.memory_space<vmem_shared>> -> memref<632x128xf32, #tpu.memory_space<vmem_shared>>
      %dma_start3A_28 = arith.constant 0 : i32
      %dma_start3A_29 = tpu.memref_slice %arg5[%mul3A_2, %dma_start3A_28] : memref<10112x128xf32, #tpu.memory_space<hbm>> -> memref<632x128xf32, #tpu.memory_space<hbm>>
      tpu.enqueue_dma source(%dma_start3A_29 : memref<632x128xf32, #tpu.memory_space<hbm>>) target(%dma_start3A_27 : memref<632x128xf32, #tpu.memory_space<vmem_shared>>) target_semaphore(%run_scoped3A_25 : memref<!tpu.dma_semaphore, #tpu.memory_space<semaphore_mem>>)
      %dma_wait3A = arith.constant 0 : i32
      %dma_wait3A_30 = tpu.memref_slice %arg13[%mul3A_2, %dma_wait3A] : memref<10112x128xf32, #tpu.memory_space<vmem_shared>> -> memref<632x128xf32, #tpu.memory_space<vmem_shared>>
      %dma_wait3A_31 = arith.constant 0 : i32
      %dma_wait3A_32 = tpu.memref_slice %arg5[%mul3A_2, %dma_wait3A_31] : memref<10112x128xf32, #tpu.memory_space<hbm>> -> memref<632x128xf32, #tpu.memory_space<hbm>>
      tpu.wait_dma2 semaphore(%run_scoped3A_25 : memref<!tpu.dma_semaphore, #tpu.memory_space<semaphore_mem>>) src(%dma_wait3A_32 : memref<632x128xf32, #tpu.memory_space<hbm>>) dst(%dma_wait3A_30 : memref<632x128xf32, #tpu.memory_space<vmem_shared>>)
      tpu.yield
    }) : () -> ()
    %barrier3A = arith.constant 0 : index
    tpu.barrier barrier_id(%barrier3A)
    %mul3A_3 = arith.constant 80 : i32
    %mul3A_4 = arith.muli %add3A, %mul3A_3 : i32
    %add3A_5 = arith.constant 0 : i32
    %add3A_6 = arith.addi %mul3A_4, %add3A_5 : i32
    %mul3A_7 = arith.constant 128 : i32
    %mul3A_8 = arith.muli %add3A_6, %mul3A_7 : i32
    %run_scoped3A = arith.constant 0 : i32
    "tpu.region"() ({
      %run_scoped3A_25 = tpu.sem_alloc : memref<!tpu.dma_semaphore, #tpu.memory_space<semaphore_mem>>
      %dma_start3A_26 = arith.constant 0 : i32
      %dma_start3A_27 = tpu.memref_slice %arg7[%run_scoped3A, %dma_start3A_26] : memref<1x128xi32, #tpu.memory_space<vmem>> -> memref<1x128xi32, #tpu.memory_space<vmem>>
      %dma_start3A_28 = tpu.memref_squeeze %dma_start3A_27 : memref<1x128xi32, #tpu.memory_space<vmem>> -> memref<128xi32, #tpu.memory_space<vmem>>
      %dma_start3A_29 = tpu.memref_slice %arg3[%mul3A_8] : memref<327680xi32, #tpu.memory_space<hbm>> -> memref<128xi32, #tpu.memory_space<hbm>>
      %dma_start3A_30 = arith.constant 0 : i32
      %dma_start3A_31 = tpu.memref_slice %arg7[%run_scoped3A, %dma_start3A_30] : memref<1x128xi32, #tpu.memory_space<vmem>> -> memref<1x128xi32, #tpu.memory_space<vmem>>
      %dma_start3A_32 = tpu.memref_squeeze %dma_start3A_31 : memref<1x128xi32, #tpu.memory_space<vmem>> -> memref<128xi32, #tpu.memory_space<vmem>>
      %dma_start3A_33 = tpu.memref_slice %arg3[%mul3A_8] : memref<327680xi32, #tpu.memory_space<hbm>> -> memref<128xi32, #tpu.memory_space<hbm>>
      tpu.enqueue_dma source(%dma_start3A_33 : memref<128xi32, #tpu.memory_space<hbm>>) target(%dma_start3A_32 : memref<128xi32, #tpu.memory_space<vmem>>) target_semaphore(%run_scoped3A_25 : memref<!tpu.dma_semaphore, #tpu.memory_space<semaphore_mem>>)
      %dma_wait3A = arith.constant 0 : i32
      %dma_wait3A_34 = tpu.memref_slice %arg7[%run_scoped3A, %dma_wait3A] : memref<1x128xi32, #tpu.memory_space<vmem>> -> memref<1x128xi32, #tpu.memory_space<vmem>>
      %dma_wait3A_35 = tpu.memref_squeeze %dma_wait3A_34 : memref<1x128xi32, #tpu.memory_space<vmem>> -> memref<128xi32, #tpu.memory_space<vmem>>
      %dma_wait3A_36 = tpu.memref_slice %arg3[%mul3A_8] : memref<327680xi32, #tpu.memory_space<hbm>> -> memref<128xi32, #tpu.memory_space<hbm>>
      %dma_wait3A_37 = arith.constant 0 : i32
      %dma_wait3A_38 = tpu.memref_slice %arg7[%run_scoped3A, %dma_wait3A_37] : memref<1x128xi32, #tpu.memory_space<vmem>> -> memref<1x128xi32, #tpu.memory_space<vmem>>
      %dma_wait3A_39 = tpu.memref_squeeze %dma_wait3A_38 : memref<1x128xi32, #tpu.memory_space<vmem>> -> memref<128xi32, #tpu.memory_space<vmem>>
      %dma_wait3A_40 = tpu.memref_slice %arg3[%mul3A_8] : memref<327680xi32, #tpu.memory_space<hbm>> -> memref<128xi32, #tpu.memory_space<hbm>>
      tpu.wait_dma2 semaphore(%run_scoped3A_25 : memref<!tpu.dma_semaphore, #tpu.memory_space<semaphore_mem>>) src(%dma_wait3A_40 : memref<128xi32, #tpu.memory_space<hbm>>) dst(%dma_wait3A_39 : memref<128xi32, #tpu.memory_space<vmem>>)
      tpu.yield
    }) : () -> ()
    %run_scoped3A_9 = arith.constant 0 : i32
    "tpu.region"() ({
      %run_scoped3A_25 = tpu.sem_alloc : memref<!tpu.dma_semaphore, #tpu.memory_space<semaphore_mem>>
      %dma_start3A_26 = arith.constant 0 : i32
      %dma_start3A_27 = tpu.memref_slice %arg8[%run_scoped3A_9, %dma_start3A_26] : memref<1x128xi32, #tpu.memory_space<vmem>> -> memref<1x128xi32, #tpu.memory_space<vmem>>
      %dma_start3A_28 = tpu.memref_squeeze %dma_start3A_27 : memref<1x128xi32, #tpu.memory_space<vmem>> -> memref<128xi32, #tpu.memory_space<vmem>>
      %dma_start3A_29 = tpu.memref_slice %arg4[%mul3A_8] : memref<327680xi32, #tpu.memory_space<hbm>> -> memref<128xi32, #tpu.memory_space<hbm>>
      %dma_start3A_30 = arith.constant 0 : i32
      %dma_start3A_31 = tpu.memref_slice %arg8[%run_scoped3A_9, %dma_start3A_30] : memref<1x128xi32, #tpu.memory_space<vmem>> -> memref<1x128xi32, #tpu.memory_space<vmem>>
      %dma_start3A_32 = tpu.memref_squeeze %dma_start3A_31 : memref<1x128xi32, #tpu.memory_space<vmem>> -> memref<128xi32, #tpu.memory_space<vmem>>
      %dma_start3A_33 = tpu.memref_slice %arg4[%mul3A_8] : memref<327680xi32, #tpu.memory_space<hbm>> -> memref<128xi32, #tpu.memory_space<hbm>>
      tpu.enqueue_dma source(%dma_start3A_33 : memref<128xi32, #tpu.memory_space<hbm>>) target(%dma_start3A_32 : memref<128xi32, #tpu.memory_space<vmem>>) target_semaphore(%run_scoped3A_25 : memref<!tpu.dma_semaphore, #tpu.memory_space<semaphore_mem>>)
      %dma_wait3A = arith.constant 0 : i32
      %dma_wait3A_34 = tpu.memref_slice %arg8[%run_scoped3A_9, %dma_wait3A] : memref<1x128xi32, #tpu.memory_space<vmem>> -> memref<1x128xi32, #tpu.memory_space<vmem>>
      %dma_wait3A_35 = tpu.memref_squeeze %dma_wait3A_34 : memref<1x128xi32, #tpu.memory_space<vmem>> -> memref<128xi32, #tpu.memory_space<vmem>>
      %dma_wait3A_36 = tpu.memref_slice %arg4[%mul3A_8] : memref<327680xi32, #tpu.memory_space<hbm>> -> memref<128xi32, #tpu.memory_space<hbm>>
      %dma_wait3A_37 = arith.constant 0 : i32
      %dma_wait3A_38 = tpu.memref_slice %arg8[%run_scoped3A_9, %dma_wait3A_37] : memref<1x128xi32, #tpu.memory_space<vmem>> -> memref<1x128xi32, #tpu.memory_space<vmem>>
      %dma_wait3A_39 = tpu.memref_squeeze %dma_wait3A_38 : memref<1x128xi32, #tpu.memory_space<vmem>> -> memref<128xi32, #tpu.memory_space<vmem>>
      %dma_wait3A_40 = tpu.memref_slice %arg4[%mul3A_8] : memref<327680xi32, #tpu.memory_space<hbm>> -> memref<128xi32, #tpu.memory_space<hbm>>
      tpu.wait_dma2 semaphore(%run_scoped3A_25 : memref<!tpu.dma_semaphore, #tpu.memory_space<semaphore_mem>>) src(%dma_wait3A_40 : memref<128xi32, #tpu.memory_space<hbm>>) dst(%dma_wait3A_39 : memref<128xi32, #tpu.memory_space<vmem>>)
      tpu.yield
    }) : () -> ()
    %dma_start3A = arith.constant 0 : i32
    %dma_start3A_10 = arith.constant 0 : i32
    %dma_start3A_11 = tpu.memref_slice %arg7[%dma_start3A, %dma_start3A_10] : memref<1x128xi32, #tpu.memory_space<vmem>> -> memref<1x128xi32, #tpu.memory_space<vmem>>
    %dma_start3A_12 = tpu.memref_squeeze %dma_start3A_11 : memref<1x128xi32, #tpu.memory_space<vmem>> -> memref<128xi32, #tpu.memory_space<vmem>>
    %dma_start3A_13 = arith.constant 0 : i32
    %dma_start3A_14 = arith.constant 0 : i32
    %dma_start3A_15 = tpu.memref_slice %arg2[%dma_start3A_13, %dma_start3A_14] : memref<10000x128xf32, #tpu.memory_space<hbm>> -> memref<10000x128xf32, #tpu.memory_space<hbm>>
    tpu.enqueue_indirect_dma source(%dma_start3A_15 : memref<10000x128xf32, #tpu.memory_space<hbm>>) target(%arg11 : memref<128x128xf32, #tpu.memory_space<vmem>>) offsets(%dma_start3A_12 : memref<128xi32, #tpu.memory_space<vmem>>) semaphore(%arg14 : memref<!tpu.dma_semaphore, #tpu.memory_space<semaphore_mem>>)
    %scan3A = arith.constant 0 : i32
    %scan3A_16 = arith.constant 0 : i32
    %scan3A_17 = arith.constant 40 : i32
    %scan3A_18 = arith.addi %scan3A_16, %scan3A_17 : i32
    %scan3A_19 = arith.constant 1 : i32
    scf.for %scan3A_25 = %scan3A_16 to %scan3A_18 step %scan3A_19  : i32 {
      %mul3A_26 = arith.constant 2 : i32
      %mul3A_27 = arith.muli %scan3A_25, %mul3A_26 : i32
      %add3A_28 = arith.constant 1 : i32
      %add3A_29 = arith.addi %mul3A_27, %add3A_28 : i32
      %mul3A_30 = arith.constant 80 : i32
      %mul3A_31 = arith.muli %add3A, %mul3A_30 : i32
      %add3A_32 = arith.addi %mul3A_31, %add3A_29 : i32
      %mul3A_33 = arith.constant 128 : i32
      %mul3A_34 = arith.muli %add3A_32, %mul3A_33 : i32
      %run_scoped3A_35 = arith.constant 0 : i32
      "tpu.region"() ({
        %run_scoped3A_61 = tpu.sem_alloc : memref<!tpu.dma_semaphore, #tpu.memory_space<semaphore_mem>>
        %dma_start3A_62 = arith.constant 0 : i32
        %dma_start3A_63 = tpu.memref_slice %arg9[%run_scoped3A_35, %dma_start3A_62] : memref<1x128xi32, #tpu.memory_space<vmem>> -> memref<1x128xi32, #tpu.memory_space<vmem>>
        %dma_start3A_64 = tpu.memref_squeeze %dma_start3A_63 : memref<1x128xi32, #tpu.memory_space<vmem>> -> memref<128xi32, #tpu.memory_space<vmem>>
        %dma_start3A_65 = tpu.memref_slice %arg3[%mul3A_34] : memref<327680xi32, #tpu.memory_space<hbm>> -> memref<128xi32, #tpu.memory_space<hbm>>
        %dma_start3A_66 = arith.constant 0 : i32
        %dma_start3A_67 = tpu.memref_slice %arg9[%run_scoped3A_35, %dma_start3A_66] : memref<1x128xi32, #tpu.memory_space<vmem>> -> memref<1x128xi32, #tpu.memory_space<vmem>>
        %dma_start3A_68 = tpu.memref_squeeze %dma_start3A_67 : memref<1x128xi32, #tpu.memory_space<vmem>> -> memref<128xi32, #tpu.memory_space<vmem>>
        %dma_start3A_69 = tpu.memref_slice %arg3[%mul3A_34] : memref<327680xi32, #tpu.memory_space<hbm>> -> memref<128xi32, #tpu.memory_space<hbm>>
        tpu.enqueue_dma source(%dma_start3A_69 : memref<128xi32, #tpu.memory_space<hbm>>) target(%dma_start3A_68 : memref<128xi32, #tpu.memory_space<vmem>>) target_semaphore(%run_scoped3A_61 : memref<!tpu.dma_semaphore, #tpu.memory_space<semaphore_mem>>)
        %dma_wait3A_70 = arith.constant 0 : i32
        %dma_wait3A_71 = tpu.memref_slice %arg9[%run_scoped3A_35, %dma_wait3A_70] : memref<1x128xi32, #tpu.memory_space<vmem>> -> memref<1x128xi32, #tpu.memory_space<vmem>>
        %dma_wait3A_72 = tpu.memref_squeeze %dma_wait3A_71 : memref<1x128xi32, #tpu.memory_space<vmem>> -> memref<128xi32, #tpu.memory_space<vmem>>
        %dma_wait3A_73 = tpu.memref_slice %arg3[%mul3A_34] : memref<327680xi32, #tpu.memory_space<hbm>> -> memref<128xi32, #tpu.memory_space<hbm>>
        %dma_wait3A_74 = arith.constant 0 : i32
        %dma_wait3A_75 = tpu.memref_slice %arg9[%run_scoped3A_35, %dma_wait3A_74] : memref<1x128xi32, #tpu.memory_space<vmem>> -> memref<1x128xi32, #tpu.memory_space<vmem>>
        %dma_wait3A_76 = tpu.memref_squeeze %dma_wait3A_75 : memref<1x128xi32, #tpu.memory_space<vmem>> -> memref<128xi32, #tpu.memory_space<vmem>>
        %dma_wait3A_77 = tpu.memref_slice %arg3[%mul3A_34] : memref<327680xi32, #tpu.memory_space<hbm>> -> memref<128xi32, #tpu.memory_space<hbm>>
        tpu.wait_dma2 semaphore(%run_scoped3A_61 : memref<!tpu.dma_semaphore, #tpu.memory_space<semaphore_mem>>) src(%dma_wait3A_77 : memref<128xi32, #tpu.memory_space<hbm>>) dst(%dma_wait3A_76 : memref<128xi32, #tpu.memory_space<vmem>>)
        tpu.yield
      }) : () -> ()
      %run_scoped3A_36 = arith.constant 0 : i32
      "tpu.region"() ({
        %run_scoped3A_61 = tpu.sem_alloc : memref<!tpu.dma_semaphore, #tpu.memory_space<semaphore_mem>>
        %dma_start3A_62 = arith.constant 0 : i32
        %dma_start3A_63 = tpu.memref_slice %arg10[%run_scoped3A_36, %dma_start3A_62] : memref<1x128xi32, #tpu.memory_space<vmem>> -> memref<1x128xi32, #tpu.memory_space<vmem>>
        %dma_start3A_64 = tpu.memref_squeeze %dma_start3A_63 : memref<1x128xi32, #tpu.memory_space<vmem>> -> memref<128xi32, #tpu.memory_space<vmem>>
        %dma_start3A_65 = tpu.memref_slice %arg4[%mul3A_34] : memref<327680xi32, #tpu.memory_space<hbm>> -> memref<128xi32, #tpu.memory_space<hbm>>
        %dma_start3A_66 = arith.constant 0 : i32
        %dma_start3A_67 = tpu.memref_slice %arg10[%run_scoped3A_36, %dma_start3A_66] : memref<1x128xi32, #tpu.memory_space<vmem>> -> memref<1x128xi32, #tpu.memory_space<vmem>>
        %dma_start3A_68 = tpu.memref_squeeze %dma_start3A_67 : memref<1x128xi32, #tpu.memory_space<vmem>> -> memref<128xi32, #tpu.memory_space<vmem>>
        %dma_start3A_69 = tpu.memref_slice %arg4[%mul3A_34] : memref<327680xi32, #tpu.memory_space<hbm>> -> memref<128xi32, #tpu.memory_space<hbm>>
        tpu.enqueue_dma source(%dma_start3A_69 : memref<128xi32, #tpu.memory_space<hbm>>) target(%dma_start3A_68 : memref<128xi32, #tpu.memory_space<vmem>>) target_semaphore(%run_scoped3A_61 : memref<!tpu.dma_semaphore, #tpu.memory_space<semaphore_mem>>)
        %dma_wait3A_70 = arith.constant 0 : i32
        %dma_wait3A_71 = tpu.memref_slice %arg10[%run_scoped3A_36, %dma_wait3A_70] : memref<1x128xi32, #tpu.memory_space<vmem>> -> memref<1x128xi32, #tpu.memory_space<vmem>>
        %dma_wait3A_72 = tpu.memref_squeeze %dma_wait3A_71 : memref<1x128xi32, #tpu.memory_space<vmem>> -> memref<128xi32, #tpu.memory_space<vmem>>
        %dma_wait3A_73 = tpu.memref_slice %arg4[%mul3A_34] : memref<327680xi32, #tpu.memory_space<hbm>> -> memref<128xi32, #tpu.memory_space<hbm>>
        %dma_wait3A_74 = arith.constant 0 : i32
        %dma_wait3A_75 = tpu.memref_slice %arg10[%run_scoped3A_36, %dma_wait3A_74] : memref<1x128xi32, #tpu.memory_space<vmem>> -> memref<1x128xi32, #tpu.memory_space<vmem>>
        %dma_wait3A_76 = tpu.memref_squeeze %dma_wait3A_75 : memref<1x128xi32, #tpu.memory_space<vmem>> -> memref<128xi32, #tpu.memory_space<vmem>>
        %dma_wait3A_77 = tpu.memref_slice %arg4[%mul3A_34] : memref<327680xi32, #tpu.memory_space<hbm>> -> memref<128xi32, #tpu.memory_space<hbm>>
        tpu.wait_dma2 semaphore(%run_scoped3A_61 : memref<!tpu.dma_semaphore, #tpu.memory_space<semaphore_mem>>) src(%dma_wait3A_77 : memref<128xi32, #tpu.memory_space<hbm>>) dst(%dma_wait3A_76 : memref<128xi32, #tpu.memory_space<vmem>>)
        tpu.yield
      }) : () -> ()
      %dma_start3A_37 = arith.constant 0 : i32
      %dma_start3A_38 = arith.constant 0 : i32
      %dma_start3A_39 = tpu.memref_slice %arg9[%dma_start3A_37, %dma_start3A_38] : memref<1x128xi32, #tpu.memory_space<vmem>> -> memref<1x128xi32, #tpu.memory_space<vmem>>
      %dma_start3A_40 = tpu.memref_squeeze %dma_start3A_39 : memref<1x128xi32, #tpu.memory_space<vmem>> -> memref<128xi32, #tpu.memory_space<vmem>>
      %dma_start3A_41 = arith.constant 0 : i32
      %dma_start3A_42 = arith.constant 0 : i32
      %dma_start3A_43 = tpu.memref_slice %arg2[%dma_start3A_41, %dma_start3A_42] : memref<10000x128xf32, #tpu.memory_space<hbm>> -> memref<10000x128xf32, #tpu.memory_space<hbm>>
      tpu.enqueue_indirect_dma source(%dma_start3A_43 : memref<10000x128xf32, #tpu.memory_space<hbm>>) target(%arg12 : memref<128x128xf32, #tpu.memory_space<vmem>>) offsets(%dma_start3A_40 : memref<128xi32, #tpu.memory_space<vmem>>) semaphore(%arg15 : memref<!tpu.dma_semaphore, #tpu.memory_space<semaphore_mem>>)
      %dma_wait3A = arith.constant 0 : i32
      %dma_wait3A_44 = arith.constant 0 : i32
      %dma_wait3A_45 = tpu.memref_slice %arg7[%dma_wait3A, %dma_wait3A_44] : memref<1x128xi32, #tpu.memory_space<vmem>> -> memref<1x128xi32, #tpu.memory_space<vmem>>
      %dma_wait3A_46 = tpu.memref_squeeze %dma_wait3A_45 : memref<1x128xi32, #tpu.memory_space<vmem>> -> memref<128xi32, #tpu.memory_space<vmem>>
      %dma_wait3A_47 = arith.constant 0 : i32
      %dma_wait3A_48 = arith.constant 0 : i32
      %dma_wait3A_49 = tpu.memref_slice %arg2[%dma_wait3A_47, %dma_wait3A_48] : memref<10000x128xf32, #tpu.memory_space<hbm>> -> memref<10000x128xf32, #tpu.memory_space<hbm>>
      tpu.wait_indirect_dma semaphore(%arg14 : memref<!tpu.dma_semaphore, #tpu.memory_space<semaphore_mem>>) src(%dma_wait3A_49 : memref<10000x128xf32, #tpu.memory_space<hbm>>) dst(%arg11 : memref<128x128xf32, #tpu.memory_space<vmem>>)
      %run_scoped3A_50 = arith.constant 0 : i32
      "tpu.region"() ({
        %run_scoped3A_61 = tpu.sem_alloc : memref<!tpu.dma_semaphore, #tpu.memory_space<semaphore_mem>>
        %dma_start3A_62 = arith.constant 0 : i32
        %dma_start3A_63 = tpu.memref_slice %arg8[%run_scoped3A_50, %dma_start3A_62] : memref<1x128xi32, #tpu.memory_space<vmem>> -> memref<1x128xi32, #tpu.memory_space<vmem>>
        %dma_start3A_64 = tpu.memref_squeeze %dma_start3A_63 : memref<1x128xi32, #tpu.memory_space<vmem>> -> memref<128xi32, #tpu.memory_space<vmem>>
        %dma_start3A_65 = arith.constant 0 : i32
        %dma_start3A_66 = arith.constant 0 : i32
        %dma_start3A_67 = tpu.memref_slice %arg13[%dma_start3A_65, %dma_start3A_66] : memref<10112x128xf32, #tpu.memory_space<vmem_shared>> -> memref<10112x128xf32, #tpu.memory_space<vmem_shared>>
        tpu.enqueue_indirect_dma source(%arg11 : memref<128x128xf32, #tpu.memory_space<vmem>>) target(%dma_start3A_67 : memref<10112x128xf32, #tpu.memory_space<vmem_shared>>) offsets(%dma_start3A_64 : memref<128xi32, #tpu.memory_space<vmem>>) semaphore(%run_scoped3A_61 : memref<!tpu.dma_semaphore, #tpu.memory_space<semaphore_mem>>) {add = true}
        %dma_wait3A_68 = arith.constant 0 : i32
        %dma_wait3A_69 = tpu.memref_slice %arg8[%run_scoped3A_50, %dma_wait3A_68] : memref<1x128xi32, #tpu.memory_space<vmem>> -> memref<1x128xi32, #tpu.memory_space<vmem>>
        %dma_wait3A_70 = tpu.memref_squeeze %dma_wait3A_69 : memref<1x128xi32, #tpu.memory_space<vmem>> -> memref<128xi32, #tpu.memory_space<vmem>>
        %dma_wait3A_71 = arith.constant 0 : i32
        %dma_wait3A_72 = arith.constant 0 : i32
        %dma_wait3A_73 = tpu.memref_slice %arg13[%dma_wait3A_71, %dma_wait3A_72] : memref<10112x128xf32, #tpu.memory_space<vmem_shared>> -> memref<10112x128xf32, #tpu.memory_space<vmem_shared>>
        tpu.wait_indirect_dma semaphore(%run_scoped3A_61 : memref<!tpu.dma_semaphore, #tpu.memory_space<semaphore_mem>>) src(%arg11 : memref<128x128xf32, #tpu.memory_space<vmem>>) dst(%dma_wait3A_73 : memref<10112x128xf32, #tpu.memory_space<vmem_shared>>)
        tpu.yield
      }) : () -> ()
      %lt3A = arith.constant 39 : i32
      %lt3A_51 = arith.cmpi slt, %scan3A_25, %lt3A : i32
      %convert_element_type3A = arith.extui %lt3A_51 : i1 to i32
      %cond3A = arith.constant 0 : i32
      %cond3A_52 = arith.cmpi ne, %convert_element_type3A, %cond3A : i32
      scf.if %cond3A_52 {
        %add3A_61 = arith.constant 2 : i32
        %add3A_62 = arith.addi %mul3A_27, %add3A_61 : i32
        %mul3A_63 = arith.constant 80 : i32
        %mul3A_64 = arith.muli %add3A, %mul3A_63 : i32
        %add3A_65 = arith.addi %mul3A_64, %add3A_62 : i32
        %mul3A_66 = arith.constant 128 : i32
        %mul3A_67 = arith.muli %add3A_65, %mul3A_66 : i32
        %run_scoped3A_68 = arith.constant 0 : i32
        "tpu.region"() ({
          %run_scoped3A_77 = tpu.sem_alloc : memref<!tpu.dma_semaphore, #tpu.memory_space<semaphore_mem>>
          %dma_start3A_78 = arith.constant 0 : i32
          %dma_start3A_79 = tpu.memref_slice %arg7[%run_scoped3A_68, %dma_start3A_78] : memref<1x128xi32, #tpu.memory_space<vmem>> -> memref<1x128xi32, #tpu.memory_space<vmem>>
          %dma_start3A_80 = tpu.memref_squeeze %dma_start3A_79 : memref<1x128xi32, #tpu.memory_space<vmem>> -> memref<128xi32, #tpu.memory_space<vmem>>
          %dma_start3A_81 = tpu.memref_slice %arg3[%mul3A_67] : memref<327680xi32, #tpu.memory_space<hbm>> -> memref<128xi32, #tpu.memory_space<hbm>>
          %dma_start3A_82 = arith.constant 0 : i32
          %dma_start3A_83 = tpu.memref_slice %arg7[%run_scoped3A_68, %dma_start3A_82] : memref<1x128xi32, #tpu.memory_space<vmem>> -> memref<1x128xi32, #tpu.memory_space<vmem>>
          %dma_start3A_84 = tpu.memref_squeeze %dma_start3A_83 : memref<1x128xi32, #tpu.memory_space<vmem>> -> memref<128xi32, #tpu.memory_space<vmem>>
          %dma_start3A_85 = tpu.memref_slice %arg3[%mul3A_67] : memref<327680xi32, #tpu.memory_space<hbm>> -> memref<128xi32, #tpu.memory_space<hbm>>
          tpu.enqueue_dma source(%dma_start3A_85 : memref<128xi32, #tpu.memory_space<hbm>>) target(%dma_start3A_84 : memref<128xi32, #tpu.memory_space<vmem>>) target_semaphore(%run_scoped3A_77 : memref<!tpu.dma_semaphore, #tpu.memory_space<semaphore_mem>>)
          %dma_wait3A_86 = arith.constant 0 : i32
          %dma_wait3A_87 = tpu.memref_slice %arg7[%run_scoped3A_68, %dma_wait3A_86] : memref<1x128xi32, #tpu.memory_space<vmem>> -> memref<1x128xi32, #tpu.memory_space<vmem>>
          %dma_wait3A_88 = tpu.memref_squeeze %dma_wait3A_87 : memref<1x128xi32, #tpu.memory_space<vmem>> -> memref<128xi32, #tpu.memory_space<vmem>>
          %dma_wait3A_89 = tpu.memref_slice %arg3[%mul3A_67] : memref<327680xi32, #tpu.memory_space<hbm>> -> memref<128xi32, #tpu.memory_space<hbm>>
          %dma_wait3A_90 = arith.constant 0 : i32
          %dma_wait3A_91 = tpu.memref_slice %arg7[%run_scoped3A_68, %dma_wait3A_90] : memref<1x128xi32, #tpu.memory_space<vmem>> -> memref<1x128xi32, #tpu.memory_space<vmem>>
          %dma_wait3A_92 = tpu.memref_squeeze %dma_wait3A_91 : memref<1x128xi32, #tpu.memory_space<vmem>> -> memref<128xi32, #tpu.memory_space<vmem>>
          %dma_wait3A_93 = tpu.memref_slice %arg3[%mul3A_67] : memref<327680xi32, #tpu.memory_space<hbm>> -> memref<128xi32, #tpu.memory_space<hbm>>
          tpu.wait_dma2 semaphore(%run_scoped3A_77 : memref<!tpu.dma_semaphore, #tpu.memory_space<semaphore_mem>>) src(%dma_wait3A_93 : memref<128xi32, #tpu.memory_space<hbm>>) dst(%dma_wait3A_92 : memref<128xi32, #tpu.memory_space<vmem>>)
          tpu.yield
        }) : () -> ()
        %run_scoped3A_69 = arith.constant 0 : i32
        "tpu.region"() ({
          %run_scoped3A_77 = tpu.sem_alloc : memref<!tpu.dma_semaphore, #tpu.memory_space<semaphore_mem>>
          %dma_start3A_78 = arith.constant 0 : i32
          %dma_start3A_79 = tpu.memref_slice %arg8[%run_scoped3A_69, %dma_start3A_78] : memref<1x128xi32, #tpu.memory_space<vmem>> -> memref<1x128xi32, #tpu.memory_space<vmem>>
          %dma_start3A_80 = tpu.memref_squeeze %dma_start3A_79 : memref<1x128xi32, #tpu.memory_space<vmem>> -> memref<128xi32, #tpu.memory_space<vmem>>
          %dma_start3A_81 = tpu.memref_slice %arg4[%mul3A_67] : memref<327680xi32, #tpu.memory_space<hbm>> -> memref<128xi32, #tpu.memory_space<hbm>>
          %dma_start3A_82 = arith.constant 0 : i32
          %dma_start3A_83 = tpu.memref_slice %arg8[%run_scoped3A_69, %dma_start3A_82] : memref<1x128xi32, #tpu.memory_space<vmem>> -> memref<1x128xi32, #tpu.memory_space<vmem>>
          %dma_start3A_84 = tpu.memref_squeeze %dma_start3A_83 : memref<1x128xi32, #tpu.memory_space<vmem>> -> memref<128xi32, #tpu.memory_space<vmem>>
          %dma_start3A_85 = tpu.memref_slice %arg4[%mul3A_67] : memref<327680xi32, #tpu.memory_space<hbm>> -> memref<128xi32, #tpu.memory_space<hbm>>
          tpu.enqueue_dma source(%dma_start3A_85 : memref<128xi32, #tpu.memory_space<hbm>>) target(%dma_start3A_84 : memref<128xi32, #tpu.memory_space<vmem>>) target_semaphore(%run_scoped3A_77 : memref<!tpu.dma_semaphore, #tpu.memory_space<semaphore_mem>>)
          %dma_wait3A_86 = arith.constant 0 : i32
          %dma_wait3A_87 = tpu.memref_slice %arg8[%run_scoped3A_69, %dma_wait3A_86] : memref<1x128xi32, #tpu.memory_space<vmem>> -> memref<1x128xi32, #tpu.memory_space<vmem>>
          %dma_wait3A_88 = tpu.memref_squeeze %dma_wait3A_87 : memref<1x128xi32, #tpu.memory_space<vmem>> -> memref<128xi32, #tpu.memory_space<vmem>>
          %dma_wait3A_89 = tpu.memref_slice %arg4[%mul3A_67] : memref<327680xi32, #tpu.memory_space<hbm>> -> memref<128xi32, #tpu.memory_space<hbm>>
          %dma_wait3A_90 = arith.constant 0 : i32
          %dma_wait3A_91 = tpu.memref_slice %arg8[%run_scoped3A_69, %dma_wait3A_90] : memref<1x128xi32, #tpu.memory_space<vmem>> -> memref<1x128xi32, #tpu.memory_space<vmem>>
          %dma_wait3A_92 = tpu.memref_squeeze %dma_wait3A_91 : memref<1x128xi32, #tpu.memory_space<vmem>> -> memref<128xi32, #tpu.memory_space<vmem>>
          %dma_wait3A_93 = tpu.memref_slice %arg4[%mul3A_67] : memref<327680xi32, #tpu.memory_space<hbm>> -> memref<128xi32, #tpu.memory_space<hbm>>
          tpu.wait_dma2 semaphore(%run_scoped3A_77 : memref<!tpu.dma_semaphore, #tpu.memory_space<semaphore_mem>>) src(%dma_wait3A_93 : memref<128xi32, #tpu.memory_space<hbm>>) dst(%dma_wait3A_92 : memref<128xi32, #tpu.memory_space<vmem>>)
          tpu.yield
        }) : () -> ()
        %dma_start3A_70 = arith.constant 0 : i32
        %dma_start3A_71 = arith.constant 0 : i32
        %dma_start3A_72 = tpu.memref_slice %arg7[%dma_start3A_70, %dma_start3A_71] : memref<1x128xi32, #tpu.memory_space<vmem>> -> memref<1x128xi32, #tpu.memory_space<vmem>>
        %dma_start3A_73 = tpu.memref_squeeze %dma_start3A_72 : memref<1x128xi32, #tpu.memory_space<vmem>> -> memref<128xi32, #tpu.memory_space<vmem>>
        %dma_start3A_74 = arith.constant 0 : i32
        %dma_start3A_75 = arith.constant 0 : i32
        %dma_start3A_76 = tpu.memref_slice %arg2[%dma_start3A_74, %dma_start3A_75] : memref<10000x128xf32, #tpu.memory_space<hbm>> -> memref<10000x128xf32, #tpu.memory_space<hbm>>
        tpu.enqueue_indirect_dma source(%dma_start3A_76 : memref<10000x128xf32, #tpu.memory_space<hbm>>) target(%arg11 : memref<128x128xf32, #tpu.memory_space<vmem>>) offsets(%dma_start3A_73 : memref<128xi32, #tpu.memory_space<vmem>>) semaphore(%arg14 : memref<!tpu.dma_semaphore, #tpu.memory_space<semaphore_mem>>)
      } else {
      }
      %dma_wait3A_53 = arith.constant 0 : i32
      %dma_wait3A_54 = arith.constant 0 : i32
      %dma_wait3A_55 = tpu.memref_slice %arg9[%dma_wait3A_53, %dma_wait3A_54] : memref<1x128xi32, #tpu.memory_space<vmem>> -> memref<1x128xi32, #tpu.memory_space<vmem>>
      %dma_wait3A_56 = tpu.memref_squeeze %dma_wait3A_55 : memref<1x128xi32, #tpu.memory_space<vmem>> -> memref<128xi32, #tpu.memory_space<vmem>>
      %dma_wait3A_57 = arith.constant 0 : i32
      %dma_wait3A_58 = arith.constant 0 : i32
      %dma_wait3A_59 = tpu.memref_slice %arg2[%dma_wait3A_57, %dma_wait3A_58] : memref<10000x128xf32, #tpu.memory_space<hbm>> -> memref<10000x128xf32, #tpu.memory_space<hbm>>
      tpu.wait_indirect_dma semaphore(%arg15 : memref<!tpu.dma_semaphore, #tpu.memory_space<semaphore_mem>>) src(%dma_wait3A_59 : memref<10000x128xf32, #tpu.memory_space<hbm>>) dst(%arg12 : memref<128x128xf32, #tpu.memory_space<vmem>>)
      %run_scoped3A_60 = arith.constant 0 : i32
      "tpu.region"() ({
        %run_scoped3A_61 = tpu.sem_alloc : memref<!tpu.dma_semaphore, #tpu.memory_space<semaphore_mem>>
        %dma_start3A_62 = arith.constant 0 : i32
        %dma_start3A_63 = tpu.memref_slice %arg10[%run_scoped3A_60, %dma_start3A_62] : memref<1x128xi32, #tpu.memory_space<vmem>> -> memref<1x128xi32, #tpu.memory_space<vmem>>
        %dma_start3A_64 = tpu.memref_squeeze %dma_start3A_63 : memref<1x128xi32, #tpu.memory_space<vmem>> -> memref<128xi32, #tpu.memory_space<vmem>>
        %dma_start3A_65 = arith.constant 0 : i32
        %dma_start3A_66 = arith.constant 0 : i32
        %dma_start3A_67 = tpu.memref_slice %arg13[%dma_start3A_65, %dma_start3A_66] : memref<10112x128xf32, #tpu.memory_space<vmem_shared>> -> memref<10112x128xf32, #tpu.memory_space<vmem_shared>>
        tpu.enqueue_indirect_dma source(%arg12 : memref<128x128xf32, #tpu.memory_space<vmem>>) target(%dma_start3A_67 : memref<10112x128xf32, #tpu.memory_space<vmem_shared>>) offsets(%dma_start3A_64 : memref<128xi32, #tpu.memory_space<vmem>>) semaphore(%run_scoped3A_61 : memref<!tpu.dma_semaphore, #tpu.memory_space<semaphore_mem>>) {add = true}
        %dma_wait3A_68 = arith.constant 0 : i32
        %dma_wait3A_69 = tpu.memref_slice %arg10[%run_scoped3A_60, %dma_wait3A_68] : memref<1x128xi32, #tpu.memory_space<vmem>> -> memref<1x128xi32, #tpu.memory_space<vmem>>
        %dma_wait3A_70 = tpu.memref_squeeze %dma_wait3A_69 : memref<1x128xi32, #tpu.memory_space<vmem>> -> memref<128xi32, #tpu.memory_space<vmem>>
        %dma_wait3A_71 = arith.constant 0 : i32
        %dma_wait3A_72 = arith.constant 0 : i32
        %dma_wait3A_73 = tpu.memref_slice %arg13[%dma_wait3A_71, %dma_wait3A_72] : memref<10112x128xf32, #tpu.memory_space<vmem_shared>> -> memref<10112x128xf32, #tpu.memory_space<vmem_shared>>
        tpu.wait_indirect_dma semaphore(%run_scoped3A_61 : memref<!tpu.dma_semaphore, #tpu.memory_space<semaphore_mem>>) src(%arg12 : memref<128x128xf32, #tpu.memory_space<vmem>>) dst(%dma_wait3A_73 : memref<10112x128xf32, #tpu.memory_space<vmem_shared>>)
        tpu.yield
      }) : () -> ()
    }
    %scan3A_20 = arith.constant 40 : i32
    %barrier3A_21 = arith.constant 0 : index
    tpu.barrier barrier_id(%barrier3A_21)
    %mul3A_22 = arith.constant 10112 : i32
    %mul3A_23 = arith.muli %arg0, %mul3A_22 : i32
    %add3A_24 = arith.addi %mul3A_23, %mul3A_2 : i32
    "tpu.region"() ({
      %run_scoped3A_25 = tpu.sem_alloc : memref<!tpu.dma_semaphore, #tpu.memory_space<semaphore_mem>>
      %dma_start3A_26 = arith.constant 0 : i32
      %dma_start3A_27 = tpu.memref_slice %arg6[%add3A_24, %dma_start3A_26] : memref<20224x128xf32, #tpu.memory_space<hbm>> -> memref<632x128xf32, #tpu.memory_space<hbm>>
      %dma_start3A_28 = arith.constant 0 : i32
      %dma_start3A_29 = tpu.memref_slice %arg13[%mul3A_2, %dma_start3A_28] : memref<10112x128xf32, #tpu.memory_space<vmem_shared>> -> memref<632x128xf32, #tpu.memory_space<vmem_shared>>
      tpu.enqueue_dma source(%dma_start3A_29 : memref<632x128xf32, #tpu.memory_space<vmem_shared>>) target(%dma_start3A_27 : memref<632x128xf32, #tpu.memory_space<hbm>>) target_semaphore(%run_scoped3A_25 : memref<!tpu.dma_semaphore, #tpu.memory_space<semaphore_mem>>)
      %dma_wait3A = arith.constant 0 : i32
      %dma_wait3A_30 = tpu.memref_slice %arg6[%add3A_24, %dma_wait3A] : memref<20224x128xf32, #tpu.memory_space<hbm>> -> memref<632x128xf32, #tpu.memory_space<hbm>>
      %dma_wait3A_31 = arith.constant 0 : i32
      %dma_wait3A_32 = tpu.memref_slice %arg13[%mul3A_2, %dma_wait3A_31] : memref<10112x128xf32, #tpu.memory_space<vmem_shared>> -> memref<632x128xf32, #tpu.memory_space<vmem_shared>>
      tpu.wait_dma2 semaphore(%run_scoped3A_25 : memref<!tpu.dma_semaphore, #tpu.memory_space<semaphore_mem>>) src(%dma_wait3A_32 : memref<632x128xf32, #tpu.memory_space<vmem_shared>>) dst(%dma_wait3A_30 : memref<632x128xf32, #tpu.memory_space<hbm>>)
      tpu.yield
    }) : () -> ()
    return
  }
}

#map = affine_map<(d0, d1) -> (0, 0)>
#map1 = affine_map<(d0, d1) -> (0)>
module attributes {stable_mosaic.version = 14 : i64} {
  func.func @_gather_agg_body(%arg0: i32, %arg1: i32, %arg2: memref<10000x128xf32, #tpu.memory_space<hbm>>, %arg3: memref<327680xi32, #tpu.memory_space<hbm>>, %arg4: memref<327680xi32, #tpu.memory_space<hbm>>, %arg5: memref<10112x128xf32, #tpu.memory_space<hbm>>, %arg6: memref<20224x128xf32, #tpu.memory_space<hbm>>, %arg7: memref<1x128xi32, #tpu.memory_space<vmem>>, %arg8: memref<1x128xi32, #tpu.memory_space<vmem>>, %arg9: memref<1x128xi32, #tpu.memory_space<vmem>>, %arg10: memref<1x128xi32, #tpu.memory_space<vmem>>, %arg11: memref<128x128xf32, #tpu.memory_space<vmem>>, %arg12: memref<128x128xf32, #tpu.memory_space<vmem>>, %arg13: memref<10112x128xf32, #tpu.memory_space<vmem_shared>>, %arg14: memref<!tpu.dma_semaphore, #tpu.memory_space<semaphore_mem>>, %arg15: memref<!tpu.dma_semaphore, #tpu.memory_space<semaphore_mem>>) attributes {dimension_semantics = [#tpu.dimension_semantics<core_parallel>, #tpu.dimension_semantics<subcore_parallel>], iteration_bounds = array<i64: 2, 16>, scalar_prefetch = 0 : i64, scratch_operands = 9 : i64, tpu.core_type = #tpu.core_type<sc_vector_subcore>, window_params = [{transform_indices = #map}, {transform_indices = #map1}, {transform_indices = #map1}, {transform_indices = #map}, {transform_indices = #map}]} {
    %mul3A = arith.constant 16 : i32
    %mul3A_0 = arith.muli %arg0, %mul3A : i32
    %add3A = arith.addi %mul3A_0, %arg1 : i32
    %mul3A_1 = arith.constant 632 : i32
    %mul3A_2 = arith.muli %arg1, %mul3A_1 : i32
    "tpu.region"() ({
      %run_scoped3A_25 = tpu.sem_alloc : memref<!tpu.dma_semaphore, #tpu.memory_space<semaphore_mem>>
      %dma_start3A_26 = arith.constant 0 : i32
      %dma_start3A_27 = tpu.memref_slice %arg13[%mul3A_2, %dma_start3A_26] : memref<10112x128xf32, #tpu.memory_space<vmem_shared>> -> memref<632x128xf32, #tpu.memory_space<vmem_shared>>
      %dma_start3A_28 = arith.constant 0 : i32
      %dma_start3A_29 = tpu.memref_slice %arg5[%mul3A_2, %dma_start3A_28] : memref<10112x128xf32, #tpu.memory_space<hbm>> -> memref<632x128xf32, #tpu.memory_space<hbm>>
      tpu.enqueue_dma source(%dma_start3A_29 : memref<632x128xf32, #tpu.memory_space<hbm>>) target(%dma_start3A_27 : memref<632x128xf32, #tpu.memory_space<vmem_shared>>) target_semaphore(%run_scoped3A_25 : memref<!tpu.dma_semaphore, #tpu.memory_space<semaphore_mem>>)
      %dma_wait3A = arith.constant 0 : i32
      %dma_wait3A_30 = tpu.memref_slice %arg13[%mul3A_2, %dma_wait3A] : memref<10112x128xf32, #tpu.memory_space<vmem_shared>> -> memref<632x128xf32, #tpu.memory_space<vmem_shared>>
      %dma_wait3A_31 = arith.constant 0 : i32
      %dma_wait3A_32 = tpu.memref_slice %arg5[%mul3A_2, %dma_wait3A_31] : memref<10112x128xf32, #tpu.memory_space<hbm>> -> memref<632x128xf32, #tpu.memory_space<hbm>>
      tpu.wait_dma2 semaphore(%run_scoped3A_25 : memref<!tpu.dma_semaphore, #tpu.memory_space<semaphore_mem>>) src(%dma_wait3A_32 : memref<632x128xf32, #tpu.memory_space<hbm>>) dst(%dma_wait3A_30 : memref<632x128xf32, #tpu.memory_space<vmem_shared>>)
      tpu.yield
    }) : () -> ()
    %barrier3A = arith.constant 0 : index
    tpu.barrier barrier_id(%barrier3A)
    %mul3A_3 = arith.constant 80 : i32
    %mul3A_4 = arith.muli %add3A, %mul3A_3 : i32
    %add3A_5 = arith.constant 0 : i32
    %add3A_6 = arith.addi %mul3A_4, %add3A_5 : i32
    %mul3A_7 = arith.constant 128 : i32
    %mul3A_8 = arith.muli %add3A_6, %mul3A_7 : i32
    %run_scoped3A = arith.constant 0 : i32
    "tpu.region"() ({
      %run_scoped3A_25 = tpu.sem_alloc : memref<!tpu.dma_semaphore, #tpu.memory_space<semaphore_mem>>
      %dma_start3A_26 = arith.constant 0 : i32
      %dma_start3A_27 = tpu.memref_slice %arg7[%run_scoped3A, %dma_start3A_26] : memref<1x128xi32, #tpu.memory_space<vmem>> -> memref<1x128xi32, #tpu.memory_space<vmem>>
      %dma_start3A_28 = tpu.memref_squeeze %dma_start3A_27 : memref<1x128xi32, #tpu.memory_space<vmem>> -> memref<128xi32, #tpu.memory_space<vmem>>
      %dma_start3A_29 = tpu.memref_slice %arg3[%mul3A_8] : memref<327680xi32, #tpu.memory_space<hbm>> -> memref<128xi32, #tpu.memory_space<hbm>>
      %dma_start3A_30 = arith.constant 0 : i32
      %dma_start3A_31 = tpu.memref_slice %arg7[%run_scoped3A, %dma_start3A_30] : memref<1x128xi32, #tpu.memory_space<vmem>> -> memref<1x128xi32, #tpu.memory_space<vmem>>
      %dma_start3A_32 = tpu.memref_squeeze %dma_start3A_31 : memref<1x128xi32, #tpu.memory_space<vmem>> -> memref<128xi32, #tpu.memory_space<vmem>>
      %dma_start3A_33 = tpu.memref_slice %arg3[%mul3A_8] : memref<327680xi32, #tpu.memory_space<hbm>> -> memref<128xi32, #tpu.memory_space<hbm>>
      tpu.enqueue_dma source(%dma_start3A_33 : memref<128xi32, #tpu.memory_space<hbm>>) target(%dma_start3A_32 : memref<128xi32, #tpu.memory_space<vmem>>) target_semaphore(%run_scoped3A_25 : memref<!tpu.dma_semaphore, #tpu.memory_space<semaphore_mem>>)
      %dma_wait3A = arith.constant 0 : i32
      %dma_wait3A_34 = tpu.memref_slice %arg7[%run_scoped3A, %dma_wait3A] : memref<1x128xi32, #tpu.memory_space<vmem>> -> memref<1x128xi32, #tpu.memory_space<vmem>>
      %dma_wait3A_35 = tpu.memref_squeeze %dma_wait3A_34 : memref<1x128xi32, #tpu.memory_space<vmem>> -> memref<128xi32, #tpu.memory_space<vmem>>
      %dma_wait3A_36 = tpu.memref_slice %arg3[%mul3A_8] : memref<327680xi32, #tpu.memory_space<hbm>> -> memref<128xi32, #tpu.memory_space<hbm>>
      %dma_wait3A_37 = arith.constant 0 : i32
      %dma_wait3A_38 = tpu.memref_slice %arg7[%run_scoped3A, %dma_wait3A_37] : memref<1x128xi32, #tpu.memory_space<vmem>> -> memref<1x128xi32, #tpu.memory_space<vmem>>
      %dma_wait3A_39 = tpu.memref_squeeze %dma_wait3A_38 : memref<1x128xi32, #tpu.memory_space<vmem>> -> memref<128xi32, #tpu.memory_space<vmem>>
      %dma_wait3A_40 = tpu.memref_slice %arg3[%mul3A_8] : memref<327680xi32, #tpu.memory_space<hbm>> -> memref<128xi32, #tpu.memory_space<hbm>>
      tpu.wait_dma2 semaphore(%run_scoped3A_25 : memref<!tpu.dma_semaphore, #tpu.memory_space<semaphore_mem>>) src(%dma_wait3A_40 : memref<128xi32, #tpu.memory_space<hbm>>) dst(%dma_wait3A_39 : memref<128xi32, #tpu.memory_space<vmem>>)
      tpu.yield
    }) : () -> ()
    %run_scoped3A_9 = arith.constant 0 : i32
    "tpu.region"() ({
      %run_scoped3A_25 = tpu.sem_alloc : memref<!tpu.dma_semaphore, #tpu.memory_space<semaphore_mem>>
      %dma_start3A_26 = arith.constant 0 : i32
      %dma_start3A_27 = tpu.memref_slice %arg8[%run_scoped3A_9, %dma_start3A_26] : memref<1x128xi32, #tpu.memory_space<vmem>> -> memref<1x128xi32, #tpu.memory_space<vmem>>
      %dma_start3A_28 = tpu.memref_squeeze %dma_start3A_27 : memref<1x128xi32, #tpu.memory_space<vmem>> -> memref<128xi32, #tpu.memory_space<vmem>>
      %dma_start3A_29 = tpu.memref_slice %arg4[%mul3A_8] : memref<327680xi32, #tpu.memory_space<hbm>> -> memref<128xi32, #tpu.memory_space<hbm>>
      %dma_start3A_30 = arith.constant 0 : i32
      %dma_start3A_31 = tpu.memref_slice %arg8[%run_scoped3A_9, %dma_start3A_30] : memref<1x128xi32, #tpu.memory_space<vmem>> -> memref<1x128xi32, #tpu.memory_space<vmem>>
      %dma_start3A_32 = tpu.memref_squeeze %dma_start3A_31 : memref<1x128xi32, #tpu.memory_space<vmem>> -> memref<128xi32, #tpu.memory_space<vmem>>
      %dma_start3A_33 = tpu.memref_slice %arg4[%mul3A_8] : memref<327680xi32, #tpu.memory_space<hbm>> -> memref<128xi32, #tpu.memory_space<hbm>>
      tpu.enqueue_dma source(%dma_start3A_33 : memref<128xi32, #tpu.memory_space<hbm>>) target(%dma_start3A_32 : memref<128xi32, #tpu.memory_space<vmem>>) target_semaphore(%run_scoped3A_25 : memref<!tpu.dma_semaphore, #tpu.memory_space<semaphore_mem>>)
      %dma_wait3A = arith.constant 0 : i32
      %dma_wait3A_34 = tpu.memref_slice %arg8[%run_scoped3A_9, %dma_wait3A] : memref<1x128xi32, #tpu.memory_space<vmem>> -> memref<1x128xi32, #tpu.memory_space<vmem>>
      %dma_wait3A_35 = tpu.memref_squeeze %dma_wait3A_34 : memref<1x128xi32, #tpu.memory_space<vmem>> -> memref<128xi32, #tpu.memory_space<vmem>>
      %dma_wait3A_36 = tpu.memref_slice %arg4[%mul3A_8] : memref<327680xi32, #tpu.memory_space<hbm>> -> memref<128xi32, #tpu.memory_space<hbm>>
      %dma_wait3A_37 = arith.constant 0 : i32
      %dma_wait3A_38 = tpu.memref_slice %arg8[%run_scoped3A_9, %dma_wait3A_37] : memref<1x128xi32, #tpu.memory_space<vmem>> -> memref<1x128xi32, #tpu.memory_space<vmem>>
      %dma_wait3A_39 = tpu.memref_squeeze %dma_wait3A_38 : memref<1x128xi32, #tpu.memory_space<vmem>> -> memref<128xi32, #tpu.memory_space<vmem>>
      %dma_wait3A_40 = tpu.memref_slice %arg4[%mul3A_8] : memref<327680xi32, #tpu.memory_space<hbm>> -> memref<128xi32, #tpu.memory_space<hbm>>
      tpu.wait_dma2 semaphore(%run_scoped3A_25 : memref<!tpu.dma_semaphore, #tpu.memory_space<semaphore_mem>>) src(%dma_wait3A_40 : memref<128xi32, #tpu.memory_space<hbm>>) dst(%dma_wait3A_39 : memref<128xi32, #tpu.memory_space<vmem>>)
      tpu.yield
    }) : () -> ()
    %dma_start3A = arith.constant 0 : i32
    %dma_start3A_10 = arith.constant 0 : i32
    %dma_start3A_11 = tpu.memref_slice %arg7[%dma_start3A, %dma_start3A_10] : memref<1x128xi32, #tpu.memory_space<vmem>> -> memref<1x128xi32, #tpu.memory_space<vmem>>
    %dma_start3A_12 = tpu.memref_squeeze %dma_start3A_11 : memref<1x128xi32, #tpu.memory_space<vmem>> -> memref<128xi32, #tpu.memory_space<vmem>>
    %dma_start3A_13 = arith.constant 0 : i32
    %dma_start3A_14 = arith.constant 0 : i32
    %dma_start3A_15 = tpu.memref_slice %arg2[%dma_start3A_13, %dma_start3A_14] : memref<10000x128xf32, #tpu.memory_space<hbm>> -> memref<10000x128xf32, #tpu.memory_space<hbm>>
    tpu.enqueue_indirect_dma source(%dma_start3A_15 : memref<10000x128xf32, #tpu.memory_space<hbm>>) target(%arg11 : memref<128x128xf32, #tpu.memory_space<vmem>>) offsets(%dma_start3A_12 : memref<128xi32, #tpu.memory_space<vmem>>) semaphore(%arg14 : memref<!tpu.dma_semaphore, #tpu.memory_space<semaphore_mem>>)
    %scan3A = arith.constant 0 : i32
    %scan3A_16 = arith.constant 0 : i32
    %scan3A_17 = arith.constant 40 : i32
    %scan3A_18 = arith.addi %scan3A_16, %scan3A_17 : i32
    %scan3A_19 = arith.constant 1 : i32
    scf.for %scan3A_25 = %scan3A_16 to %scan3A_18 step %scan3A_19  : i32 {
      %mul3A_26 = arith.constant 2 : i32
      %mul3A_27 = arith.muli %scan3A_25, %mul3A_26 : i32
      %add3A_28 = arith.constant 1 : i32
      %add3A_29 = arith.addi %mul3A_27, %add3A_28 : i32
      %mul3A_30 = arith.constant 80 : i32
      %mul3A_31 = arith.muli %add3A, %mul3A_30 : i32
      %add3A_32 = arith.addi %mul3A_31, %add3A_29 : i32
      %mul3A_33 = arith.constant 128 : i32
      %mul3A_34 = arith.muli %add3A_32, %mul3A_33 : i32
      %run_scoped3A_35 = arith.constant 0 : i32
      "tpu.region"() ({
        %run_scoped3A_61 = tpu.sem_alloc : memref<!tpu.dma_semaphore, #tpu.memory_space<semaphore_mem>>
        %dma_start3A_62 = arith.constant 0 : i32
        %dma_start3A_63 = tpu.memref_slice %arg9[%run_scoped3A_35, %dma_start3A_62] : memref<1x128xi32, #tpu.memory_space<vmem>> -> memref<1x128xi32, #tpu.memory_space<vmem>>
        %dma_start3A_64 = tpu.memref_squeeze %dma_start3A_63 : memref<1x128xi32, #tpu.memory_space<vmem>> -> memref<128xi32, #tpu.memory_space<vmem>>
        %dma_start3A_65 = tpu.memref_slice %arg3[%mul3A_34] : memref<327680xi32, #tpu.memory_space<hbm>> -> memref<128xi32, #tpu.memory_space<hbm>>
        %dma_start3A_66 = arith.constant 0 : i32
        %dma_start3A_67 = tpu.memref_slice %arg9[%run_scoped3A_35, %dma_start3A_66] : memref<1x128xi32, #tpu.memory_space<vmem>> -> memref<1x128xi32, #tpu.memory_space<vmem>>
        %dma_start3A_68 = tpu.memref_squeeze %dma_start3A_67 : memref<1x128xi32, #tpu.memory_space<vmem>> -> memref<128xi32, #tpu.memory_space<vmem>>
        %dma_start3A_69 = tpu.memref_slice %arg3[%mul3A_34] : memref<327680xi32, #tpu.memory_space<hbm>> -> memref<128xi32, #tpu.memory_space<hbm>>
        tpu.enqueue_dma source(%dma_start3A_69 : memref<128xi32, #tpu.memory_space<hbm>>) target(%dma_start3A_68 : memref<128xi32, #tpu.memory_space<vmem>>) target_semaphore(%run_scoped3A_61 : memref<!tpu.dma_semaphore, #tpu.memory_space<semaphore_mem>>)
        %dma_wait3A_70 = arith.constant 0 : i32
        %dma_wait3A_71 = tpu.memref_slice %arg9[%run_scoped3A_35, %dma_wait3A_70] : memref<1x128xi32, #tpu.memory_space<vmem>> -> memref<1x128xi32, #tpu.memory_space<vmem>>
        %dma_wait3A_72 = tpu.memref_squeeze %dma_wait3A_71 : memref<1x128xi32, #tpu.memory_space<vmem>> -> memref<128xi32, #tpu.memory_space<vmem>>
        %dma_wait3A_73 = tpu.memref_slice %arg3[%mul3A_34] : memref<327680xi32, #tpu.memory_space<hbm>> -> memref<128xi32, #tpu.memory_space<hbm>>
        %dma_wait3A_74 = arith.constant 0 : i32
        %dma_wait3A_75 = tpu.memref_slice %arg9[%run_scoped3A_35, %dma_wait3A_74] : memref<1x128xi32, #tpu.memory_space<vmem>> -> memref<1x128xi32, #tpu.memory_space<vmem>>
        %dma_wait3A_76 = tpu.memref_squeeze %dma_wait3A_75 : memref<1x128xi32, #tpu.memory_space<vmem>> -> memref<128xi32, #tpu.memory_space<vmem>>
        %dma_wait3A_77 = tpu.memref_slice %arg3[%mul3A_34] : memref<327680xi32, #tpu.memory_space<hbm>> -> memref<128xi32, #tpu.memory_space<hbm>>
        tpu.wait_dma2 semaphore(%run_scoped3A_61 : memref<!tpu.dma_semaphore, #tpu.memory_space<semaphore_mem>>) src(%dma_wait3A_77 : memref<128xi32, #tpu.memory_space<hbm>>) dst(%dma_wait3A_76 : memref<128xi32, #tpu.memory_space<vmem>>)
        tpu.yield
      }) : () -> ()
      %run_scoped3A_36 = arith.constant 0 : i32
      "tpu.region"() ({
        %run_scoped3A_61 = tpu.sem_alloc : memref<!tpu.dma_semaphore, #tpu.memory_space<semaphore_mem>>
        %dma_start3A_62 = arith.constant 0 : i32
        %dma_start3A_63 = tpu.memref_slice %arg10[%run_scoped3A_36, %dma_start3A_62] : memref<1x128xi32, #tpu.memory_space<vmem>> -> memref<1x128xi32, #tpu.memory_space<vmem>>
        %dma_start3A_64 = tpu.memref_squeeze %dma_start3A_63 : memref<1x128xi32, #tpu.memory_space<vmem>> -> memref<128xi32, #tpu.memory_space<vmem>>
        %dma_start3A_65 = tpu.memref_slice %arg4[%mul3A_34] : memref<327680xi32, #tpu.memory_space<hbm>> -> memref<128xi32, #tpu.memory_space<hbm>>
        %dma_start3A_66 = arith.constant 0 : i32
        %dma_start3A_67 = tpu.memref_slice %arg10[%run_scoped3A_36, %dma_start3A_66] : memref<1x128xi32, #tpu.memory_space<vmem>> -> memref<1x128xi32, #tpu.memory_space<vmem>>
        %dma_start3A_68 = tpu.memref_squeeze %dma_start3A_67 : memref<1x128xi32, #tpu.memory_space<vmem>> -> memref<128xi32, #tpu.memory_space<vmem>>
        %dma_start3A_69 = tpu.memref_slice %arg4[%mul3A_34] : memref<327680xi32, #tpu.memory_space<hbm>> -> memref<128xi32, #tpu.memory_space<hbm>>
        tpu.enqueue_dma source(%dma_start3A_69 : memref<128xi32, #tpu.memory_space<hbm>>) target(%dma_start3A_68 : memref<128xi32, #tpu.memory_space<vmem>>) target_semaphore(%run_scoped3A_61 : memref<!tpu.dma_semaphore, #tpu.memory_space<semaphore_mem>>)
        %dma_wait3A_70 = arith.constant 0 : i32
        %dma_wait3A_71 = tpu.memref_slice %arg10[%run_scoped3A_36, %dma_wait3A_70] : memref<1x128xi32, #tpu.memory_space<vmem>> -> memref<1x128xi32, #tpu.memory_space<vmem>>
        %dma_wait3A_72 = tpu.memref_squeeze %dma_wait3A_71 : memref<1x128xi32, #tpu.memory_space<vmem>> -> memref<128xi32, #tpu.memory_space<vmem>>
        %dma_wait3A_73 = tpu.memref_slice %arg4[%mul3A_34] : memref<327680xi32, #tpu.memory_space<hbm>> -> memref<128xi32, #tpu.memory_space<hbm>>
        %dma_wait3A_74 = arith.constant 0 : i32
        %dma_wait3A_75 = tpu.memref_slice %arg10[%run_scoped3A_36, %dma_wait3A_74] : memref<1x128xi32, #tpu.memory_space<vmem>> -> memref<1x128xi32, #tpu.memory_space<vmem>>
        %dma_wait3A_76 = tpu.memref_squeeze %dma_wait3A_75 : memref<1x128xi32, #tpu.memory_space<vmem>> -> memref<128xi32, #tpu.memory_space<vmem>>
        %dma_wait3A_77 = tpu.memref_slice %arg4[%mul3A_34] : memref<327680xi32, #tpu.memory_space<hbm>> -> memref<128xi32, #tpu.memory_space<hbm>>
        tpu.wait_dma2 semaphore(%run_scoped3A_61 : memref<!tpu.dma_semaphore, #tpu.memory_space<semaphore_mem>>) src(%dma_wait3A_77 : memref<128xi32, #tpu.memory_space<hbm>>) dst(%dma_wait3A_76 : memref<128xi32, #tpu.memory_space<vmem>>)
        tpu.yield
      }) : () -> ()
      %dma_start3A_37 = arith.constant 0 : i32
      %dma_start3A_38 = arith.constant 0 : i32
      %dma_start3A_39 = tpu.memref_slice %arg9[%dma_start3A_37, %dma_start3A_38] : memref<1x128xi32, #tpu.memory_space<vmem>> -> memref<1x128xi32, #tpu.memory_space<vmem>>
      %dma_start3A_40 = tpu.memref_squeeze %dma_start3A_39 : memref<1x128xi32, #tpu.memory_space<vmem>> -> memref<128xi32, #tpu.memory_space<vmem>>
      %dma_start3A_41 = arith.constant 0 : i32
      %dma_start3A_42 = arith.constant 0 : i32
      %dma_start3A_43 = tpu.memref_slice %arg2[%dma_start3A_41, %dma_start3A_42] : memref<10000x128xf32, #tpu.memory_space<hbm>> -> memref<10000x128xf32, #tpu.memory_space<hbm>>
      tpu.enqueue_indirect_dma source(%dma_start3A_43 : memref<10000x128xf32, #tpu.memory_space<hbm>>) target(%arg12 : memref<128x128xf32, #tpu.memory_space<vmem>>) offsets(%dma_start3A_40 : memref<128xi32, #tpu.memory_space<vmem>>) semaphore(%arg15 : memref<!tpu.dma_semaphore, #tpu.memory_space<semaphore_mem>>)
      %dma_wait3A = arith.constant 0 : i32
      %dma_wait3A_44 = arith.constant 0 : i32
      %dma_wait3A_45 = tpu.memref_slice %arg7[%dma_wait3A, %dma_wait3A_44] : memref<1x128xi32, #tpu.memory_space<vmem>> -> memref<1x128xi32, #tpu.memory_space<vmem>>
      %dma_wait3A_46 = tpu.memref_squeeze %dma_wait3A_45 : memref<1x128xi32, #tpu.memory_space<vmem>> -> memref<128xi32, #tpu.memory_space<vmem>>
      %dma_wait3A_47 = arith.constant 0 : i32
      %dma_wait3A_48 = arith.constant 0 : i32
      %dma_wait3A_49 = tpu.memref_slice %arg2[%dma_wait3A_47, %dma_wait3A_48] : memref<10000x128xf32, #tpu.memory_space<hbm>> -> memref<10000x128xf32, #tpu.memory_space<hbm>>
      tpu.wait_indirect_dma semaphore(%arg14 : memref<!tpu.dma_semaphore, #tpu.memory_space<semaphore_mem>>) src(%dma_wait3A_49 : memref<10000x128xf32, #tpu.memory_space<hbm>>) dst(%arg11 : memref<128x128xf32, #tpu.memory_space<vmem>>)
      %run_scoped3A_50 = arith.constant 0 : i32
      "tpu.region"() ({
        %run_scoped3A_61 = tpu.sem_alloc : memref<!tpu.dma_semaphore, #tpu.memory_space<semaphore_mem>>
        %dma_start3A_62 = arith.constant 0 : i32
        %dma_start3A_63 = tpu.memref_slice %arg8[%run_scoped3A_50, %dma_start3A_62] : memref<1x128xi32, #tpu.memory_space<vmem>> -> memref<1x128xi32, #tpu.memory_space<vmem>>
        %dma_start3A_64 = tpu.memref_squeeze %dma_start3A_63 : memref<1x128xi32, #tpu.memory_space<vmem>> -> memref<128xi32, #tpu.memory_space<vmem>>
        %dma_start3A_65 = arith.constant 0 : i32
        %dma_start3A_66 = arith.constant 0 : i32
        %dma_start3A_67 = tpu.memref_slice %arg13[%dma_start3A_65, %dma_start3A_66] : memref<10112x128xf32, #tpu.memory_space<vmem_shared>> -> memref<10112x128xf32, #tpu.memory_space<vmem_shared>>
        tpu.enqueue_indirect_dma source(%arg11 : memref<128x128xf32, #tpu.memory_space<vmem>>) target(%dma_start3A_67 : memref<10112x128xf32, #tpu.memory_space<vmem_shared>>) offsets(%dma_start3A_64 : memref<128xi32, #tpu.memory_space<vmem>>) semaphore(%run_scoped3A_61 : memref<!tpu.dma_semaphore, #tpu.memory_space<semaphore_mem>>) {add = true}
        %dma_wait3A_68 = arith.constant 0 : i32
        %dma_wait3A_69 = tpu.memref_slice %arg8[%run_scoped3A_50, %dma_wait3A_68] : memref<1x128xi32, #tpu.memory_space<vmem>> -> memref<1x128xi32, #tpu.memory_space<vmem>>
        %dma_wait3A_70 = tpu.memref_squeeze %dma_wait3A_69 : memref<1x128xi32, #tpu.memory_space<vmem>> -> memref<128xi32, #tpu.memory_space<vmem>>
        %dma_wait3A_71 = arith.constant 0 : i32
        %dma_wait3A_72 = arith.constant 0 : i32
        %dma_wait3A_73 = tpu.memref_slice %arg13[%dma_wait3A_71, %dma_wait3A_72] : memref<10112x128xf32, #tpu.memory_space<vmem_shared>> -> memref<10112x128xf32, #tpu.memory_space<vmem_shared>>
        tpu.wait_indirect_dma semaphore(%run_scoped3A_61 : memref<!tpu.dma_semaphore, #tpu.memory_space<semaphore_mem>>) src(%arg11 : memref<128x128xf32, #tpu.memory_space<vmem>>) dst(%dma_wait3A_73 : memref<10112x128xf32, #tpu.memory_space<vmem_shared>>)
        tpu.yield
      }) : () -> ()
      %lt3A = arith.constant 39 : i32
      %lt3A_51 = arith.cmpi slt, %scan3A_25, %lt3A : i32
      %convert_element_type3A = arith.extui %lt3A_51 : i1 to i32
      %cond3A = arith.constant 0 : i32
      %cond3A_52 = arith.cmpi ne, %convert_element_type3A, %cond3A : i32
      scf.if %cond3A_52 {
        %add3A_61 = arith.constant 2 : i32
        %add3A_62 = arith.addi %mul3A_27, %add3A_61 : i32
        %mul3A_63 = arith.constant 80 : i32
        %mul3A_64 = arith.muli %add3A, %mul3A_63 : i32
        %add3A_65 = arith.addi %mul3A_64, %add3A_62 : i32
        %mul3A_66 = arith.constant 128 : i32
        %mul3A_67 = arith.muli %add3A_65, %mul3A_66 : i32
        %run_scoped3A_68 = arith.constant 0 : i32
        "tpu.region"() ({
          %run_scoped3A_77 = tpu.sem_alloc : memref<!tpu.dma_semaphore, #tpu.memory_space<semaphore_mem>>
          %dma_start3A_78 = arith.constant 0 : i32
          %dma_start3A_79 = tpu.memref_slice %arg7[%run_scoped3A_68, %dma_start3A_78] : memref<1x128xi32, #tpu.memory_space<vmem>> -> memref<1x128xi32, #tpu.memory_space<vmem>>
          %dma_start3A_80 = tpu.memref_squeeze %dma_start3A_79 : memref<1x128xi32, #tpu.memory_space<vmem>> -> memref<128xi32, #tpu.memory_space<vmem>>
          %dma_start3A_81 = tpu.memref_slice %arg3[%mul3A_67] : memref<327680xi32, #tpu.memory_space<hbm>> -> memref<128xi32, #tpu.memory_space<hbm>>
          %dma_start3A_82 = arith.constant 0 : i32
          %dma_start3A_83 = tpu.memref_slice %arg7[%run_scoped3A_68, %dma_start3A_82] : memref<1x128xi32, #tpu.memory_space<vmem>> -> memref<1x128xi32, #tpu.memory_space<vmem>>
          %dma_start3A_84 = tpu.memref_squeeze %dma_start3A_83 : memref<1x128xi32, #tpu.memory_space<vmem>> -> memref<128xi32, #tpu.memory_space<vmem>>
          %dma_start3A_85 = tpu.memref_slice %arg3[%mul3A_67] : memref<327680xi32, #tpu.memory_space<hbm>> -> memref<128xi32, #tpu.memory_space<hbm>>
          tpu.enqueue_dma source(%dma_start3A_85 : memref<128xi32, #tpu.memory_space<hbm>>) target(%dma_start3A_84 : memref<128xi32, #tpu.memory_space<vmem>>) target_semaphore(%run_scoped3A_77 : memref<!tpu.dma_semaphore, #tpu.memory_space<semaphore_mem>>)
          %dma_wait3A_86 = arith.constant 0 : i32
          %dma_wait3A_87 = tpu.memref_slice %arg7[%run_scoped3A_68, %dma_wait3A_86] : memref<1x128xi32, #tpu.memory_space<vmem>> -> memref<1x128xi32, #tpu.memory_space<vmem>>
          %dma_wait3A_88 = tpu.memref_squeeze %dma_wait3A_87 : memref<1x128xi32, #tpu.memory_space<vmem>> -> memref<128xi32, #tpu.memory_space<vmem>>
          %dma_wait3A_89 = tpu.memref_slice %arg3[%mul3A_67] : memref<327680xi32, #tpu.memory_space<hbm>> -> memref<128xi32, #tpu.memory_space<hbm>>
          %dma_wait3A_90 = arith.constant 0 : i32
          %dma_wait3A_91 = tpu.memref_slice %arg7[%run_scoped3A_68, %dma_wait3A_90] : memref<1x128xi32, #tpu.memory_space<vmem>> -> memref<1x128xi32, #tpu.memory_space<vmem>>
          %dma_wait3A_92 = tpu.memref_squeeze %dma_wait3A_91 : memref<1x128xi32, #tpu.memory_space<vmem>> -> memref<128xi32, #tpu.memory_space<vmem>>
          %dma_wait3A_93 = tpu.memref_slice %arg3[%mul3A_67] : memref<327680xi32, #tpu.memory_space<hbm>> -> memref<128xi32, #tpu.memory_space<hbm>>
          tpu.wait_dma2 semaphore(%run_scoped3A_77 : memref<!tpu.dma_semaphore, #tpu.memory_space<semaphore_mem>>) src(%dma_wait3A_93 : memref<128xi32, #tpu.memory_space<hbm>>) dst(%dma_wait3A_92 : memref<128xi32, #tpu.memory_space<vmem>>)
          tpu.yield
        }) : () -> ()
        %run_scoped3A_69 = arith.constant 0 : i32
        "tpu.region"() ({
          %run_scoped3A_77 = tpu.sem_alloc : memref<!tpu.dma_semaphore, #tpu.memory_space<semaphore_mem>>
          %dma_start3A_78 = arith.constant 0 : i32
          %dma_start3A_79 = tpu.memref_slice %arg8[%run_scoped3A_69, %dma_start3A_78] : memref<1x128xi32, #tpu.memory_space<vmem>> -> memref<1x128xi32, #tpu.memory_space<vmem>>
          %dma_start3A_80 = tpu.memref_squeeze %dma_start3A_79 : memref<1x128xi32, #tpu.memory_space<vmem>> -> memref<128xi32, #tpu.memory_space<vmem>>
          %dma_start3A_81 = tpu.memref_slice %arg4[%mul3A_67] : memref<327680xi32, #tpu.memory_space<hbm>> -> memref<128xi32, #tpu.memory_space<hbm>>
          %dma_start3A_82 = arith.constant 0 : i32
          %dma_start3A_83 = tpu.memref_slice %arg8[%run_scoped3A_69, %dma_start3A_82] : memref<1x128xi32, #tpu.memory_space<vmem>> -> memref<1x128xi32, #tpu.memory_space<vmem>>
          %dma_start3A_84 = tpu.memref_squeeze %dma_start3A_83 : memref<1x128xi32, #tpu.memory_space<vmem>> -> memref<128xi32, #tpu.memory_space<vmem>>
          %dma_start3A_85 = tpu.memref_slice %arg4[%mul3A_67] : memref<327680xi32, #tpu.memory_space<hbm>> -> memref<128xi32, #tpu.memory_space<hbm>>
          tpu.enqueue_dma source(%dma_start3A_85 : memref<128xi32, #tpu.memory_space<hbm>>) target(%dma_start3A_84 : memref<128xi32, #tpu.memory_space<vmem>>) target_semaphore(%run_scoped3A_77 : memref<!tpu.dma_semaphore, #tpu.memory_space<semaphore_mem>>)
          %dma_wait3A_86 = arith.constant 0 : i32
          %dma_wait3A_87 = tpu.memref_slice %arg8[%run_scoped3A_69, %dma_wait3A_86] : memref<1x128xi32, #tpu.memory_space<vmem>> -> memref<1x128xi32, #tpu.memory_space<vmem>>
          %dma_wait3A_88 = tpu.memref_squeeze %dma_wait3A_87 : memref<1x128xi32, #tpu.memory_space<vmem>> -> memref<128xi32, #tpu.memory_space<vmem>>
          %dma_wait3A_89 = tpu.memref_slice %arg4[%mul3A_67] : memref<327680xi32, #tpu.memory_space<hbm>> -> memref<128xi32, #tpu.memory_space<hbm>>
          %dma_wait3A_90 = arith.constant 0 : i32
          %dma_wait3A_91 = tpu.memref_slice %arg8[%run_scoped3A_69, %dma_wait3A_90] : memref<1x128xi32, #tpu.memory_space<vmem>> -> memref<1x128xi32, #tpu.memory_space<vmem>>
          %dma_wait3A_92 = tpu.memref_squeeze %dma_wait3A_91 : memref<1x128xi32, #tpu.memory_space<vmem>> -> memref<128xi32, #tpu.memory_space<vmem>>
          %dma_wait3A_93 = tpu.memref_slice %arg4[%mul3A_67] : memref<327680xi32, #tpu.memory_space<hbm>> -> memref<128xi32, #tpu.memory_space<hbm>>
          tpu.wait_dma2 semaphore(%run_scoped3A_77 : memref<!tpu.dma_semaphore, #tpu.memory_space<semaphore_mem>>) src(%dma_wait3A_93 : memref<128xi32, #tpu.memory_space<hbm>>) dst(%dma_wait3A_92 : memref<128xi32, #tpu.memory_space<vmem>>)
          tpu.yield
        }) : () -> ()
        %dma_start3A_70 = arith.constant 0 : i32
        %dma_start3A_71 = arith.constant 0 : i32
        %dma_start3A_72 = tpu.memref_slice %arg7[%dma_start3A_70, %dma_start3A_71] : memref<1x128xi32, #tpu.memory_space<vmem>> -> memref<1x128xi32, #tpu.memory_space<vmem>>
        %dma_start3A_73 = tpu.memref_squeeze %dma_start3A_72 : memref<1x128xi32, #tpu.memory_space<vmem>> -> memref<128xi32, #tpu.memory_space<vmem>>
        %dma_start3A_74 = arith.constant 0 : i32
        %dma_start3A_75 = arith.constant 0 : i32
        %dma_start3A_76 = tpu.memref_slice %arg2[%dma_start3A_74, %dma_start3A_75] : memref<10000x128xf32, #tpu.memory_space<hbm>> -> memref<10000x128xf32, #tpu.memory_space<hbm>>
        tpu.enqueue_indirect_dma source(%dma_start3A_76 : memref<10000x128xf32, #tpu.memory_space<hbm>>) target(%arg11 : memref<128x128xf32, #tpu.memory_space<vmem>>) offsets(%dma_start3A_73 : memref<128xi32, #tpu.memory_space<vmem>>) semaphore(%arg14 : memref<!tpu.dma_semaphore, #tpu.memory_space<semaphore_mem>>)
      } else {
      }
      %dma_wait3A_53 = arith.constant 0 : i32
      %dma_wait3A_54 = arith.constant 0 : i32
      %dma_wait3A_55 = tpu.memref_slice %arg9[%dma_wait3A_53, %dma_wait3A_54] : memref<1x128xi32, #tpu.memory_space<vmem>> -> memref<1x128xi32, #tpu.memory_space<vmem>>
      %dma_wait3A_56 = tpu.memref_squeeze %dma_wait3A_55 : memref<1x128xi32, #tpu.memory_space<vmem>> -> memref<128xi32, #tpu.memory_space<vmem>>
      %dma_wait3A_57 = arith.constant 0 : i32
      %dma_wait3A_58 = arith.constant 0 : i32
      %dma_wait3A_59 = tpu.memref_slice %arg2[%dma_wait3A_57, %dma_wait3A_58] : memref<10000x128xf32, #tpu.memory_space<hbm>> -> memref<10000x128xf32, #tpu.memory_space<hbm>>
      tpu.wait_indirect_dma semaphore(%arg15 : memref<!tpu.dma_semaphore, #tpu.memory_space<semaphore_mem>>) src(%dma_wait3A_59 : memref<10000x128xf32, #tpu.memory_space<hbm>>) dst(%arg12 : memref<128x128xf32, #tpu.memory_space<vmem>>)
      %run_scoped3A_60 = arith.constant 0 : i32
      "tpu.region"() ({
        %run_scoped3A_61 = tpu.sem_alloc : memref<!tpu.dma_semaphore, #tpu.memory_space<semaphore_mem>>
        %dma_start3A_62 = arith.constant 0 : i32
        %dma_start3A_63 = tpu.memref_slice %arg10[%run_scoped3A_60, %dma_start3A_62] : memref<1x128xi32, #tpu.memory_space<vmem>> -> memref<1x128xi32, #tpu.memory_space<vmem>>
        %dma_start3A_64 = tpu.memref_squeeze %dma_start3A_63 : memref<1x128xi32, #tpu.memory_space<vmem>> -> memref<128xi32, #tpu.memory_space<vmem>>
        %dma_start3A_65 = arith.constant 0 : i32
        %dma_start3A_66 = arith.constant 0 : i32
        %dma_start3A_67 = tpu.memref_slice %arg13[%dma_start3A_65, %dma_start3A_66] : memref<10112x128xf32, #tpu.memory_space<vmem_shared>> -> memref<10112x128xf32, #tpu.memory_space<vmem_shared>>
        tpu.enqueue_indirect_dma source(%arg12 : memref<128x128xf32, #tpu.memory_space<vmem>>) target(%dma_start3A_67 : memref<10112x128xf32, #tpu.memory_space<vmem_shared>>) offsets(%dma_start3A_64 : memref<128xi32, #tpu.memory_space<vmem>>) semaphore(%run_scoped3A_61 : memref<!tpu.dma_semaphore, #tpu.memory_space<semaphore_mem>>) {add = true}
        %dma_wait3A_68 = arith.constant 0 : i32
        %dma_wait3A_69 = tpu.memref_slice %arg10[%run_scoped3A_60, %dma_wait3A_68] : memref<1x128xi32, #tpu.memory_space<vmem>> -> memref<1x128xi32, #tpu.memory_space<vmem>>
        %dma_wait3A_70 = tpu.memref_squeeze %dma_wait3A_69 : memref<1x128xi32, #tpu.memory_space<vmem>> -> memref<128xi32, #tpu.memory_space<vmem>>
        %dma_wait3A_71 = arith.constant 0 : i32
        %dma_wait3A_72 = arith.constant 0 : i32
        %dma_wait3A_73 = tpu.memref_slice %arg13[%dma_wait3A_71, %dma_wait3A_72] : memref<10112x128xf32, #tpu.memory_space<vmem_shared>> -> memref<10112x128xf32, #tpu.memory_space<vmem_shared>>
        tpu.wait_indirect_dma semaphore(%run_scoped3A_61 : memref<!tpu.dma_semaphore, #tpu.memory_space<semaphore_mem>>) src(%arg12 : memref<128x128xf32, #tpu.memory_space<vmem>>) dst(%dma_wait3A_73 : memref<10112x128xf32, #tpu.memory_space<vmem_shared>>)
        tpu.yield
      }) : () -> ()
    }
    %scan3A_20 = arith.constant 40 : i32
    %barrier3A_21 = arith.constant 0 : index
    tpu.barrier barrier_id(%barrier3A_21)
    %mul3A_22 = arith.constant 10112 : i32
    %mul3A_23 = arith.muli %arg0, %mul3A_22 : i32
    %add3A_24 = arith.addi %mul3A_23, %mul3A_2 : i32
    "tpu.region"() ({
      %run_scoped3A_25 = tpu.sem_alloc : memref<!tpu.dma_semaphore, #tpu.memory_space<semaphore_mem>>
      %dma_start3A_26 = arith.constant 0 : i32
      %dma_start3A_27 = tpu.memref_slice %arg6[%add3A_24, %dma_start3A_26] : memref<20224x128xf32, #tpu.memory_space<hbm>> -> memref<632x128xf32, #tpu.memory_space<hbm>>
      %dma_start3A_28 = arith.constant 0 : i32
      %dma_start3A_29 = tpu.memref_slice %arg13[%mul3A_2, %dma_start3A_28] : memref<10112x128xf32, #tpu.memory_space<vmem_shared>> -> memref<632x128xf32, #tpu.memory_space<vmem_shared>>
      tpu.enqueue_dma source(%dma_start3A_29 : memref<632x128xf32, #tpu.memory_space<vmem_shared>>) target(%dma_start3A_27 : memref<632x128xf32, #tpu.memory_space<hbm>>) target_semaphore(%run_scoped3A_25 : memref<!tpu.dma_semaphore, #tpu.memory_space<semaphore_mem>>)
      %dma_wait3A = arith.constant 0 : i32
      %dma_wait3A_30 = tpu.memref_slice %arg6[%add3A_24, %dma_wait3A] : memref<20224x128xf32, #tpu.memory_space<hbm>> -> memref<632x128xf32, #tpu.memory_space<hbm>>
      %dma_wait3A_31 = arith.constant 0 : i32
      %dma_wait3A_32 = tpu.memref_slice %arg13[%mul3A_2, %dma_wait3A_31] : memref<10112x128xf32, #tpu.memory_space<vmem_shared>> -> memref<632x128xf32, #tpu.memory_space<vmem_shared>>
      tpu.wait_dma2 semaphore(%run_scoped3A_25 : memref<!tpu.dma_semaphore, #tpu.memory_space<semaphore_mem>>) src(%dma_wait3A_32 : memref<632x128xf32, #tpu.memory_space<vmem_shared>>) dst(%dma_wait3A_30 : memref<632x128xf32, #tpu.memory_space<hbm>>)
      tpu.yield
    }) : () -> ()
    return
  }
}

#map = affine_map<(d0, d1) -> (0)>
#map1 = affine_map<(d0, d1) -> (0, 0)>
module attributes {stable_mosaic.version = 14 : i64} {
  func.func @_count_body(%arg0: i32, %arg1: i32, %arg2: memref<327680xi32, #tpu.memory_space<hbm>>, %arg3: memref<10112x128xf32, #tpu.memory_space<hbm>>, %arg4: memref<128x128xf32, #tpu.memory_space<hbm>>, %arg5: memref<20224x128xf32, #tpu.memory_space<hbm>>, %arg6: memref<1x128xi32, #tpu.memory_space<vmem>>, %arg7: memref<128x128xf32, #tpu.memory_space<vmem>>, %arg8: memref<10112x128xf32, #tpu.memory_space<vmem_shared>>, %arg9: memref<!tpu.dma_semaphore, #tpu.memory_space<semaphore_mem>>) attributes {dimension_semantics = [#tpu.dimension_semantics<core_parallel>, #tpu.dimension_semantics<subcore_parallel>], iteration_bounds = array<i64: 2, 16>, scalar_prefetch = 0 : i64, scratch_operands = 4 : i64, tpu.core_type = #tpu.core_type<sc_vector_subcore>, window_params = [{transform_indices = #map}, {transform_indices = #map1}, {transform_indices = #map1}, {transform_indices = #map1}]} {
    %mul3A = arith.constant 16 : i32
    %mul3A_0 = arith.muli %arg0, %mul3A : i32
    %add3A = arith.addi %mul3A_0, %arg1 : i32
    %mul3A_1 = arith.constant 632 : i32
    %mul3A_2 = arith.muli %arg1, %mul3A_1 : i32
    "tpu.region"() ({
      %run_scoped3A = tpu.sem_alloc : memref<!tpu.dma_semaphore, #tpu.memory_space<semaphore_mem>>
      %dma_start3A = arith.constant 0 : i32
      %dma_start3A_12 = tpu.memref_slice %arg8[%mul3A_2, %dma_start3A] : memref<10112x128xf32, #tpu.memory_space<vmem_shared>> -> memref<632x128xf32, #tpu.memory_space<vmem_shared>>
      %dma_start3A_13 = arith.constant 0 : i32
      %dma_start3A_14 = tpu.memref_slice %arg3[%mul3A_2, %dma_start3A_13] : memref<10112x128xf32, #tpu.memory_space<hbm>> -> memref<632x128xf32, #tpu.memory_space<hbm>>
      tpu.enqueue_dma source(%dma_start3A_14 : memref<632x128xf32, #tpu.memory_space<hbm>>) target(%dma_start3A_12 : memref<632x128xf32, #tpu.memory_space<vmem_shared>>) target_semaphore(%run_scoped3A : memref<!tpu.dma_semaphore, #tpu.memory_space<semaphore_mem>>)
      %dma_wait3A = arith.constant 0 : i32
      %dma_wait3A_15 = tpu.memref_slice %arg8[%mul3A_2, %dma_wait3A] : memref<10112x128xf32, #tpu.memory_space<vmem_shared>> -> memref<632x128xf32, #tpu.memory_space<vmem_shared>>
      %dma_wait3A_16 = arith.constant 0 : i32
      %dma_wait3A_17 = tpu.memref_slice %arg3[%mul3A_2, %dma_wait3A_16] : memref<10112x128xf32, #tpu.memory_space<hbm>> -> memref<632x128xf32, #tpu.memory_space<hbm>>
      tpu.wait_dma2 semaphore(%run_scoped3A : memref<!tpu.dma_semaphore, #tpu.memory_space<semaphore_mem>>) src(%dma_wait3A_17 : memref<632x128xf32, #tpu.memory_space<hbm>>) dst(%dma_wait3A_15 : memref<632x128xf32, #tpu.memory_space<vmem_shared>>)
      tpu.yield
    }) : () -> ()
    "tpu.region"() ({
      %run_scoped3A = tpu.sem_alloc : memref<!tpu.dma_semaphore, #tpu.memory_space<semaphore_mem>>
      tpu.enqueue_dma source(%arg4 : memref<128x128xf32, #tpu.memory_space<hbm>>) target(%arg7 : memref<128x128xf32, #tpu.memory_space<vmem>>) target_semaphore(%run_scoped3A : memref<!tpu.dma_semaphore, #tpu.memory_space<semaphore_mem>>)
      tpu.wait_dma2 semaphore(%run_scoped3A : memref<!tpu.dma_semaphore, #tpu.memory_space<semaphore_mem>>) src(%arg4 : memref<128x128xf32, #tpu.memory_space<hbm>>) dst(%arg7 : memref<128x128xf32, #tpu.memory_space<vmem>>)
      tpu.yield
    }) : () -> ()
    %barrier3A = arith.constant 0 : index
    tpu.barrier barrier_id(%barrier3A)
    %scan3A = arith.constant 0 : i32
    %scan3A_3 = arith.constant 0 : i32
    %scan3A_4 = arith.constant 80 : i32
    %scan3A_5 = arith.addi %scan3A_3, %scan3A_4 : i32
    %scan3A_6 = arith.constant 1 : i32
    scf.for %scan3A_12 = %scan3A_3 to %scan3A_5 step %scan3A_6  : i32 {
      %mul3A_13 = arith.constant 80 : i32
      %mul3A_14 = arith.muli %add3A, %mul3A_13 : i32
      %add3A_15 = arith.addi %mul3A_14, %scan3A_12 : i32
      %mul3A_16 = arith.constant 128 : i32
      %mul3A_17 = arith.muli %add3A_15, %mul3A_16 : i32
      %run_scoped3A = arith.constant 0 : i32
      "tpu.region"() ({
        %run_scoped3A_19 = tpu.sem_alloc : memref<!tpu.dma_semaphore, #tpu.memory_space<semaphore_mem>>
        %dma_start3A = arith.constant 0 : i32
        %dma_start3A_20 = tpu.memref_slice %arg6[%run_scoped3A, %dma_start3A] : memref<1x128xi32, #tpu.memory_space<vmem>> -> memref<1x128xi32, #tpu.memory_space<vmem>>
        %dma_start3A_21 = tpu.memref_squeeze %dma_start3A_20 : memref<1x128xi32, #tpu.memory_space<vmem>> -> memref<128xi32, #tpu.memory_space<vmem>>
        %dma_start3A_22 = tpu.memref_slice %arg2[%mul3A_17] : memref<327680xi32, #tpu.memory_space<hbm>> -> memref<128xi32, #tpu.memory_space<hbm>>
        %dma_start3A_23 = arith.constant 0 : i32
        %dma_start3A_24 = tpu.memref_slice %arg6[%run_scoped3A, %dma_start3A_23] : memref<1x128xi32, #tpu.memory_space<vmem>> -> memref<1x128xi32, #tpu.memory_space<vmem>>
        %dma_start3A_25 = tpu.memref_squeeze %dma_start3A_24 : memref<1x128xi32, #tpu.memory_space<vmem>> -> memref<128xi32, #tpu.memory_space<vmem>>
        %dma_start3A_26 = tpu.memref_slice %arg2[%mul3A_17] : memref<327680xi32, #tpu.memory_space<hbm>> -> memref<128xi32, #tpu.memory_space<hbm>>
        tpu.enqueue_dma source(%dma_start3A_26 : memref<128xi32, #tpu.memory_space<hbm>>) target(%dma_start3A_25 : memref<128xi32, #tpu.memory_space<vmem>>) target_semaphore(%run_scoped3A_19 : memref<!tpu.dma_semaphore, #tpu.memory_space<semaphore_mem>>)
        %dma_wait3A = arith.constant 0 : i32
        %dma_wait3A_27 = tpu.memref_slice %arg6[%run_scoped3A, %dma_wait3A] : memref<1x128xi32, #tpu.memory_space<vmem>> -> memref<1x128xi32, #tpu.memory_space<vmem>>
        %dma_wait3A_28 = tpu.memref_squeeze %dma_wait3A_27 : memref<1x128xi32, #tpu.memory_space<vmem>> -> memref<128xi32, #tpu.memory_space<vmem>>
        %dma_wait3A_29 = tpu.memref_slice %arg2[%mul3A_17] : memref<327680xi32, #tpu.memory_space<hbm>> -> memref<128xi32, #tpu.memory_space<hbm>>
        %dma_wait3A_30 = arith.constant 0 : i32
        %dma_wait3A_31 = tpu.memref_slice %arg6[%run_scoped3A, %dma_wait3A_30] : memref<1x128xi32, #tpu.memory_space<vmem>> -> memref<1x128xi32, #tpu.memory_space<vmem>>
        %dma_wait3A_32 = tpu.memref_squeeze %dma_wait3A_31 : memref<1x128xi32, #tpu.memory_space<vmem>> -> memref<128xi32, #tpu.memory_space<vmem>>
        %dma_wait3A_33 = tpu.memref_slice %arg2[%mul3A_17] : memref<327680xi32, #tpu.memory_space<hbm>> -> memref<128xi32, #tpu.memory_space<hbm>>
        tpu.wait_dma2 semaphore(%run_scoped3A_19 : memref<!tpu.dma_semaphore, #tpu.memory_space<semaphore_mem>>) src(%dma_wait3A_33 : memref<128xi32, #tpu.memory_space<hbm>>) dst(%dma_wait3A_32 : memref<128xi32, #tpu.memory_space<vmem>>)
        tpu.yield
      }) : () -> ()
      %run_scoped3A_18 = arith.constant 0 : i32
      "tpu.region"() ({
        %run_scoped3A_19 = tpu.sem_alloc : memref<!tpu.dma_semaphore, #tpu.memory_space<semaphore_mem>>
        %dma_start3A = arith.constant 0 : i32
        %dma_start3A_20 = tpu.memref_slice %arg6[%run_scoped3A_18, %dma_start3A] : memref<1x128xi32, #tpu.memory_space<vmem>> -> memref<1x128xi32, #tpu.memory_space<vmem>>
        %dma_start3A_21 = tpu.memref_squeeze %dma_start3A_20 : memref<1x128xi32, #tpu.memory_space<vmem>> -> memref<128xi32, #tpu.memory_space<vmem>>
        %dma_start3A_22 = arith.constant 0 : i32
        %dma_start3A_23 = arith.constant 0 : i32
        %dma_start3A_24 = tpu.memref_slice %arg8[%dma_start3A_22, %dma_start3A_23] : memref<10112x128xf32, #tpu.memory_space<vmem_shared>> -> memref<10112x128xf32, #tpu.memory_space<vmem_shared>>
        tpu.enqueue_indirect_dma source(%arg7 : memref<128x128xf32, #tpu.memory_space<vmem>>) target(%dma_start3A_24 : memref<10112x128xf32, #tpu.memory_space<vmem_shared>>) offsets(%dma_start3A_21 : memref<128xi32, #tpu.memory_space<vmem>>) semaphore(%run_scoped3A_19 : memref<!tpu.dma_semaphore, #tpu.memory_space<semaphore_mem>>) {add = true}
        %dma_wait3A = arith.constant 0 : i32
        %dma_wait3A_25 = tpu.memref_slice %arg6[%run_scoped3A_18, %dma_wait3A] : memref<1x128xi32, #tpu.memory_space<vmem>> -> memref<1x128xi32, #tpu.memory_space<vmem>>
        %dma_wait3A_26 = tpu.memref_squeeze %dma_wait3A_25 : memref<1x128xi32, #tpu.memory_space<vmem>> -> memref<128xi32, #tpu.memory_space<vmem>>
        %dma_wait3A_27 = arith.constant 0 : i32
        %dma_wait3A_28 = arith.constant 0 : i32
        %dma_wait3A_29 = tpu.memref_slice %arg8[%dma_wait3A_27, %dma_wait3A_28] : memref<10112x128xf32, #tpu.memory_space<vmem_shared>> -> memref<10112x128xf32, #tpu.memory_space<vmem_shared>>
        tpu.wait_indirect_dma semaphore(%run_scoped3A_19 : memref<!tpu.dma_semaphore, #tpu.memory_space<semaphore_mem>>) src(%arg7 : memref<128x128xf32, #tpu.memory_space<vmem>>) dst(%dma_wait3A_29 : memref<10112x128xf32, #tpu.memory_space<vmem_shared>>)
        tpu.yield
      }) : () -> ()
    }
    %scan3A_7 = arith.constant 80 : i32
    %barrier3A_8 = arith.constant 0 : index
    tpu.barrier barrier_id(%barrier3A_8)
    %mul3A_9 = arith.constant 10112 : i32
    %mul3A_10 = arith.muli %arg0, %mul3A_9 : i32
    %add3A_11 = arith.addi %mul3A_10, %mul3A_2 : i32
    "tpu.region"() ({
      %run_scoped3A = tpu.sem_alloc : memref<!tpu.dma_semaphore, #tpu.memory_space<semaphore_mem>>
      %dma_start3A = arith.constant 0 : i32
      %dma_start3A_12 = tpu.memref_slice %arg5[%add3A_11, %dma_start3A] : memref<20224x128xf32, #tpu.memory_space<hbm>> -> memref<632x128xf32, #tpu.memory_space<hbm>>
      %dma_start3A_13 = arith.constant 0 : i32
      %dma_start3A_14 = tpu.memref_slice %arg8[%mul3A_2, %dma_start3A_13] : memref<10112x128xf32, #tpu.memory_space<vmem_shared>> -> memref<632x128xf32, #tpu.memory_space<vmem_shared>>
      tpu.enqueue_dma source(%dma_start3A_14 : memref<632x128xf32, #tpu.memory_space<vmem_shared>>) target(%dma_start3A_12 : memref<632x128xf32, #tpu.memory_space<hbm>>) target_semaphore(%run_scoped3A : memref<!tpu.dma_semaphore, #tpu.memory_space<semaphore_mem>>)
      %dma_wait3A = arith.constant 0 : i32
      %dma_wait3A_15 = tpu.memref_slice %arg5[%add3A_11, %dma_wait3A] : memref<20224x128xf32, #tpu.memory_space<hbm>> -> memref<632x128xf32, #tpu.memory_space<hbm>>
      %dma_wait3A_16 = arith.constant 0 : i32
      %dma_wait3A_17 = tpu.memref_slice %arg8[%mul3A_2, %dma_wait3A_16] : memref<10112x128xf32, #tpu.memory_space<vmem_shared>> -> memref<632x128xf32, #tpu.memory_space<vmem_shared>>
      tpu.wait_dma2 semaphore(%run_scoped3A : memref<!tpu.dma_semaphore, #tpu.memory_space<semaphore_mem>>) src(%dma_wait3A_17 : memref<632x128xf32, #tpu.memory_space<vmem_shared>>) dst(%dma_wait3A_15 : memref<632x128xf32, #tpu.memory_space<hbm>>)
      tpu.yield
    }) : () -> ()
    return
  }
}

#map = affine_map<(d0, d1) -> (0, 0)>
#map1 = affine_map<(d0, d1) -> (0)>
module attributes {stable_mosaic.version = 14 : i64} {
  func.func @_gather_agg_body(%arg0: i32, %arg1: i32, %arg2: memref<10000x128xf32, #tpu.memory_space<hbm>>, %arg3: memref<327680xi32, #tpu.memory_space<hbm>>, %arg4: memref<327680xi32, #tpu.memory_space<hbm>>, %arg5: memref<10112x128xf32, #tpu.memory_space<hbm>>, %arg6: memref<20224x128xf32, #tpu.memory_space<hbm>>, %arg7: memref<1x128xi32, #tpu.memory_space<vmem>>, %arg8: memref<1x128xi32, #tpu.memory_space<vmem>>, %arg9: memref<1x128xi32, #tpu.memory_space<vmem>>, %arg10: memref<1x128xi32, #tpu.memory_space<vmem>>, %arg11: memref<128x128xf32, #tpu.memory_space<vmem>>, %arg12: memref<128x128xf32, #tpu.memory_space<vmem>>, %arg13: memref<10112x128xf32, #tpu.memory_space<vmem_shared>>, %arg14: memref<!tpu.dma_semaphore, #tpu.memory_space<semaphore_mem>>, %arg15: memref<!tpu.dma_semaphore, #tpu.memory_space<semaphore_mem>>) attributes {dimension_semantics = [#tpu.dimension_semantics<core_parallel>, #tpu.dimension_semantics<subcore_parallel>], iteration_bounds = array<i64: 2, 16>, scalar_prefetch = 0 : i64, scratch_operands = 9 : i64, tpu.core_type = #tpu.core_type<sc_vector_subcore>, window_params = [{transform_indices = #map}, {transform_indices = #map1}, {transform_indices = #map1}, {transform_indices = #map}, {transform_indices = #map}]} {
    %mul3A = arith.constant 16 : i32
    %mul3A_0 = arith.muli %arg0, %mul3A : i32
    %add3A = arith.addi %mul3A_0, %arg1 : i32
    %mul3A_1 = arith.constant 632 : i32
    %mul3A_2 = arith.muli %arg1, %mul3A_1 : i32
    "tpu.region"() ({
      %run_scoped3A_25 = tpu.sem_alloc : memref<!tpu.dma_semaphore, #tpu.memory_space<semaphore_mem>>
      %dma_start3A_26 = arith.constant 0 : i32
      %dma_start3A_27 = tpu.memref_slice %arg13[%mul3A_2, %dma_start3A_26] : memref<10112x128xf32, #tpu.memory_space<vmem_shared>> -> memref<632x128xf32, #tpu.memory_space<vmem_shared>>
      %dma_start3A_28 = arith.constant 0 : i32
      %dma_start3A_29 = tpu.memref_slice %arg5[%mul3A_2, %dma_start3A_28] : memref<10112x128xf32, #tpu.memory_space<hbm>> -> memref<632x128xf32, #tpu.memory_space<hbm>>
      tpu.enqueue_dma source(%dma_start3A_29 : memref<632x128xf32, #tpu.memory_space<hbm>>) target(%dma_start3A_27 : memref<632x128xf32, #tpu.memory_space<vmem_shared>>) target_semaphore(%run_scoped3A_25 : memref<!tpu.dma_semaphore, #tpu.memory_space<semaphore_mem>>)
      %dma_wait3A = arith.constant 0 : i32
      %dma_wait3A_30 = tpu.memref_slice %arg13[%mul3A_2, %dma_wait3A] : memref<10112x128xf32, #tpu.memory_space<vmem_shared>> -> memref<632x128xf32, #tpu.memory_space<vmem_shared>>
      %dma_wait3A_31 = arith.constant 0 : i32
      %dma_wait3A_32 = tpu.memref_slice %arg5[%mul3A_2, %dma_wait3A_31] : memref<10112x128xf32, #tpu.memory_space<hbm>> -> memref<632x128xf32, #tpu.memory_space<hbm>>
      tpu.wait_dma2 semaphore(%run_scoped3A_25 : memref<!tpu.dma_semaphore, #tpu.memory_space<semaphore_mem>>) src(%dma_wait3A_32 : memref<632x128xf32, #tpu.memory_space<hbm>>) dst(%dma_wait3A_30 : memref<632x128xf32, #tpu.memory_space<vmem_shared>>)
      tpu.yield
    }) : () -> ()
    %barrier3A = arith.constant 0 : index
    tpu.barrier barrier_id(%barrier3A)
    %mul3A_3 = arith.constant 80 : i32
    %mul3A_4 = arith.muli %add3A, %mul3A_3 : i32
    %add3A_5 = arith.constant 0 : i32
    %add3A_6 = arith.addi %mul3A_4, %add3A_5 : i32
    %mul3A_7 = arith.constant 128 : i32
    %mul3A_8 = arith.muli %add3A_6, %mul3A_7 : i32
    %run_scoped3A = arith.constant 0 : i32
    "tpu.region"() ({
      %run_scoped3A_25 = tpu.sem_alloc : memref<!tpu.dma_semaphore, #tpu.memory_space<semaphore_mem>>
      %dma_start3A_26 = arith.constant 0 : i32
      %dma_start3A_27 = tpu.memref_slice %arg7[%run_scoped3A, %dma_start3A_26] : memref<1x128xi32, #tpu.memory_space<vmem>> -> memref<1x128xi32, #tpu.memory_space<vmem>>
      %dma_start3A_28 = tpu.memref_squeeze %dma_start3A_27 : memref<1x128xi32, #tpu.memory_space<vmem>> -> memref<128xi32, #tpu.memory_space<vmem>>
      %dma_start3A_29 = tpu.memref_slice %arg3[%mul3A_8] : memref<327680xi32, #tpu.memory_space<hbm>> -> memref<128xi32, #tpu.memory_space<hbm>>
      %dma_start3A_30 = arith.constant 0 : i32
      %dma_start3A_31 = tpu.memref_slice %arg7[%run_scoped3A, %dma_start3A_30] : memref<1x128xi32, #tpu.memory_space<vmem>> -> memref<1x128xi32, #tpu.memory_space<vmem>>
      %dma_start3A_32 = tpu.memref_squeeze %dma_start3A_31 : memref<1x128xi32, #tpu.memory_space<vmem>> -> memref<128xi32, #tpu.memory_space<vmem>>
      %dma_start3A_33 = tpu.memref_slice %arg3[%mul3A_8] : memref<327680xi32, #tpu.memory_space<hbm>> -> memref<128xi32, #tpu.memory_space<hbm>>
      tpu.enqueue_dma source(%dma_start3A_33 : memref<128xi32, #tpu.memory_space<hbm>>) target(%dma_start3A_32 : memref<128xi32, #tpu.memory_space<vmem>>) target_semaphore(%run_scoped3A_25 : memref<!tpu.dma_semaphore, #tpu.memory_space<semaphore_mem>>)
      %dma_wait3A = arith.constant 0 : i32
      %dma_wait3A_34 = tpu.memref_slice %arg7[%run_scoped3A, %dma_wait3A] : memref<1x128xi32, #tpu.memory_space<vmem>> -> memref<1x128xi32, #tpu.memory_space<vmem>>
      %dma_wait3A_35 = tpu.memref_squeeze %dma_wait3A_34 : memref<1x128xi32, #tpu.memory_space<vmem>> -> memref<128xi32, #tpu.memory_space<vmem>>
      %dma_wait3A_36 = tpu.memref_slice %arg3[%mul3A_8] : memref<327680xi32, #tpu.memory_space<hbm>> -> memref<128xi32, #tpu.memory_space<hbm>>
      %dma_wait3A_37 = arith.constant 0 : i32
      %dma_wait3A_38 = tpu.memref_slice %arg7[%run_scoped3A, %dma_wait3A_37] : memref<1x128xi32, #tpu.memory_space<vmem>> -> memref<1x128xi32, #tpu.memory_space<vmem>>
      %dma_wait3A_39 = tpu.memref_squeeze %dma_wait3A_38 : memref<1x128xi32, #tpu.memory_space<vmem>> -> memref<128xi32, #tpu.memory_space<vmem>>
      %dma_wait3A_40 = tpu.memref_slice %arg3[%mul3A_8] : memref<327680xi32, #tpu.memory_space<hbm>> -> memref<128xi32, #tpu.memory_space<hbm>>
      tpu.wait_dma2 semaphore(%run_scoped3A_25 : memref<!tpu.dma_semaphore, #tpu.memory_space<semaphore_mem>>) src(%dma_wait3A_40 : memref<128xi32, #tpu.memory_space<hbm>>) dst(%dma_wait3A_39 : memref<128xi32, #tpu.memory_space<vmem>>)
      tpu.yield
    }) : () -> ()
    %run_scoped3A_9 = arith.constant 0 : i32
    "tpu.region"() ({
      %run_scoped3A_25 = tpu.sem_alloc : memref<!tpu.dma_semaphore, #tpu.memory_space<semaphore_mem>>
      %dma_start3A_26 = arith.constant 0 : i32
      %dma_start3A_27 = tpu.memref_slice %arg8[%run_scoped3A_9, %dma_start3A_26] : memref<1x128xi32, #tpu.memory_space<vmem>> -> memref<1x128xi32, #tpu.memory_space<vmem>>
      %dma_start3A_28 = tpu.memref_squeeze %dma_start3A_27 : memref<1x128xi32, #tpu.memory_space<vmem>> -> memref<128xi32, #tpu.memory_space<vmem>>
      %dma_start3A_29 = tpu.memref_slice %arg4[%mul3A_8] : memref<327680xi32, #tpu.memory_space<hbm>> -> memref<128xi32, #tpu.memory_space<hbm>>
      %dma_start3A_30 = arith.constant 0 : i32
      %dma_start3A_31 = tpu.memref_slice %arg8[%run_scoped3A_9, %dma_start3A_30] : memref<1x128xi32, #tpu.memory_space<vmem>> -> memref<1x128xi32, #tpu.memory_space<vmem>>
      %dma_start3A_32 = tpu.memref_squeeze %dma_start3A_31 : memref<1x128xi32, #tpu.memory_space<vmem>> -> memref<128xi32, #tpu.memory_space<vmem>>
      %dma_start3A_33 = tpu.memref_slice %arg4[%mul3A_8] : memref<327680xi32, #tpu.memory_space<hbm>> -> memref<128xi32, #tpu.memory_space<hbm>>
      tpu.enqueue_dma source(%dma_start3A_33 : memref<128xi32, #tpu.memory_space<hbm>>) target(%dma_start3A_32 : memref<128xi32, #tpu.memory_space<vmem>>) target_semaphore(%run_scoped3A_25 : memref<!tpu.dma_semaphore, #tpu.memory_space<semaphore_mem>>)
      %dma_wait3A = arith.constant 0 : i32
      %dma_wait3A_34 = tpu.memref_slice %arg8[%run_scoped3A_9, %dma_wait3A] : memref<1x128xi32, #tpu.memory_space<vmem>> -> memref<1x128xi32, #tpu.memory_space<vmem>>
      %dma_wait3A_35 = tpu.memref_squeeze %dma_wait3A_34 : memref<1x128xi32, #tpu.memory_space<vmem>> -> memref<128xi32, #tpu.memory_space<vmem>>
      %dma_wait3A_36 = tpu.memref_slice %arg4[%mul3A_8] : memref<327680xi32, #tpu.memory_space<hbm>> -> memref<128xi32, #tpu.memory_space<hbm>>
      %dma_wait3A_37 = arith.constant 0 : i32
      %dma_wait3A_38 = tpu.memref_slice %arg8[%run_scoped3A_9, %dma_wait3A_37] : memref<1x128xi32, #tpu.memory_space<vmem>> -> memref<1x128xi32, #tpu.memory_space<vmem>>
      %dma_wait3A_39 = tpu.memref_squeeze %dma_wait3A_38 : memref<1x128xi32, #tpu.memory_space<vmem>> -> memref<128xi32, #tpu.memory_space<vmem>>
      %dma_wait3A_40 = tpu.memref_slice %arg4[%mul3A_8] : memref<327680xi32, #tpu.memory_space<hbm>> -> memref<128xi32, #tpu.memory_space<hbm>>
      tpu.wait_dma2 semaphore(%run_scoped3A_25 : memref<!tpu.dma_semaphore, #tpu.memory_space<semaphore_mem>>) src(%dma_wait3A_40 : memref<128xi32, #tpu.memory_space<hbm>>) dst(%dma_wait3A_39 : memref<128xi32, #tpu.memory_space<vmem>>)
      tpu.yield
    }) : () -> ()
    %dma_start3A = arith.constant 0 : i32
    %dma_start3A_10 = arith.constant 0 : i32
    %dma_start3A_11 = tpu.memref_slice %arg7[%dma_start3A, %dma_start3A_10] : memref<1x128xi32, #tpu.memory_space<vmem>> -> memref<1x128xi32, #tpu.memory_space<vmem>>
    %dma_start3A_12 = tpu.memref_squeeze %dma_start3A_11 : memref<1x128xi32, #tpu.memory_space<vmem>> -> memref<128xi32, #tpu.memory_space<vmem>>
    %dma_start3A_13 = arith.constant 0 : i32
    %dma_start3A_14 = arith.constant 0 : i32
    %dma_start3A_15 = tpu.memref_slice %arg2[%dma_start3A_13, %dma_start3A_14] : memref<10000x128xf32, #tpu.memory_space<hbm>> -> memref<10000x128xf32, #tpu.memory_space<hbm>>
    tpu.enqueue_indirect_dma source(%dma_start3A_15 : memref<10000x128xf32, #tpu.memory_space<hbm>>) target(%arg11 : memref<128x128xf32, #tpu.memory_space<vmem>>) offsets(%dma_start3A_12 : memref<128xi32, #tpu.memory_space<vmem>>) semaphore(%arg14 : memref<!tpu.dma_semaphore, #tpu.memory_space<semaphore_mem>>)
    %scan3A = arith.constant 0 : i32
    %scan3A_16 = arith.constant 0 : i32
    %scan3A_17 = arith.constant 40 : i32
    %scan3A_18 = arith.addi %scan3A_16, %scan3A_17 : i32
    %scan3A_19 = arith.constant 1 : i32
    scf.for %scan3A_25 = %scan3A_16 to %scan3A_18 step %scan3A_19  : i32 {
      %mul3A_26 = arith.constant 2 : i32
      %mul3A_27 = arith.muli %scan3A_25, %mul3A_26 : i32
      %add3A_28 = arith.constant 1 : i32
      %add3A_29 = arith.addi %mul3A_27, %add3A_28 : i32
      %mul3A_30 = arith.constant 80 : i32
      %mul3A_31 = arith.muli %add3A, %mul3A_30 : i32
      %add3A_32 = arith.addi %mul3A_31, %add3A_29 : i32
      %mul3A_33 = arith.constant 128 : i32
      %mul3A_34 = arith.muli %add3A_32, %mul3A_33 : i32
      %run_scoped3A_35 = arith.constant 0 : i32
      "tpu.region"() ({
        %run_scoped3A_61 = tpu.sem_alloc : memref<!tpu.dma_semaphore, #tpu.memory_space<semaphore_mem>>
        %dma_start3A_62 = arith.constant 0 : i32
        %dma_start3A_63 = tpu.memref_slice %arg9[%run_scoped3A_35, %dma_start3A_62] : memref<1x128xi32, #tpu.memory_space<vmem>> -> memref<1x128xi32, #tpu.memory_space<vmem>>
        %dma_start3A_64 = tpu.memref_squeeze %dma_start3A_63 : memref<1x128xi32, #tpu.memory_space<vmem>> -> memref<128xi32, #tpu.memory_space<vmem>>
        %dma_start3A_65 = tpu.memref_slice %arg3[%mul3A_34] : memref<327680xi32, #tpu.memory_space<hbm>> -> memref<128xi32, #tpu.memory_space<hbm>>
        %dma_start3A_66 = arith.constant 0 : i32
        %dma_start3A_67 = tpu.memref_slice %arg9[%run_scoped3A_35, %dma_start3A_66] : memref<1x128xi32, #tpu.memory_space<vmem>> -> memref<1x128xi32, #tpu.memory_space<vmem>>
        %dma_start3A_68 = tpu.memref_squeeze %dma_start3A_67 : memref<1x128xi32, #tpu.memory_space<vmem>> -> memref<128xi32, #tpu.memory_space<vmem>>
        %dma_start3A_69 = tpu.memref_slice %arg3[%mul3A_34] : memref<327680xi32, #tpu.memory_space<hbm>> -> memref<128xi32, #tpu.memory_space<hbm>>
        tpu.enqueue_dma source(%dma_start3A_69 : memref<128xi32, #tpu.memory_space<hbm>>) target(%dma_start3A_68 : memref<128xi32, #tpu.memory_space<vmem>>) target_semaphore(%run_scoped3A_61 : memref<!tpu.dma_semaphore, #tpu.memory_space<semaphore_mem>>)
        %dma_wait3A_70 = arith.constant 0 : i32
        %dma_wait3A_71 = tpu.memref_slice %arg9[%run_scoped3A_35, %dma_wait3A_70] : memref<1x128xi32, #tpu.memory_space<vmem>> -> memref<1x128xi32, #tpu.memory_space<vmem>>
        %dma_wait3A_72 = tpu.memref_squeeze %dma_wait3A_71 : memref<1x128xi32, #tpu.memory_space<vmem>> -> memref<128xi32, #tpu.memory_space<vmem>>
        %dma_wait3A_73 = tpu.memref_slice %arg3[%mul3A_34] : memref<327680xi32, #tpu.memory_space<hbm>> -> memref<128xi32, #tpu.memory_space<hbm>>
        %dma_wait3A_74 = arith.constant 0 : i32
        %dma_wait3A_75 = tpu.memref_slice %arg9[%run_scoped3A_35, %dma_wait3A_74] : memref<1x128xi32, #tpu.memory_space<vmem>> -> memref<1x128xi32, #tpu.memory_space<vmem>>
        %dma_wait3A_76 = tpu.memref_squeeze %dma_wait3A_75 : memref<1x128xi32, #tpu.memory_space<vmem>> -> memref<128xi32, #tpu.memory_space<vmem>>
        %dma_wait3A_77 = tpu.memref_slice %arg3[%mul3A_34] : memref<327680xi32, #tpu.memory_space<hbm>> -> memref<128xi32, #tpu.memory_space<hbm>>
        tpu.wait_dma2 semaphore(%run_scoped3A_61 : memref<!tpu.dma_semaphore, #tpu.memory_space<semaphore_mem>>) src(%dma_wait3A_77 : memref<128xi32, #tpu.memory_space<hbm>>) dst(%dma_wait3A_76 : memref<128xi32, #tpu.memory_space<vmem>>)
        tpu.yield
      }) : () -> ()
      %run_scoped3A_36 = arith.constant 0 : i32
      "tpu.region"() ({
        %run_scoped3A_61 = tpu.sem_alloc : memref<!tpu.dma_semaphore, #tpu.memory_space<semaphore_mem>>
        %dma_start3A_62 = arith.constant 0 : i32
        %dma_start3A_63 = tpu.memref_slice %arg10[%run_scoped3A_36, %dma_start3A_62] : memref<1x128xi32, #tpu.memory_space<vmem>> -> memref<1x128xi32, #tpu.memory_space<vmem>>
        %dma_start3A_64 = tpu.memref_squeeze %dma_start3A_63 : memref<1x128xi32, #tpu.memory_space<vmem>> -> memref<128xi32, #tpu.memory_space<vmem>>
        %dma_start3A_65 = tpu.memref_slice %arg4[%mul3A_34] : memref<327680xi32, #tpu.memory_space<hbm>> -> memref<128xi32, #tpu.memory_space<hbm>>
        %dma_start3A_66 = arith.constant 0 : i32
        %dma_start3A_67 = tpu.memref_slice %arg10[%run_scoped3A_36, %dma_start3A_66] : memref<1x128xi32, #tpu.memory_space<vmem>> -> memref<1x128xi32, #tpu.memory_space<vmem>>
        %dma_start3A_68 = tpu.memref_squeeze %dma_start3A_67 : memref<1x128xi32, #tpu.memory_space<vmem>> -> memref<128xi32, #tpu.memory_space<vmem>>
        %dma_start3A_69 = tpu.memref_slice %arg4[%mul3A_34] : memref<327680xi32, #tpu.memory_space<hbm>> -> memref<128xi32, #tpu.memory_space<hbm>>
        tpu.enqueue_dma source(%dma_start3A_69 : memref<128xi32, #tpu.memory_space<hbm>>) target(%dma_start3A_68 : memref<128xi32, #tpu.memory_space<vmem>>) target_semaphore(%run_scoped3A_61 : memref<!tpu.dma_semaphore, #tpu.memory_space<semaphore_mem>>)
        %dma_wait3A_70 = arith.constant 0 : i32
        %dma_wait3A_71 = tpu.memref_slice %arg10[%run_scoped3A_36, %dma_wait3A_70] : memref<1x128xi32, #tpu.memory_space<vmem>> -> memref<1x128xi32, #tpu.memory_space<vmem>>
        %dma_wait3A_72 = tpu.memref_squeeze %dma_wait3A_71 : memref<1x128xi32, #tpu.memory_space<vmem>> -> memref<128xi32, #tpu.memory_space<vmem>>
        %dma_wait3A_73 = tpu.memref_slice %arg4[%mul3A_34] : memref<327680xi32, #tpu.memory_space<hbm>> -> memref<128xi32, #tpu.memory_space<hbm>>
        %dma_wait3A_74 = arith.constant 0 : i32
        %dma_wait3A_75 = tpu.memref_slice %arg10[%run_scoped3A_36, %dma_wait3A_74] : memref<1x128xi32, #tpu.memory_space<vmem>> -> memref<1x128xi32, #tpu.memory_space<vmem>>
        %dma_wait3A_76 = tpu.memref_squeeze %dma_wait3A_75 : memref<1x128xi32, #tpu.memory_space<vmem>> -> memref<128xi32, #tpu.memory_space<vmem>>
        %dma_wait3A_77 = tpu.memref_slice %arg4[%mul3A_34] : memref<327680xi32, #tpu.memory_space<hbm>> -> memref<128xi32, #tpu.memory_space<hbm>>
        tpu.wait_dma2 semaphore(%run_scoped3A_61 : memref<!tpu.dma_semaphore, #tpu.memory_space<semaphore_mem>>) src(%dma_wait3A_77 : memref<128xi32, #tpu.memory_space<hbm>>) dst(%dma_wait3A_76 : memref<128xi32, #tpu.memory_space<vmem>>)
        tpu.yield
      }) : () -> ()
      %dma_start3A_37 = arith.constant 0 : i32
      %dma_start3A_38 = arith.constant 0 : i32
      %dma_start3A_39 = tpu.memref_slice %arg9[%dma_start3A_37, %dma_start3A_38] : memref<1x128xi32, #tpu.memory_space<vmem>> -> memref<1x128xi32, #tpu.memory_space<vmem>>
      %dma_start3A_40 = tpu.memref_squeeze %dma_start3A_39 : memref<1x128xi32, #tpu.memory_space<vmem>> -> memref<128xi32, #tpu.memory_space<vmem>>
      %dma_start3A_41 = arith.constant 0 : i32
      %dma_start3A_42 = arith.constant 0 : i32
      %dma_start3A_43 = tpu.memref_slice %arg2[%dma_start3A_41, %dma_start3A_42] : memref<10000x128xf32, #tpu.memory_space<hbm>> -> memref<10000x128xf32, #tpu.memory_space<hbm>>
      tpu.enqueue_indirect_dma source(%dma_start3A_43 : memref<10000x128xf32, #tpu.memory_space<hbm>>) target(%arg12 : memref<128x128xf32, #tpu.memory_space<vmem>>) offsets(%dma_start3A_40 : memref<128xi32, #tpu.memory_space<vmem>>) semaphore(%arg15 : memref<!tpu.dma_semaphore, #tpu.memory_space<semaphore_mem>>)
      %dma_wait3A = arith.constant 0 : i32
      %dma_wait3A_44 = arith.constant 0 : i32
      %dma_wait3A_45 = tpu.memref_slice %arg7[%dma_wait3A, %dma_wait3A_44] : memref<1x128xi32, #tpu.memory_space<vmem>> -> memref<1x128xi32, #tpu.memory_space<vmem>>
      %dma_wait3A_46 = tpu.memref_squeeze %dma_wait3A_45 : memref<1x128xi32, #tpu.memory_space<vmem>> -> memref<128xi32, #tpu.memory_space<vmem>>
      %dma_wait3A_47 = arith.constant 0 : i32
      %dma_wait3A_48 = arith.constant 0 : i32
      %dma_wait3A_49 = tpu.memref_slice %arg2[%dma_wait3A_47, %dma_wait3A_48] : memref<10000x128xf32, #tpu.memory_space<hbm>> -> memref<10000x128xf32, #tpu.memory_space<hbm>>
      tpu.wait_indirect_dma semaphore(%arg14 : memref<!tpu.dma_semaphore, #tpu.memory_space<semaphore_mem>>) src(%dma_wait3A_49 : memref<10000x128xf32, #tpu.memory_space<hbm>>) dst(%arg11 : memref<128x128xf32, #tpu.memory_space<vmem>>)
      %run_scoped3A_50 = arith.constant 0 : i32
      "tpu.region"() ({
        %run_scoped3A_61 = tpu.sem_alloc : memref<!tpu.dma_semaphore, #tpu.memory_space<semaphore_mem>>
        %dma_start3A_62 = arith.constant 0 : i32
        %dma_start3A_63 = tpu.memref_slice %arg8[%run_scoped3A_50, %dma_start3A_62] : memref<1x128xi32, #tpu.memory_space<vmem>> -> memref<1x128xi32, #tpu.memory_space<vmem>>
        %dma_start3A_64 = tpu.memref_squeeze %dma_start3A_63 : memref<1x128xi32, #tpu.memory_space<vmem>> -> memref<128xi32, #tpu.memory_space<vmem>>
        %dma_start3A_65 = arith.constant 0 : i32
        %dma_start3A_66 = arith.constant 0 : i32
        %dma_start3A_67 = tpu.memref_slice %arg13[%dma_start3A_65, %dma_start3A_66] : memref<10112x128xf32, #tpu.memory_space<vmem_shared>> -> memref<10112x128xf32, #tpu.memory_space<vmem_shared>>
        tpu.enqueue_indirect_dma source(%arg11 : memref<128x128xf32, #tpu.memory_space<vmem>>) target(%dma_start3A_67 : memref<10112x128xf32, #tpu.memory_space<vmem_shared>>) offsets(%dma_start3A_64 : memref<128xi32, #tpu.memory_space<vmem>>) semaphore(%run_scoped3A_61 : memref<!tpu.dma_semaphore, #tpu.memory_space<semaphore_mem>>) {add = true}
        %dma_wait3A_68 = arith.constant 0 : i32
        %dma_wait3A_69 = tpu.memref_slice %arg8[%run_scoped3A_50, %dma_wait3A_68] : memref<1x128xi32, #tpu.memory_space<vmem>> -> memref<1x128xi32, #tpu.memory_space<vmem>>
        %dma_wait3A_70 = tpu.memref_squeeze %dma_wait3A_69 : memref<1x128xi32, #tpu.memory_space<vmem>> -> memref<128xi32, #tpu.memory_space<vmem>>
        %dma_wait3A_71 = arith.constant 0 : i32
        %dma_wait3A_72 = arith.constant 0 : i32
        %dma_wait3A_73 = tpu.memref_slice %arg13[%dma_wait3A_71, %dma_wait3A_72] : memref<10112x128xf32, #tpu.memory_space<vmem_shared>> -> memref<10112x128xf32, #tpu.memory_space<vmem_shared>>
        tpu.wait_indirect_dma semaphore(%run_scoped3A_61 : memref<!tpu.dma_semaphore, #tpu.memory_space<semaphore_mem>>) src(%arg11 : memref<128x128xf32, #tpu.memory_space<vmem>>) dst(%dma_wait3A_73 : memref<10112x128xf32, #tpu.memory_space<vmem_shared>>)
        tpu.yield
      }) : () -> ()
      %lt3A = arith.constant 39 : i32
      %lt3A_51 = arith.cmpi slt, %scan3A_25, %lt3A : i32
      %convert_element_type3A = arith.extui %lt3A_51 : i1 to i32
      %cond3A = arith.constant 0 : i32
      %cond3A_52 = arith.cmpi ne, %convert_element_type3A, %cond3A : i32
      scf.if %cond3A_52 {
        %add3A_61 = arith.constant 2 : i32
        %add3A_62 = arith.addi %mul3A_27, %add3A_61 : i32
        %mul3A_63 = arith.constant 80 : i32
        %mul3A_64 = arith.muli %add3A, %mul3A_63 : i32
        %add3A_65 = arith.addi %mul3A_64, %add3A_62 : i32
        %mul3A_66 = arith.constant 128 : i32
        %mul3A_67 = arith.muli %add3A_65, %mul3A_66 : i32
        %run_scoped3A_68 = arith.constant 0 : i32
        "tpu.region"() ({
          %run_scoped3A_77 = tpu.sem_alloc : memref<!tpu.dma_semaphore, #tpu.memory_space<semaphore_mem>>
          %dma_start3A_78 = arith.constant 0 : i32
          %dma_start3A_79 = tpu.memref_slice %arg7[%run_scoped3A_68, %dma_start3A_78] : memref<1x128xi32, #tpu.memory_space<vmem>> -> memref<1x128xi32, #tpu.memory_space<vmem>>
          %dma_start3A_80 = tpu.memref_squeeze %dma_start3A_79 : memref<1x128xi32, #tpu.memory_space<vmem>> -> memref<128xi32, #tpu.memory_space<vmem>>
          %dma_start3A_81 = tpu.memref_slice %arg3[%mul3A_67] : memref<327680xi32, #tpu.memory_space<hbm>> -> memref<128xi32, #tpu.memory_space<hbm>>
          %dma_start3A_82 = arith.constant 0 : i32
          %dma_start3A_83 = tpu.memref_slice %arg7[%run_scoped3A_68, %dma_start3A_82] : memref<1x128xi32, #tpu.memory_space<vmem>> -> memref<1x128xi32, #tpu.memory_space<vmem>>
          %dma_start3A_84 = tpu.memref_squeeze %dma_start3A_83 : memref<1x128xi32, #tpu.memory_space<vmem>> -> memref<128xi32, #tpu.memory_space<vmem>>
          %dma_start3A_85 = tpu.memref_slice %arg3[%mul3A_67] : memref<327680xi32, #tpu.memory_space<hbm>> -> memref<128xi32, #tpu.memory_space<hbm>>
          tpu.enqueue_dma source(%dma_start3A_85 : memref<128xi32, #tpu.memory_space<hbm>>) target(%dma_start3A_84 : memref<128xi32, #tpu.memory_space<vmem>>) target_semaphore(%run_scoped3A_77 : memref<!tpu.dma_semaphore, #tpu.memory_space<semaphore_mem>>)
          %dma_wait3A_86 = arith.constant 0 : i32
          %dma_wait3A_87 = tpu.memref_slice %arg7[%run_scoped3A_68, %dma_wait3A_86] : memref<1x128xi32, #tpu.memory_space<vmem>> -> memref<1x128xi32, #tpu.memory_space<vmem>>
          %dma_wait3A_88 = tpu.memref_squeeze %dma_wait3A_87 : memref<1x128xi32, #tpu.memory_space<vmem>> -> memref<128xi32, #tpu.memory_space<vmem>>
          %dma_wait3A_89 = tpu.memref_slice %arg3[%mul3A_67] : memref<327680xi32, #tpu.memory_space<hbm>> -> memref<128xi32, #tpu.memory_space<hbm>>
          %dma_wait3A_90 = arith.constant 0 : i32
          %dma_wait3A_91 = tpu.memref_slice %arg7[%run_scoped3A_68, %dma_wait3A_90] : memref<1x128xi32, #tpu.memory_space<vmem>> -> memref<1x128xi32, #tpu.memory_space<vmem>>
          %dma_wait3A_92 = tpu.memref_squeeze %dma_wait3A_91 : memref<1x128xi32, #tpu.memory_space<vmem>> -> memref<128xi32, #tpu.memory_space<vmem>>
          %dma_wait3A_93 = tpu.memref_slice %arg3[%mul3A_67] : memref<327680xi32, #tpu.memory_space<hbm>> -> memref<128xi32, #tpu.memory_space<hbm>>
          tpu.wait_dma2 semaphore(%run_scoped3A_77 : memref<!tpu.dma_semaphore, #tpu.memory_space<semaphore_mem>>) src(%dma_wait3A_93 : memref<128xi32, #tpu.memory_space<hbm>>) dst(%dma_wait3A_92 : memref<128xi32, #tpu.memory_space<vmem>>)
          tpu.yield
        }) : () -> ()
        %run_scoped3A_69 = arith.constant 0 : i32
        "tpu.region"() ({
          %run_scoped3A_77 = tpu.sem_alloc : memref<!tpu.dma_semaphore, #tpu.memory_space<semaphore_mem>>
          %dma_start3A_78 = arith.constant 0 : i32
          %dma_start3A_79 = tpu.memref_slice %arg8[%run_scoped3A_69, %dma_start3A_78] : memref<1x128xi32, #tpu.memory_space<vmem>> -> memref<1x128xi32, #tpu.memory_space<vmem>>
          %dma_start3A_80 = tpu.memref_squeeze %dma_start3A_79 : memref<1x128xi32, #tpu.memory_space<vmem>> -> memref<128xi32, #tpu.memory_space<vmem>>
          %dma_start3A_81 = tpu.memref_slice %arg4[%mul3A_67] : memref<327680xi32, #tpu.memory_space<hbm>> -> memref<128xi32, #tpu.memory_space<hbm>>
          %dma_start3A_82 = arith.constant 0 : i32
          %dma_start3A_83 = tpu.memref_slice %arg8[%run_scoped3A_69, %dma_start3A_82] : memref<1x128xi32, #tpu.memory_space<vmem>> -> memref<1x128xi32, #tpu.memory_space<vmem>>
          %dma_start3A_84 = tpu.memref_squeeze %dma_start3A_83 : memref<1x128xi32, #tpu.memory_space<vmem>> -> memref<128xi32, #tpu.memory_space<vmem>>
          %dma_start3A_85 = tpu.memref_slice %arg4[%mul3A_67] : memref<327680xi32, #tpu.memory_space<hbm>> -> memref<128xi32, #tpu.memory_space<hbm>>
          tpu.enqueue_dma source(%dma_start3A_85 : memref<128xi32, #tpu.memory_space<hbm>>) target(%dma_start3A_84 : memref<128xi32, #tpu.memory_space<vmem>>) target_semaphore(%run_scoped3A_77 : memref<!tpu.dma_semaphore, #tpu.memory_space<semaphore_mem>>)
          %dma_wait3A_86 = arith.constant 0 : i32
          %dma_wait3A_87 = tpu.memref_slice %arg8[%run_scoped3A_69, %dma_wait3A_86] : memref<1x128xi32, #tpu.memory_space<vmem>> -> memref<1x128xi32, #tpu.memory_space<vmem>>
          %dma_wait3A_88 = tpu.memref_squeeze %dma_wait3A_87 : memref<1x128xi32, #tpu.memory_space<vmem>> -> memref<128xi32, #tpu.memory_space<vmem>>
          %dma_wait3A_89 = tpu.memref_slice %arg4[%mul3A_67] : memref<327680xi32, #tpu.memory_space<hbm>> -> memref<128xi32, #tpu.memory_space<hbm>>
          %dma_wait3A_90 = arith.constant 0 : i32
          %dma_wait3A_91 = tpu.memref_slice %arg8[%run_scoped3A_69, %dma_wait3A_90] : memref<1x128xi32, #tpu.memory_space<vmem>> -> memref<1x128xi32, #tpu.memory_space<vmem>>
          %dma_wait3A_92 = tpu.memref_squeeze %dma_wait3A_91 : memref<1x128xi32, #tpu.memory_space<vmem>> -> memref<128xi32, #tpu.memory_space<vmem>>
          %dma_wait3A_93 = tpu.memref_slice %arg4[%mul3A_67] : memref<327680xi32, #tpu.memory_space<hbm>> -> memref<128xi32, #tpu.memory_space<hbm>>
          tpu.wait_dma2 semaphore(%run_scoped3A_77 : memref<!tpu.dma_semaphore, #tpu.memory_space<semaphore_mem>>) src(%dma_wait3A_93 : memref<128xi32, #tpu.memory_space<hbm>>) dst(%dma_wait3A_92 : memref<128xi32, #tpu.memory_space<vmem>>)
          tpu.yield
        }) : () -> ()
        %dma_start3A_70 = arith.constant 0 : i32
        %dma_start3A_71 = arith.constant 0 : i32
        %dma_start3A_72 = tpu.memref_slice %arg7[%dma_start3A_70, %dma_start3A_71] : memref<1x128xi32, #tpu.memory_space<vmem>> -> memref<1x128xi32, #tpu.memory_space<vmem>>
        %dma_start3A_73 = tpu.memref_squeeze %dma_start3A_72 : memref<1x128xi32, #tpu.memory_space<vmem>> -> memref<128xi32, #tpu.memory_space<vmem>>
        %dma_start3A_74 = arith.constant 0 : i32
        %dma_start3A_75 = arith.constant 0 : i32
        %dma_start3A_76 = tpu.memref_slice %arg2[%dma_start3A_74, %dma_start3A_75] : memref<10000x128xf32, #tpu.memory_space<hbm>> -> memref<10000x128xf32, #tpu.memory_space<hbm>>
        tpu.enqueue_indirect_dma source(%dma_start3A_76 : memref<10000x128xf32, #tpu.memory_space<hbm>>) target(%arg11 : memref<128x128xf32, #tpu.memory_space<vmem>>) offsets(%dma_start3A_73 : memref<128xi32, #tpu.memory_space<vmem>>) semaphore(%arg14 : memref<!tpu.dma_semaphore, #tpu.memory_space<semaphore_mem>>)
      } else {
      }
      %dma_wait3A_53 = arith.constant 0 : i32
      %dma_wait3A_54 = arith.constant 0 : i32
      %dma_wait3A_55 = tpu.memref_slice %arg9[%dma_wait3A_53, %dma_wait3A_54] : memref<1x128xi32, #tpu.memory_space<vmem>> -> memref<1x128xi32, #tpu.memory_space<vmem>>
      %dma_wait3A_56 = tpu.memref_squeeze %dma_wait3A_55 : memref<1x128xi32, #tpu.memory_space<vmem>> -> memref<128xi32, #tpu.memory_space<vmem>>
      %dma_wait3A_57 = arith.constant 0 : i32
      %dma_wait3A_58 = arith.constant 0 : i32
      %dma_wait3A_59 = tpu.memref_slice %arg2[%dma_wait3A_57, %dma_wait3A_58] : memref<10000x128xf32, #tpu.memory_space<hbm>> -> memref<10000x128xf32, #tpu.memory_space<hbm>>
      tpu.wait_indirect_dma semaphore(%arg15 : memref<!tpu.dma_semaphore, #tpu.memory_space<semaphore_mem>>) src(%dma_wait3A_59 : memref<10000x128xf32, #tpu.memory_space<hbm>>) dst(%arg12 : memref<128x128xf32, #tpu.memory_space<vmem>>)
      %run_scoped3A_60 = arith.constant 0 : i32
      "tpu.region"() ({
        %run_scoped3A_61 = tpu.sem_alloc : memref<!tpu.dma_semaphore, #tpu.memory_space<semaphore_mem>>
        %dma_start3A_62 = arith.constant 0 : i32
        %dma_start3A_63 = tpu.memref_slice %arg10[%run_scoped3A_60, %dma_start3A_62] : memref<1x128xi32, #tpu.memory_space<vmem>> -> memref<1x128xi32, #tpu.memory_space<vmem>>
        %dma_start3A_64 = tpu.memref_squeeze %dma_start3A_63 : memref<1x128xi32, #tpu.memory_space<vmem>> -> memref<128xi32, #tpu.memory_space<vmem>>
        %dma_start3A_65 = arith.constant 0 : i32
        %dma_start3A_66 = arith.constant 0 : i32
        %dma_start3A_67 = tpu.memref_slice %arg13[%dma_start3A_65, %dma_start3A_66] : memref<10112x128xf32, #tpu.memory_space<vmem_shared>> -> memref<10112x128xf32, #tpu.memory_space<vmem_shared>>
        tpu.enqueue_indirect_dma source(%arg12 : memref<128x128xf32, #tpu.memory_space<vmem>>) target(%dma_start3A_67 : memref<10112x128xf32, #tpu.memory_space<vmem_shared>>) offsets(%dma_start3A_64 : memref<128xi32, #tpu.memory_space<vmem>>) semaphore(%run_scoped3A_61 : memref<!tpu.dma_semaphore, #tpu.memory_space<semaphore_mem>>) {add = true}
        %dma_wait3A_68 = arith.constant 0 : i32
        %dma_wait3A_69 = tpu.memref_slice %arg10[%run_scoped3A_60, %dma_wait3A_68] : memref<1x128xi32, #tpu.memory_space<vmem>> -> memref<1x128xi32, #tpu.memory_space<vmem>>
        %dma_wait3A_70 = tpu.memref_squeeze %dma_wait3A_69 : memref<1x128xi32, #tpu.memory_space<vmem>> -> memref<128xi32, #tpu.memory_space<vmem>>
        %dma_wait3A_71 = arith.constant 0 : i32
        %dma_wait3A_72 = arith.constant 0 : i32
        %dma_wait3A_73 = tpu.memref_slice %arg13[%dma_wait3A_71, %dma_wait3A_72] : memref<10112x128xf32, #tpu.memory_space<vmem_shared>> -> memref<10112x128xf32, #tpu.memory_space<vmem_shared>>
        tpu.wait_indirect_dma semaphore(%run_scoped3A_61 : memref<!tpu.dma_semaphore, #tpu.memory_space<semaphore_mem>>) src(%arg12 : memref<128x128xf32, #tpu.memory_space<vmem>>) dst(%dma_wait3A_73 : memref<10112x128xf32, #tpu.memory_space<vmem_shared>>)
        tpu.yield
      }) : () -> ()
    }
    %scan3A_20 = arith.constant 40 : i32
    %barrier3A_21 = arith.constant 0 : index
    tpu.barrier barrier_id(%barrier3A_21)
    %mul3A_22 = arith.constant 10112 : i32
    %mul3A_23 = arith.muli %arg0, %mul3A_22 : i32
    %add3A_24 = arith.addi %mul3A_23, %mul3A_2 : i32
    "tpu.region"() ({
      %run_scoped3A_25 = tpu.sem_alloc : memref<!tpu.dma_semaphore, #tpu.memory_space<semaphore_mem>>
      %dma_start3A_26 = arith.constant 0 : i32
      %dma_start3A_27 = tpu.memref_slice %arg6[%add3A_24, %dma_start3A_26] : memref<20224x128xf32, #tpu.memory_space<hbm>> -> memref<632x128xf32, #tpu.memory_space<hbm>>
      %dma_start3A_28 = arith.constant 0 : i32
      %dma_start3A_29 = tpu.memref_slice %arg13[%mul3A_2, %dma_start3A_28] : memref<10112x128xf32, #tpu.memory_space<vmem_shared>> -> memref<632x128xf32, #tpu.memory_space<vmem_shared>>
      tpu.enqueue_dma source(%dma_start3A_29 : memref<632x128xf32, #tpu.memory_space<vmem_shared>>) target(%dma_start3A_27 : memref<632x128xf32, #tpu.memory_space<hbm>>) target_semaphore(%run_scoped3A_25 : memref<!tpu.dma_semaphore, #tpu.memory_space<semaphore_mem>>)
      %dma_wait3A = arith.constant 0 : i32
      %dma_wait3A_30 = tpu.memref_slice %arg6[%add3A_24, %dma_wait3A] : memref<20224x128xf32, #tpu.memory_space<hbm>> -> memref<632x128xf32, #tpu.memory_space<hbm>>
      %dma_wait3A_31 = arith.constant 0 : i32
      %dma_wait3A_32 = tpu.memref_slice %arg13[%mul3A_2, %dma_wait3A_31] : memref<10112x128xf32, #tpu.memory_space<vmem_shared>> -> memref<632x128xf32, #tpu.memory_space<vmem_shared>>
      tpu.wait_dma2 semaphore(%run_scoped3A_25 : memref<!tpu.dma_semaphore, #tpu.memory_space<semaphore_mem>>) src(%dma_wait3A_32 : memref<632x128xf32, #tpu.memory_space<vmem_shared>>) dst(%dma_wait3A_30 : memref<632x128xf32, #tpu.memory_space<hbm>>)
      tpu.yield
    }) : () -> ()
    return
  }
}

module attributes {stable_mosaic.version = 14 : i64} {
  func.func @_layer1_tc(%arg0: i32, %arg1: memref<2000x128xf32, #tpu.memory_space<vmem>>, %arg2: memref<2000x128xf32, #tpu.memory_space<vmem>>, %arg3: memref<2000x128xf32, #tpu.memory_space<vmem>>, %arg4: memref<2000x128xf32, #tpu.memory_space<vmem>>, %arg5: memref<2000x128xf32, #tpu.memory_space<vmem>>, %arg6: memref<1x128xf32, #tpu.memory_space<vmem>>, %arg7: memref<384x256xf32, #tpu.memory_space<vmem>>, %arg8: memref<1x256xf32, #tpu.memory_space<vmem>>, %arg9: memref<2000x128xf32, #tpu.memory_space<vmem>>, %arg10: memref<2000x128xf32, #tpu.memory_space<vmem>>) attributes {dimension_semantics = [#tpu.dimension_semantics<arbitrary>], iteration_bounds = array<i64: 5>, scalar_prefetch = 0 : i64, scratch_operands = 0 : i64, tpu.core_type = #tpu.core_type<tc>, window_params = [{transform_indices = @transform_0, window_bounds = array<i64: 2000, 128>}, {transform_indices = @transform_1, window_bounds = array<i64: 2000, 128>}, {transform_indices = @transform_2, window_bounds = array<i64: 2000, 128>}, {transform_indices = @transform_3, window_bounds = array<i64: 2000, 128>}, {transform_indices = @transform_4, window_bounds = array<i64: 2000, 128>}, {pipeline_mode = #tpu.pipeline_mode<synchronous>, transform_indices = @transform_5, window_bounds = array<i64: 1, 128>}, {pipeline_mode = #tpu.pipeline_mode<synchronous>, transform_indices = @transform_6, window_bounds = array<i64: 384, 256>}, {pipeline_mode = #tpu.pipeline_mode<synchronous>, transform_indices = @transform_7, window_bounds = array<i64: 1, 256>}, {transform_indices = @transform_8, window_bounds = array<i64: 2000, 128>}, {transform_indices = @transform_9, window_bounds = array<i64: 2000, 128>}]} {
    %get3A = arith.constant 0 : index
    %get3A_0 = arith.constant 0 : index
    %get3A_1 = vector.load %arg4[%get3A, %get3A_0] : memref<2000x128xf32, #tpu.memory_space<vmem>>, vector<2000x1xf32>
    %get3A_2 = arith.constant 0 : index
    %get3A_3 = arith.constant 0 : index
    %get3A_4 = vector.load %arg5[%get3A_2, %get3A_3] : memref<2000x128xf32, #tpu.memory_space<vmem>>, vector<2000x1xf32>
    %add3A = arith.addf %get3A_1, %get3A_4 : vector<2000x1xf32>
    %add3A_5 = arith.constant 1.000000e+00 : f32
    %add3A_6 = vector.broadcast %add3A_5 : f32 to vector<2000x1xf32>
    %add3A_7 = arith.addf %add3A, %add3A_6 : vector<2000x1xf32>
    %div3A = arith.constant 1.000000e+00 : f32
    %div3A_8 = vector.broadcast %div3A : f32 to vector<2000x1xf32>
    %div3A_9 = arith.divf %div3A_8, %add3A_7 : vector<2000x1xf32>
    %get3A_10 = arith.constant 0 : index
    %get3A_11 = arith.constant 0 : index
    %get3A_12 = vector.load %arg1[%get3A_10, %get3A_11] : memref<2000x128xf32, #tpu.memory_space<vmem>>, vector<2000x128xf32>
    %get3A_13 = arith.constant 0 : index
    %get3A_14 = arith.constant 0 : index
    %get3A_15 = vector.load %arg2[%get3A_13, %get3A_14] : memref<2000x128xf32, #tpu.memory_space<vmem>>, vector<2000x128xf32>
    %get3A_16 = arith.constant 0 : index
    %get3A_17 = arith.constant 0 : index
    %get3A_18 = vector.load %arg3[%get3A_16, %get3A_17] : memref<2000x128xf32, #tpu.memory_space<vmem>>, vector<2000x128xf32>
    %add3A_19 = arith.addf %get3A_15, %get3A_18 : vector<2000x128xf32>
    %add3A_20 = arith.addf %add3A_19, %get3A_12 : vector<2000x128xf32>
    %mul3A = vector.broadcast %div3A_9 : vector<2000x1xf32> to vector<2000x128xf32>
    %mul3A_21 = arith.mulf %add3A_20, %mul3A : vector<2000x128xf32>
    %get3A_22 = arith.constant 0 : index
    %get3A_23 = arith.constant 0 : index
    %get3A_24 = vector.load %arg6[%get3A_22, %get3A_23] : memref<1x128xf32, #tpu.memory_space<vmem>>, vector<1x128xf32>
    %get3A_25 = arith.constant 256 : index
    %get3A_26 = arith.constant 0 : index
    %get3A_27 = vector.load %arg7[%get3A_25, %get3A_26] : memref<384x256xf32, #tpu.memory_space<vmem>>, vector<128x256xf32>
    %dot_general3A = arith.constant dense<0.000000e+00> : vector<1x256xf32>
    %dot_general3A_28 = tpu.matmul %get3A_24, %get3A_27, %dot_general3A {dimension_numbers = #tpu.dot_dimension_numbers<[1], [0], [0], [1], [0, 0, 1, 1], [], []>, transpose_lhs_hint = false} : vector<1x128xf32>, vector<128x256xf32>, vector<1x256xf32> -> vector<1x256xf32>
    %get3A_29 = arith.constant 0 : index
    %get3A_30 = arith.constant 0 : index
    %get3A_31 = vector.load %arg8[%get3A_29, %get3A_30] : memref<1x256xf32, #tpu.memory_space<vmem>>, vector<1x256xf32>
    %add3A_32 = arith.addf %dot_general3A_28, %get3A_31 : vector<1x256xf32>
    %get3A_33 = arith.constant 0 : index
    %get3A_34 = arith.constant 0 : index
    %get3A_35 = vector.load %arg7[%get3A_33, %get3A_34] : memref<384x256xf32, #tpu.memory_space<vmem>>, vector<128x256xf32>
    %dot_general3A_36 = arith.constant dense<0.000000e+00> : vector<2000x256xf32>
    %dot_general3A_37 = tpu.matmul %get3A_12, %get3A_35, %dot_general3A_36 {dimension_numbers = #tpu.dot_dimension_numbers<[1], [0], [0], [1], [0, 0, 1, 1], [], []>, transpose_lhs_hint = false} : vector<2000x128xf32>, vector<128x256xf32>, vector<2000x256xf32> -> vector<2000x256xf32>
    %get3A_38 = arith.constant 128 : index
    %get3A_39 = arith.constant 0 : index
    %get3A_40 = vector.load %arg7[%get3A_38, %get3A_39] : memref<384x256xf32, #tpu.memory_space<vmem>>, vector<128x256xf32>
    %dot_general3A_41 = arith.constant dense<0.000000e+00> : vector<2000x256xf32>
    %dot_general3A_42 = tpu.matmul %mul3A_21, %get3A_40, %dot_general3A_41 {dimension_numbers = #tpu.dot_dimension_numbers<[1], [0], [0], [1], [0, 0, 1, 1], [], []>, transpose_lhs_hint = false} : vector<2000x128xf32>, vector<128x256xf32>, vector<2000x256xf32> -> vector<2000x256xf32>
    %add3A_43 = arith.addf %dot_general3A_37, %dot_general3A_42 : vector<2000x256xf32>
    %add3A_44 = vector.broadcast %add3A_32 : vector<1x256xf32> to vector<2000x256xf32>
    %add3A_45 = arith.addf %add3A_43, %add3A_44 : vector<2000x256xf32>
    %max3A = arith.constant 0.000000e+00 : f32
    %max3A_46 = vector.broadcast %max3A : f32 to vector<2000x256xf32>
    %max3A_47 = arith.maximumf %add3A_45, %max3A_46 : vector<2000x256xf32>
    %slice3A = vector.extract_strided_slice %max3A_47 {offsets = [0, 0], sizes = [2000, 128], strides = [1, 1]} : vector<2000x256xf32> to vector<2000x128xf32>
    %swap3A = arith.constant 0 : index
    %swap3A_48 = arith.constant 0 : index
    %swap3A_49 = vector.load %arg9[%swap3A, %swap3A_48] : memref<2000x128xf32, #tpu.memory_space<vmem>>, vector<2000x128xf32>
    tpu.vector_store %arg9[%swap3A, %swap3A_48], %slice3A {strides = array<i32>} : memref<2000x128xf32, #tpu.memory_space<vmem>>, vector<2000x128xf32>,
    %slice3A_50 = vector.extract_strided_slice %max3A_47 {offsets = [0, 128], sizes = [2000, 128], strides = [1, 1]} : vector<2000x256xf32> to vector<2000x128xf32>
    %swap3A_51 = arith.constant 0 : index
    %swap3A_52 = arith.constant 0 : index
    %swap3A_53 = vector.load %arg10[%swap3A_51, %swap3A_52] : memref<2000x128xf32, #tpu.memory_space<vmem>>, vector<2000x128xf32>
    tpu.vector_store %arg10[%swap3A_51, %swap3A_52], %slice3A_50 {strides = array<i32>} : memref<2000x128xf32, #tpu.memory_space<vmem>>, vector<2000x128xf32>,
    return
  }
  func.func @transform_0(%arg0: i32) -> (i32, i32) {
    %c0_i32 = arith.constant 0 : i32
    %c0_i32_0 = arith.constant 0 : i32
    return %arg0, %c0_i32 : i32, i32
  }
  func.func @transform_1(%arg0: i32) -> (i32, i32) {
    %c0_i32 = arith.constant 0 : i32
    %c0_i32_0 = arith.constant 0 : i32
    return %arg0, %c0_i32 : i32, i32
  }
  func.func @transform_2(%arg0: i32) -> (i32, i32) {
    %c0_i32 = arith.constant 0 : i32
    %c0_i32_0 = arith.constant 0 : i32
    return %arg0, %c0_i32 : i32, i32
  }
  func.func @transform_3(%arg0: i32) -> (i32, i32) {
    %c0_i32 = arith.constant 0 : i32
    %c0_i32_0 = arith.constant 0 : i32
    return %arg0, %c0_i32 : i32, i32
  }
  func.func @transform_4(%arg0: i32) -> (i32, i32) {
    %c0_i32 = arith.constant 0 : i32
    %c0_i32_0 = arith.constant 0 : i32
    return %arg0, %c0_i32 : i32, i32
  }
  func.func @transform_5(%arg0: i32) -> (i32, i32) {
    %c0_i32 = arith.constant 0 : i32
    %c0_i32_0 = arith.constant 0 : i32
    %c0_i32_1 = arith.constant 0 : i32
    return %c0_i32, %c0_i32_0 : i32, i32
  }
  func.func @transform_6(%arg0: i32) -> (i32, i32) {
    %c0_i32 = arith.constant 0 : i32
    %c0_i32_0 = arith.constant 0 : i32
    %c0_i32_1 = arith.constant 0 : i32
    return %c0_i32, %c0_i32_0 : i32, i32
  }
  func.func @transform_7(%arg0: i32) -> (i32, i32) {
    %c0_i32 = arith.constant 0 : i32
    %c0_i32_0 = arith.constant 0 : i32
    %c0_i32_1 = arith.constant 0 : i32
    return %c0_i32, %c0_i32_0 : i32, i32
  }
  func.func @transform_8(%arg0: i32) -> (i32, i32) {
    %c0_i32 = arith.constant 0 : i32
    %c0_i32_0 = arith.constant 0 : i32
    return %arg0, %c0_i32 : i32, i32
  }
  func.func @transform_9(%arg0: i32) -> (i32, i32) {
    %c0_i32 = arith.constant 0 : i32
    %c0_i32_0 = arith.constant 0 : i32
    return %arg0, %c0_i32 : i32, i32
  }
}

module attributes {stable_mosaic.version = 14 : i64} {
  func.func @_layer2_tc(%arg0: i32, %arg1: memref<2000x128xf32, #tpu.memory_space<vmem>>, %arg2: memref<2000x128xf32, #tpu.memory_space<vmem>>, %arg3: memref<2000x128xf32, #tpu.memory_space<vmem>>, %arg4: memref<2000x128xf32, #tpu.memory_space<vmem>>, %arg5: memref<2000x128xf32, #tpu.memory_space<vmem>>, %arg6: memref<2000x128xf32, #tpu.memory_space<vmem>>, %arg7: memref<2000x128xf32, #tpu.memory_space<vmem>>, %arg8: memref<2000x128xf32, #tpu.memory_space<vmem>>, %arg9: memref<1x128xf32, #tpu.memory_space<vmem>>, %arg10: memref<640x256xf32, #tpu.memory_space<vmem>>, %arg11: memref<1x256xf32, #tpu.memory_space<vmem>>, %arg12: memref<384x128xf32, #tpu.memory_space<vmem>>, %arg13: memref<1x128xf32, #tpu.memory_space<vmem>>, %arg14: memref<128x1xf32, #tpu.memory_space<vmem>>, %arg15: memref<1x1xf32, #tpu.memory_space<vmem>>, %arg16: memref<2000x1xf32, #tpu.memory_space<vmem>>) attributes {dimension_semantics = [#tpu.dimension_semantics<arbitrary>], iteration_bounds = array<i64: 5>, scalar_prefetch = 0 : i64, scratch_operands = 0 : i64, tpu.core_type = #tpu.core_type<tc>, window_params = [{transform_indices = @transform_0, window_bounds = array<i64: 2000, 128>}, {transform_indices = @transform_1, window_bounds = array<i64: 2000, 128>}, {transform_indices = @transform_2, window_bounds = array<i64: 2000, 128>}, {transform_indices = @transform_3, window_bounds = array<i64: 2000, 128>}, {transform_indices = @transform_4, window_bounds = array<i64: 2000, 128>}, {transform_indices = @transform_5, window_bounds = array<i64: 2000, 128>}, {transform_indices = @transform_6, window_bounds = array<i64: 2000, 128>}, {transform_indices = @transform_7, window_bounds = array<i64: 2000, 128>}, {pipeline_mode = #tpu.pipeline_mode<synchronous>, transform_indices = @transform_8, window_bounds = array<i64: 1, 128>}, {pipeline_mode = #tpu.pipeline_mode<synchronous>, transform_indices = @transform_9, window_bounds = array<i64: 640, 256>}, {pipeline_mode = #tpu.pipeline_mode<synchronous>, transform_indices = @transform_10, window_bounds = array<i64: 1, 256>}, {pipeline_mode = #tpu.pipeline_mode<synchronous>, transform_indices = @transform_11, window_bounds = array<i64: 384, 128>}, {pipeline_mode = #tpu.pipeline_mode<synchronous>, transform_indices = @transform_12, window_bounds = array<i64: 1, 128>}, {pipeline_mode = #tpu.pipeline_mode<synchronous>, transform_indices = @transform_13, window_bounds = array<i64: 128, 1>}, {pipeline_mode = #tpu.pipeline_mode<synchronous>, transform_indices = @transform_14, window_bounds = array<i64: 1, 1>}, {transform_indices = @transform_15, window_bounds = array<i64: 2000, 1>}]} {
    %get3A = arith.constant 0 : index
    %get3A_0 = arith.constant 0 : index
    %get3A_1 = vector.load %arg7[%get3A, %get3A_0] : memref<2000x128xf32, #tpu.memory_space<vmem>>, vector<2000x1xf32>
    %get3A_2 = arith.constant 0 : index
    %get3A_3 = arith.constant 0 : index
    %get3A_4 = vector.load %arg8[%get3A_2, %get3A_3] : memref<2000x128xf32, #tpu.memory_space<vmem>>, vector<2000x1xf32>
    %add3A = arith.addf %get3A_1, %get3A_4 : vector<2000x1xf32>
    %add3A_5 = arith.constant 1.000000e+00 : f32
    %add3A_6 = vector.broadcast %add3A_5 : f32 to vector<2000x1xf32>
    %add3A_7 = arith.addf %add3A, %add3A_6 : vector<2000x1xf32>
    %div3A = arith.constant 1.000000e+00 : f32
    %div3A_8 = vector.broadcast %div3A : f32 to vector<2000x1xf32>
    %div3A_9 = arith.divf %div3A_8, %add3A_7 : vector<2000x1xf32>
    %get3A_10 = arith.constant 0 : index
    %get3A_11 = arith.constant 0 : index
    %get3A_12 = vector.load %arg1[%get3A_10, %get3A_11] : memref<2000x128xf32, #tpu.memory_space<vmem>>, vector<2000x128xf32>
    %get3A_13 = arith.constant 0 : index
    %get3A_14 = arith.constant 0 : index
    %get3A_15 = vector.load %arg2[%get3A_13, %get3A_14] : memref<2000x128xf32, #tpu.memory_space<vmem>>, vector<2000x128xf32>
    %get3A_16 = arith.constant 0 : index
    %get3A_17 = arith.constant 0 : index
    %get3A_18 = vector.load %arg3[%get3A_16, %get3A_17] : memref<2000x128xf32, #tpu.memory_space<vmem>>, vector<2000x128xf32>
    %get3A_19 = arith.constant 0 : index
    %get3A_20 = arith.constant 0 : index
    %get3A_21 = vector.load %arg4[%get3A_19, %get3A_20] : memref<2000x128xf32, #tpu.memory_space<vmem>>, vector<2000x128xf32>
    %add3A_22 = arith.addf %get3A_18, %get3A_21 : vector<2000x128xf32>
    %add3A_23 = arith.addf %add3A_22, %get3A_12 : vector<2000x128xf32>
    %mul3A = vector.broadcast %div3A_9 : vector<2000x1xf32> to vector<2000x128xf32>
    %mul3A_24 = arith.mulf %add3A_23, %mul3A : vector<2000x128xf32>
    %get3A_25 = arith.constant 0 : index
    %get3A_26 = arith.constant 0 : index
    %get3A_27 = vector.load %arg5[%get3A_25, %get3A_26] : memref<2000x128xf32, #tpu.memory_space<vmem>>, vector<2000x128xf32>
    %get3A_28 = arith.constant 0 : index
    %get3A_29 = arith.constant 0 : index
    %get3A_30 = vector.load %arg6[%get3A_28, %get3A_29] : memref<2000x128xf32, #tpu.memory_space<vmem>>, vector<2000x128xf32>
    %add3A_31 = arith.addf %get3A_27, %get3A_30 : vector<2000x128xf32>
    %add3A_32 = arith.addf %add3A_31, %get3A_15 : vector<2000x128xf32>
    %mul3A_33 = vector.broadcast %div3A_9 : vector<2000x1xf32> to vector<2000x128xf32>
    %mul3A_34 = arith.mulf %add3A_32, %mul3A_33 : vector<2000x128xf32>
    %get3A_35 = arith.constant 0 : index
    %get3A_36 = arith.constant 0 : index
    %get3A_37 = vector.load %arg9[%get3A_35, %get3A_36] : memref<1x128xf32, #tpu.memory_space<vmem>>, vector<1x128xf32>
    %get3A_38 = arith.constant 512 : index
    %get3A_39 = arith.constant 0 : index
    %get3A_40 = vector.load %arg10[%get3A_38, %get3A_39] : memref<640x256xf32, #tpu.memory_space<vmem>>, vector<128x256xf32>
    %dot_general3A = arith.constant dense<0.000000e+00> : vector<1x256xf32>
    %dot_general3A_41 = tpu.matmul %get3A_37, %get3A_40, %dot_general3A {dimension_numbers = #tpu.dot_dimension_numbers<[1], [0], [0], [1], [0, 0, 1, 1], [], []>, transpose_lhs_hint = false} : vector<1x128xf32>, vector<128x256xf32>, vector<1x256xf32> -> vector<1x256xf32>
    %get3A_42 = arith.constant 0 : index
    %get3A_43 = arith.constant 0 : index
    %get3A_44 = vector.load %arg11[%get3A_42, %get3A_43] : memref<1x256xf32, #tpu.memory_space<vmem>>, vector<1x256xf32>
    %add3A_45 = arith.addf %dot_general3A_41, %get3A_44 : vector<1x256xf32>
    %get3A_46 = arith.constant 0 : index
    %get3A_47 = arith.constant 0 : index
    %get3A_48 = vector.load %arg10[%get3A_46, %get3A_47] : memref<640x256xf32, #tpu.memory_space<vmem>>, vector<128x256xf32>
    %dot_general3A_49 = arith.constant dense<0.000000e+00> : vector<2000x256xf32>
    %dot_general3A_50 = tpu.matmul %get3A_12, %get3A_48, %dot_general3A_49 {dimension_numbers = #tpu.dot_dimension_numbers<[1], [0], [0], [1], [0, 0, 1, 1], [], []>, transpose_lhs_hint = false} : vector<2000x128xf32>, vector<128x256xf32>, vector<2000x256xf32> -> vector<2000x256xf32>
    %get3A_51 = arith.constant 128 : index
    %get3A_52 = arith.constant 0 : index
    %get3A_53 = vector.load %arg10[%get3A_51, %get3A_52] : memref<640x256xf32, #tpu.memory_space<vmem>>, vector<128x256xf32>
    %dot_general3A_54 = arith.constant dense<0.000000e+00> : vector<2000x256xf32>
    %dot_general3A_55 = tpu.matmul %get3A_15, %get3A_53, %dot_general3A_54 {dimension_numbers = #tpu.dot_dimension_numbers<[1], [0], [0], [1], [0, 0, 1, 1], [], []>, transpose_lhs_hint = false} : vector<2000x128xf32>, vector<128x256xf32>, vector<2000x256xf32> -> vector<2000x256xf32>
    %add3A_56 = arith.addf %dot_general3A_50, %dot_general3A_55 : vector<2000x256xf32>
    %get3A_57 = arith.constant 256 : index
    %get3A_58 = arith.constant 0 : index
    %get3A_59 = vector.load %arg10[%get3A_57, %get3A_58] : memref<640x256xf32, #tpu.memory_space<vmem>>, vector<128x256xf32>
    %dot_general3A_60 = arith.constant dense<0.000000e+00> : vector<2000x256xf32>
    %dot_general3A_61 = tpu.matmul %mul3A_24, %get3A_59, %dot_general3A_60 {dimension_numbers = #tpu.dot_dimension_numbers<[1], [0], [0], [1], [0, 0, 1, 1], [], []>, transpose_lhs_hint = false} : vector<2000x128xf32>, vector<128x256xf32>, vector<2000x256xf32> -> vector<2000x256xf32>
    %add3A_62 = arith.addf %add3A_56, %dot_general3A_61 : vector<2000x256xf32>
    %get3A_63 = arith.constant 384 : index
    %get3A_64 = arith.constant 0 : index
    %get3A_65 = vector.load %arg10[%get3A_63, %get3A_64] : memref<640x256xf32, #tpu.memory_space<vmem>>, vector<128x256xf32>
    %dot_general3A_66 = arith.constant dense<0.000000e+00> : vector<2000x256xf32>
    %dot_general3A_67 = tpu.matmul %mul3A_34, %get3A_65, %dot_general3A_66 {dimension_numbers = #tpu.dot_dimension_numbers<[1], [0], [0], [1], [0, 0, 1, 1], [], []>, transpose_lhs_hint = false} : vector<2000x128xf32>, vector<128x256xf32>, vector<2000x256xf32> -> vector<2000x256xf32>
    %add3A_68 = arith.addf %add3A_62, %dot_general3A_67 : vector<2000x256xf32>
    %add3A_69 = vector.broadcast %add3A_45 : vector<1x256xf32> to vector<2000x256xf32>
    %add3A_70 = arith.addf %add3A_68, %add3A_69 : vector<2000x256xf32>
    %max3A = arith.constant 0.000000e+00 : f32
    %max3A_71 = vector.broadcast %max3A : f32 to vector<2000x256xf32>
    %max3A_72 = arith.maximumf %add3A_70, %max3A_71 : vector<2000x256xf32>
    %get3A_73 = arith.constant 256 : index
    %get3A_74 = arith.constant 0 : index
    %get3A_75 = vector.load %arg12[%get3A_73, %get3A_74] : memref<384x128xf32, #tpu.memory_space<vmem>>, vector<128x128xf32>
    %dot_general3A_76 = arith.constant dense<0.000000e+00> : vector<1x128xf32>
    %dot_general3A_77 = tpu.matmul %get3A_37, %get3A_75, %dot_general3A_76 {dimension_numbers = #tpu.dot_dimension_numbers<[1], [0], [0], [1], [0, 0, 1, 1], [], []>, transpose_lhs_hint = false} : vector<1x128xf32>, vector<128x128xf32>, vector<1x128xf32> -> vector<1x128xf32>
    %get3A_78 = arith.constant 0 : index
    %get3A_79 = arith.constant 0 : index
    %get3A_80 = vector.load %arg13[%get3A_78, %get3A_79] : memref<1x128xf32, #tpu.memory_space<vmem>>, vector<1x128xf32>
    %add3A_81 = arith.addf %dot_general3A_77, %get3A_80 : vector<1x128xf32>
    %slice3A = vector.extract_strided_slice %max3A_72 {offsets = [0, 0], sizes = [2000, 128], strides = [1, 1]} : vector<2000x256xf32> to vector<2000x128xf32>
    %get3A_82 = arith.constant 0 : index
    %get3A_83 = arith.constant 0 : index
    %get3A_84 = vector.load %arg12[%get3A_82, %get3A_83] : memref<384x128xf32, #tpu.memory_space<vmem>>, vector<128x128xf32>
    %dot_general3A_85 = arith.constant dense<0.000000e+00> : vector<2000x128xf32>
    %dot_general3A_86 = tpu.matmul %slice3A, %get3A_84, %dot_general3A_85 {dimension_numbers = #tpu.dot_dimension_numbers<[1], [0], [0], [1], [0, 0, 1, 1], [], []>, transpose_lhs_hint = false} : vector<2000x128xf32>, vector<128x128xf32>, vector<2000x128xf32> -> vector<2000x128xf32>
    %slice3A_87 = vector.extract_strided_slice %max3A_72 {offsets = [0, 128], sizes = [2000, 128], strides = [1, 1]} : vector<2000x256xf32> to vector<2000x128xf32>
    %get3A_88 = arith.constant 128 : index
    %get3A_89 = arith.constant 0 : index
    %get3A_90 = vector.load %arg12[%get3A_88, %get3A_89] : memref<384x128xf32, #tpu.memory_space<vmem>>, vector<128x128xf32>
    %dot_general3A_91 = arith.constant dense<0.000000e+00> : vector<2000x128xf32>
    %dot_general3A_92 = tpu.matmul %slice3A_87, %get3A_90, %dot_general3A_91 {dimension_numbers = #tpu.dot_dimension_numbers<[1], [0], [0], [1], [0, 0, 1, 1], [], []>, transpose_lhs_hint = false} : vector<2000x128xf32>, vector<128x128xf32>, vector<2000x128xf32> -> vector<2000x128xf32>
    %add3A_93 = arith.addf %dot_general3A_86, %dot_general3A_92 : vector<2000x128xf32>
    %add3A_94 = vector.broadcast %add3A_81 : vector<1x128xf32> to vector<2000x128xf32>
    %add3A_95 = arith.addf %add3A_93, %add3A_94 : vector<2000x128xf32>
    %max3A_96 = arith.constant 0.000000e+00 : f32
    %max3A_97 = vector.broadcast %max3A_96 : f32 to vector<2000x128xf32>
    %max3A_98 = arith.maximumf %add3A_95, %max3A_97 : vector<2000x128xf32>
    %get3A_99 = arith.constant 0 : index
    %get3A_100 = arith.constant 0 : index
    %get3A_101 = vector.load %arg14[%get3A_99, %get3A_100] : memref<128x1xf32, #tpu.memory_space<vmem>>, vector<128x1xf32>
    %dot_general3A_102 = arith.constant dense<0.000000e+00> : vector<2000x1xf32>
    %dot_general3A_103 = tpu.matmul %max3A_98, %get3A_101, %dot_general3A_102 {dimension_numbers = #tpu.dot_dimension_numbers<[1], [0], [0], [1], [0, 0, 1, 1], [], []>, transpose_lhs_hint = false} : vector<2000x128xf32>, vector<128x1xf32>, vector<2000x1xf32> -> vector<2000x1xf32>
    %get3A_104 = arith.constant 0 : index
    %get3A_105 = arith.constant 0 : index
    %get3A_106 = vector.load %arg15[%get3A_104, %get3A_105] : memref<1x1xf32, #tpu.memory_space<vmem>>, vector<1x1xf32>
    %add3A_107 = vector.broadcast %get3A_106 : vector<1x1xf32> to vector<2000x1xf32>
    %add3A_108 = arith.addf %dot_general3A_103, %add3A_107 : vector<2000x1xf32>
    %swap3A = arith.constant 0 : index
    %swap3A_109 = arith.constant 0 : index
    %swap3A_110 = vector.load %arg16[%swap3A, %swap3A_109] : memref<2000x1xf32, #tpu.memory_space<vmem>>, vector<2000x1xf32>
    tpu.vector_store %arg16[%swap3A, %swap3A_109], %add3A_108 {strides = array<i32>} : memref<2000x1xf32, #tpu.memory_space<vmem>>, vector<2000x1xf32>,
    return
  }
  func.func @transform_0(%arg0: i32) -> (i32, i32) {
    %c0_i32 = arith.constant 0 : i32
    %c0_i32_0 = arith.constant 0 : i32
    return %arg0, %c0_i32 : i32, i32
  }
  func.func @transform_1(%arg0: i32) -> (i32, i32) {
    %c0_i32 = arith.constant 0 : i32
    %c0_i32_0 = arith.constant 0 : i32
    return %arg0, %c0_i32 : i32, i32
  }
  func.func @transform_2(%arg0: i32) -> (i32, i32) {
    %c0_i32 = arith.constant 0 : i32
    %c0_i32_0 = arith.constant 0 : i32
    return %arg0, %c0_i32 : i32, i32
  }
  func.func @transform_3(%arg0: i32) -> (i32, i32) {
    %c0_i32 = arith.constant 0 : i32
    %c0_i32_0 = arith.constant 0 : i32
    return %arg0, %c0_i32 : i32, i32
  }
  func.func @transform_4(%arg0: i32) -> (i32, i32) {
    %c0_i32 = arith.constant 0 : i32
    %c0_i32_0 = arith.constant 0 : i32
    return %arg0, %c0_i32 : i32, i32
  }
  func.func @transform_5(%arg0: i32) -> (i32, i32) {
    %c0_i32 = arith.constant 0 : i32
    %c0_i32_0 = arith.constant 0 : i32
    return %arg0, %c0_i32 : i32, i32
  }
  func.func @transform_6(%arg0: i32) -> (i32, i32) {
    %c0_i32 = arith.constant 0 : i32
    %c0_i32_0 = arith.constant 0 : i32
    return %arg0, %c0_i32 : i32, i32
  }
  func.func @transform_7(%arg0: i32) -> (i32, i32) {
    %c0_i32 = arith.constant 0 : i32
    %c0_i32_0 = arith.constant 0 : i32
    return %arg0, %c0_i32 : i32, i32
  }
  func.func @transform_8(%arg0: i32) -> (i32, i32) {
    %c0_i32 = arith.constant 0 : i32
    %c0_i32_0 = arith.constant 0 : i32
    %c0_i32_1 = arith.constant 0 : i32
    return %c0_i32, %c0_i32_0 : i32, i32
  }
  func.func @transform_9(%arg0: i32) -> (i32, i32) {
    %c0_i32 = arith.constant 0 : i32
    %c0_i32_0 = arith.constant 0 : i32
    %c0_i32_1 = arith.constant 0 : i32
    return %c0_i32, %c0_i32_0 : i32, i32
  }
  func.func @transform_10(%arg0: i32) -> (i32, i32) {
    %c0_i32 = arith.constant 0 : i32
    %c0_i32_0 = arith.constant 0 : i32
    %c0_i32_1 = arith.constant 0 : i32
    return %c0_i32, %c0_i32_0 : i32, i32
  }
  func.func @transform_11(%arg0: i32) -> (i32, i32) {
    %c0_i32 = arith.constant 0 : i32
    %c0_i32_0 = arith.constant 0 : i32
    %c0_i32_1 = arith.constant 0 : i32
    return %c0_i32, %c0_i32_0 : i32, i32
  }
  func.func @transform_12(%arg0: i32) -> (i32, i32) {
    %c0_i32 = arith.constant 0 : i32
    %c0_i32_0 = arith.constant 0 : i32
    %c0_i32_1 = arith.constant 0 : i32
    return %c0_i32, %c0_i32_0 : i32, i32
  }
  func.func @transform_13(%arg0: i32) -> (i32, i32) {
    %c0_i32 = arith.constant 0 : i32
    %c0_i32_0 = arith.constant 0 : i32
    %c0_i32_1 = arith.constant 0 : i32
    return %c0_i32, %c0_i32_0 : i32, i32
  }
  func.func @transform_14(%arg0: i32) -> (i32, i32) {
    %c0_i32 = arith.constant 0 : i32
    %c0_i32_0 = arith.constant 0 : i32
    %c0_i32_1 = arith.constant 0 : i32
    return %c0_i32, %c0_i32_0 : i32, i32
  }
  func.func @transform_15(%arg0: i32) -> (i32, i32) {
    %c0_i32 = arith.constant 0 : i32
    %c0_i32_0 = arith.constant 0 : i32
    return %arg0, %c0_i32 : i32, i32
  }
}

</mosaic_0001>

<sc_bundles>
// kernel: kernel.11.cloned.1.call-start
scs
__scs_entry_jumppad:
0x0: {  	(pc) =	sbr.rel $0x88, $3  }
0x1: {  	(tag) =	ssettag $0x0;
	lr =	simm.s32 $0x1  }
0x2: {  	[smem:$0x3F96] =	sst lr;
	_ =	strace $0xD0000000  }
0x3: {  	_ = 	snop  }
0x4: {  	_ = 	snop  }
0x5: {  	_ = 	snop  }
0x6: {  	_ = 	snop  }
0x7: {  	_ = 	snop  }
__scs_overlays_trampoline_lowered:
0x8: {  	[smem:$0x3FA5] =	sst s0  }
0x9: {  	[smem:$0x3FA6] =	sst s1  }
0xa: {  	[smem:$0x3FA7] =	sst s2  }
0xb: {  	[smem:$0x3FA8] =	sst s3  }
0xc: {  	[smem:$0x3FA9] =	sst s4  }
0xd: {  	[smem:$0x3FAA] =	sst s5  }
0xe: {  	[smem:$0x3FAB] =	sst s6  }
0xf: {  	[smem:$0x3FAC] =	sst s7  }
0x10: {  	[smem:$0x3FAD] =	sst s8  }
0x11: {  	[smem:$0x3FAE] =	sst s9;
	s0 =	simm.s32 @!p0 $0x0  }
0x12: {  	s1 =	sld [smem:$0x3F94];
	s0 =	simm.s32 @p0 $0x1  }
0x13: {  	[smem:$0x3FAF] =	sst s0;
	s0 =	simm.s32 @!p1 $0x0  }
0x14: {  	s2 =	sld [smem:$0x3F93];
	s0 =	simm.s32 @p1 $0x1  }
0x15: {  	[smem:$0x3FB0] =	sst s0;
	s0 =	simm.s32 @!p2 $0x0  }
0x16: {  	s3 =	sld [smem:$0x3FDB];
	s0 =	simm.s32 @p2 $0x1  }
0x17: {  	s4 =	simm.s32 $0x1BF5;
	[smem:$0x3FB2] =	sst s0  }
0x18: {  	s0 =	sld [smem:$0x3F95];
	_ =	swait.ge [sflag:s4], $0x0  }
0x19: {  	s7 =	sld [smem:$0x3F96]  }
0x1a: {  	s8 =	sadd.s32 $0xFFFFE003, lr  }
0x1b: {  	s9 =	sadd.s32 $0xFFFFFEF7, lr;
	s5 =	simm.s32 $0xFFFFFFFF;
	p2 =	slt.u32 s8, $0xFFFFF086  }
0x1c: {  	p1 =	slt.u32 s9, $0xF7A;
	s5 =	simm.s32 @!p2 $0x0  }
0x1d: {  	s5 =	simm.s32 @p1 $0x1;
	p0 =	seq.s32 s7, s2  }
0x1e: {  	s7 =	smul.u32 @!p0 $0xF7A, s2;
	p2 =	seq.s32 @!p0 s5, $0x0  }
0x1f: {  	s9 =	smul.u32 $0xF7A, s1;
	s8 =	simm.s32 @!p0 $0x1BF5;
	p2 =	por !p2, p0  }
0x20: {  	[sflag:s8] =	ssyncset.s32 @!p0 $0xFFFFF086;
	s6 =	sadd.s32 @!p0 s3, s7;
	s7 =	simm.s32 @!p0 $0x108  }
0x21: {  	s3 =	sadd.s32 s3, s9;
	s6 =	sadd.s32 @!p0 $0x88, s6;
	s7 =	simm.s32 @p2 $0x1082  }
0x22: {  	[simem:s7], [sflag:s8] =	dma.local @!p0 [hbm:s6], $0xF7A  }
0x23: {  	s9 =	sor.u32 $0xD0000000, s2;
	s6 =	simm.s32 $0x108;
	_ =	swait.ge @!p0 [sflag:s8], $0x0  }
0x24: {  	s3 =	sadd.s32 $0x88, s3;
	s6 =	simm.s32 @!p1 $0x1082;
	[sflag:s4] =	ssyncset.s32 $0xFFFFF086  }
0x25: {  	[simem:s6], [sflag:s4] =	dma.local [hbm:s3], $0xF7A  }
0x26: {  	[smem:$0x3F96] =	sst s1;
	(tag) =	ssettag s2;
	_ =	strace s9  }
0x27: {  	s1 =	sld [smem:$0x3FA6]  }
0x28: {  	s2 =	sld [smem:$0x3FA7]  }
0x29: {  	s4 =	sld [smem:$0x3FA9]  }
0x2a: {  	p0 =	seq.s32 s5, $0x0;
	s5 =	sld [smem:$0x3FAA]  }
0x2b: {  	s6 =	sld [smem:$0x3FAB]  }
0x2c: {  	s7 =	sld [smem:$0x3FAC]  }
0x2d: {  	s3 =	simm.s32 $0x108;
	s8 =	sld [smem:$0x3FAD]  }
0x2e: {  	s3 =	simm.s32 @!p0 $0x1082;
	s9 =	sld [smem:$0x3FAE]  }
0x2f: {  	lr =	sadd.s32 s0, s3;
	s0 =	sld [smem:$0x3FA5]  }
0x30: {  	s3 =	sld [smem:$0x3FA8]  }
0x31: {  	[smem:$0x3FB1] =	sst s10  }
0x32: {  	s10 =	sld [smem:$0x3FAF];
	_ =	sdelay $0x3  }
0x33: {  	p0 =	seq.s32 s10, $0x1;
	s10 =	sld [smem:$0x3FB1];
	_ =	sdelay $0x3  }
0x34: {  	[smem:$0x3FB1] =	sst s10  }
0x35: {  	s10 =	sld [smem:$0x3FB0];
	_ =	sdelay $0x3  }
0x36: {  	p1 =	seq.s32 s10, $0x1;
	s10 =	sld [smem:$0x3FB1];
	_ =	sdelay $0x3  }
0x37: {  	[smem:$0x3FB1] =	sst s10  }
0x38: {  	s10 =	sld [smem:$0x3FB2]  }
0x39: {  	_ = 	snop;
	(pc) =	sbr.ind lr, $3  }
0x3a: {  	_ = 	snop  }
0x3b: {  	_ = 	snop  }
0x3c: {  	p2 =	seq.s32 s10, $0x1;
	s10 =	sld [smem:$0x3FB1]  }
0x3d: {  	_ =	shalt  }
0x3e: {  	_ =	shalt  }
0x3f: {  	_ =	shalt  }
0x40: {  	_ =	shalt  }
0x41: {  	_ =	shalt  }
0x42: {  	_ =	shalt  }
0x43: {  	_ =	shalt  }
0x44: {  	_ =	shalt  }
0x45: {  	_ =	shalt  }
0x46: {  	_ =	shalt  }
0x47: {  	_ =	shalt  }
0x48: {  	_ =	shalt  }
0x49: {  	_ =	shalt  }
0x4a: {  	_ =	shalt  }
0x4b: {  	_ =	shalt  }
0x4c: {  	_ =	shalt  }
0x4d: {  	_ =	shalt  }
0x4e: {  	_ =	shalt  }
0x4f: {  	_ =	shalt  }
0x50: {  	_ =	shalt  }
0x51: {  	_ =	shalt  }
0x52: {  	_ =	shalt  }
0x53: {  	_ =	shalt  }
0x54: {  	_ =	shalt  }
0x55: {  	_ =	shalt  }
0x56: {  	_ =	shalt  }
0x57: {  	_ =	shalt  }
0x58: {  	_ =	shalt  }
0x59: {  	_ =	shalt  }
0x5a: {  	_ =	shalt  }
0x5b: {  	_ =	shalt  }
0x5c: {  	_ =	shalt  }
0x5d: {  	_ =	shalt  }
0x5e: {  	_ =	shalt  }
0x5f: {  	_ =	shalt  }
0x60: {  	_ =	shalt  }
0x61: {  	_ =	shalt  }
0x62: {  	_ =	shalt  }
0x63: {  	_ =	shalt  }
0x64: {  	_ =	shalt  }
0x65: {  	_ =	shalt  }
0x66: {  	_ =	shalt  }
0x67: {  	_ =	shalt  }
0x68: {  	_ =	shalt  }
0x69: {  	_ =	shalt  }
0x6a: {  	_ =	shalt  }
0x6b: {  	_ =	shalt  }
0x6c: {  	_ =	shalt  }
0x6d: {  	_ =	shalt  }
0x6e: {  	_ =	shalt  }
0x6f: {  	_ =	shalt  }
0x70: {  	_ =	shalt  }
0x71: {  	_ =	shalt  }
0x72: {  	_ =	shalt  }
0x73: {  	_ =	shalt  }
0x74: {  	_ =	shalt  }
0x75: {  	_ =	shalt  }
0x76: {  	_ =	shalt  }
0x77: {  	_ =	shalt  }
0x78: {  	_ =	shalt  }
0x79: {  	_ =	shalt  }
0x7a: {  	_ =	shalt  }
0x7b: {  	_ =	shalt  }
0x7c: {  	_ =	shalt  }
0x7d: {  	_ =	shalt  }
0x7e: {  	_ =	shalt  }
0x7f: {  	_ =	shalt  }
0x80: {  	_ =	shalt  }
0x81: {  	_ =	shalt  }
0x82: {  	_ =	shalt  }
0x83: {  	_ =	shalt  }
0x84: {  	_ =	shalt  }
0x85: {  	_ =	shalt  }
0x86: {  	_ =	shalt  }
0x87: {  	_ =	shalt  }
.Lfunc_end0:
.L_simem_size_0:
called_computation.1_lowered:
.L_overlay_start_0:
0x88: {  	s2 =	sld [smem:$0x3FD9]  }
0x89: {  	s3 =	sld [smem:$0x3FFE];
	_ =	sdelay $0x1  }
0x8a: {  	s1 =	srdreg.scid  }
0x8b: {  	s0 =	sand.u32 $0x1, s1  }
0x8c: {  	s17 =	sshll.u32 s0, $0xA;
	s2 =	sadd.s32 s3, s2  }
0x8d: {  	s2 =	sadd.s32 s2, s17  }
0x8e: {  	[smem:$0x3FBD] =	sst s2  }
0x8f: {  	_ = 	snop  }
0x90: {  	(tm) =	ssettm $0x1  }
0x91: {  	s18 =	sld [smem:$0x3FFB];
	_ =	sdelay $0x3  }
0x92: {  	_ =	strace s18  }
0x93: {  	s2 =	sld [smem:$0x3FFC];
	_ =	sdelay $0x3  }
0x94: {  	_ =	strace s2  }
0x95: {  	s2 =	sld [smem:$0x3FFD];
	_ =	sdelay $0x3  }
0x96: {  	_ =	strace s2  }
0x97: {  	_ =	strace $0x8FFFFFFF  }
0x98: {  	s19 =	sld [smem:$0x3FDB];
	_ =	sdelay $0x1  }
0x99: {  	s20 =	simm.s32 $_scs_section_size  }
0x9a: {  	s4 =	simm.s32 $_size__tile_overlayer_lowered;
	s5 =	simm.s32 $_tile_overlayer_lowered  }
0x9b: {  	s6 =	simm.s32 $0x1BFF;
	s21 =	sshll.u32 s5, $0x1;
	s3 =	sadd.s32 s20, s19  }
0x9c: {  	s22 =	simm.s32 $0x0;
	s4 =	sshll.u32 s4, $0x1;
	s5 =	sadd.s32 s21, s3  }
0x9d: {  	[timem:s22], [sflag:s6] =	dma.local [hbm:s5], s4  }
0x9e: {  	_ =	swait.ge [sflag:s6], s4  }
0x9f: {  	s4 =	ssub.s32 $0x0, s4;
	[sflag:s6] =	ssyncset.done $0x0  }
0xa0: {  	[sflag:s6] =	ssyncadd.s32 s4;
	_ =	sdelay $0x1  }
0xa1: {  	s23 =	simm.s32 $0x1B8B  }
0xa2: {  	_ =	swait.ge [sflag:s23], $0x1  }
0xa3: {  	[sflag:s23] =	ssyncset.done $0x0  }
0xa4: {  	[sflag:s23] =	ssyncadd.s32 $0xFFFFFFFF  }
0xa5: {  	s4 =	sld [smem:$0x0]  }
0xa6: {  	s5 =	sand.u32 $0xFFFFFFFE, s1  }
0xa7: {  	p0 =	sne.s32 s1, s5  }
0xa8: {  	s5 =	sshll.u32 @p0 s5, $0xE  }
0xa9: {  	s5 =	sadd.s32 @p0 $0x11B8D, s5;
	s6 =	sshll.u32 @p0 s4, $0x11  }
0xaa: {  	s5 =	sor.u32 @p0 s6, s5  }
0xab: {  	[sflag:s5] =	ssyncadd.remote.s32 @p0 $0x1;
	_ =	sdelay $0x1  }
0xac: {  	s5 =	simm.s32 @p0 $0x1B8D  }
0xad: {  	_ =	swait.eq @p0 [sflag:s5], $0x1  }
0xae: {  	[sflag:s5] =	ssyncadd.s32 @p0 $0xFFFFFFFF  }
0xaf: {  	s6 =	sshll.u32 @!p0 s1, $0xE  }
0xb0: {  	s6 =	sor.u32 @!p0 $0x4000, s6;
	s5 =	simm.s32 @!p0 $0x1B8D  }
0xb1: {  	s4 =	sshll.u32 @!p0 s4, $0x11;
	s6 =	sadd.s32 @!p0 $0x11B8D, s6;
	_ =	swait.eq @!p0 [sflag:s5], $0x1  }
0xb2: {  	s4 =	sor.u32 @!p0 s4, s6;
	[sflag:s5] =	ssyncadd.s32 @!p0 $0xFFFFFFFF  }
0xb3: {  	s25 =	simm.s32 $0x1B8E;
	s24 =	sld [smem:$0x3FFE];
	[sflag:s4] =	ssyncadd.remote.s32 @!p0 $0x1  }
0xb4: {  	s26 =	simm.s32 $execute0_lowered;
	[smem:$0x3FD2] =	sst s25  }
0xb5: {  	s5 =	sshll.u32 s26, $0x1;
	_ =	strace $0x80000049;
	[dreg:$0x1] =	wrdreg $0xFFFFFFFF  }
0xb6: {  	s28 =	simm.s32 $_size_execute0_lowered;
	s3 =	sadd.s32 s3, s5;
	[dreg:$0x0] =	wrdreg $0x0  }
0xb7: {  	s5 =	sshll.u32 s28, $0x1;
	[dreg:$0x2] =	wrdreg s3  }
0xb8: {  	[dreg:$0x3] =	wrdreg s5  }
0xb9: {  	[dreg:$0x4] =	wrdreg $0xC0  }
0xba: {  	_ =	task [dreg:s22], $0x5FFFF  }
0xbb: {  	[dreg:$0x1] =	wrdreg $0xFFFFFFFF  }
0xbc: {  	[dreg:$0x0] =	wrdreg $0x60  }
0xbd: {  	[dreg:$0x2] =	wrdreg s24  }
0xbe: {  	[dreg:$0x3] =	wrdreg $0x40800  }
0xbf: {  	[dreg:$0x4] =	wrdreg $0xA  }
0xc0: {  	_ =	task.clear_ibuf [dreg:s22], $0x5FFFF;
	_ =	strace $0x90000049  }
0xc1: {  	s29 =	simm.s32 $0xA;
	_ =	strace $0x8000004B  }
0xc2: {  	_ =	swait.ge [sflag:s29], $0x1  }
0xc3: {  	[sflag:s29] =	ssyncadd.s32 $0xFFFFFFFF  }
0xc4: {  	_ =	strace $0x9000004B  }
0xc5: {  	_ =	sfence  }
0xc6: {  	s30 =	sld [smem:$0x0];
	_ =	sdelay $0x2  }
0xc7: {  	s31 =	sshll.u32 s1, $0xD;
	s1 =	sshrl.u32 s1, $0x2  }
0xc8: {  	s4 =	sand.u32 $0x4000, s31;
	s1 =	sadd.s32 s1, s30  }
0xc9: {  	s0 =	sor.u32 s4, s0;
	s1 =	sshll.u32 s1, $0x11  }
0xca: {  	s0 =	sor.u32 s1, s0  }
0xcb: {  	s0 =	sadd.s32 $0x8F2B, s0  }
0xcc: {  	[sflag:s0] =	ssyncadd.remote.s32 $0x1  }
0xcd: {  	_ =	sfence.sel $0xFFFF  }
0xce: {  	[dreg:$0x0] =	wrdreg $0xFFFFFFFF;
	(pc) =	sbr.abs _section_cstart, $3  }
0xcf: {  	[dreg:$0x1] =	wrdreg $0xFFFFFFFF  }
0xd0: {  	_ =	task.clear_ibuf [dreg:s22], $0x2FFFF;
	_ =	strace $0x9FFFFFFF  }
0xd1: {  	(tm) =	ssettm $0x7FFFFFFF  }
tec
execute0_lowered:
.L_overlay_start_1:
0x0: {  	(tag) =	ssettag $0x1  }
0x1: {  	s5 =	rddreg [dreg:$0x0]  }
0x2: {  	s0 =	srdreg.scid;
	s1 =	stileid.u32  }
0x3: {  	s2 =	rddreg [dreg:$0x1];
	s7 =	smul.u32 $0x2780, s1  }
0x4: {  	s3 =	simm.s32 $0x0;
	s12 =	simm.s32 $0x80;
	s10 =	smul.u32 $0x4F000, s1  }
0x5: {  	s4 =	sand.u32 $0x1, s0;
	s0 =	rddreg [dreg:$0x2];
	s30 =	smul.u32 $0x500, s1  }
0x6: {  	s13 =	simm.s32 $0x0;
	[smem:$0x7FF] =	sst s3;
	s6 =	smul.u32 $0x5000, s4  }
0x7: {  	s31 =	sshll.u32 s1, $0x6;
	s8 =	smul.u32 $0x27800, s4;
	_ =	strace $0x8000004A  }
0x8: {  	s26 =	ssub.s32 $0x2, s4;
	s4 =	sadd.s32 $0x8DE00, s5;
	s25 =	sadd.s32 s7, s5  }
0x9: {  	s28 =	sshrl.u32 s26, $0x1;
	s29 =	sshrl.u32 s10, $0x2;
	s9 =	sadd.s32 s6, s5  }
0xa: {  	s7 =	sadd.s32 s7, s8;
	s8 =	ssub.s32 s26, s28;
	s11 =	sadd.s32 s29, s2  }
0xb: {  	s6 =	sor.u32 $0x1C01, s31;
	s7 =	sadd.s32 s7, s5;
	s5 =	sadd.s32 $0x17600, s25  }
0xc: {  	s9 =	sadd.s32 s30, s9;
	s8 =	smax.u32 s8, $0x1;
	s10 =	sshrl.u32 s11, $0x3  }
0xd: {  	s11 =	simm.s32 $0x1;
	s7 =	sadd.s32 $0x8E600, s7;
	s9 =	sadd.s32 $0x3600, s9  }
.LBB2_1:
0xe: {  	[spmem:s10], [sflag:s6] =	dma.local [hbm:s5], $0x2780  }
0xf: {  	_ =	swait.ge [sflag:s11], $0x2780  }
0x10: {  	[sflag:s11] =	ssyncset.done $0x0  }
0x11: {  	[sflag:s11] =	ssyncadd.s32 $0xFFFFD880  }
0x12: {  	[tilespmem:s12], [sflag:$0x1] =	stream.linear.gather [hbm4b:s4+s3], $0x4000, $0x38;
	[tilespmem:$0x17C80] =	vst v63  }
0x13: {  	_ =	swait.ge [sflag:s11], $0x4000  }
0x14: {  	[sflag:s11] =	ssyncset.done $0x0  }
0x15: {  	[sflag:s11] =	ssyncadd.s32 $0xFFFFC000  }
0x16: {  	s14 =	sadd.s32 $0x0, s9;
	[bflag:$0x0] =	sbarrier.arrive $0xFFFF  }
0x17: {  	[tilespmem:s3], [sflag:$0x1] =	stream.linear.gather [hbm4b:s14+s3], $0x80, $0x38;
	[tilespmem:$0x17C80] =	vst v63  }
0x18: {  	_ =	swait.ge [sflag:s11], $0x80  }
0x19: {  	[sflag:s11] =	ssyncset.done $0x0  }
0x1a: {  	[sflag:s11] =	ssyncadd.s32 $0xFFFFFF80  }
0x1b: {  	[spmem:s2] =	stream.indirect.scatter.add.f32 [tilespmem:s12], [sflag:$0x1], $0x80, s3, s12, $0xb8;
	[tilespmem:$0x17C80] =	vst v63  }
0x1c: {  	_ =	swait.ge [sflag:s11], $0x4000  }
0x1d: {  	s15 =	simm.s32 $0x20;
	s14 =	simm.s32 $0x10;
	[sflag:s11] =	ssyncset.done $0x0  }
.LBB2_2:
0x1e: {  	s16 =	sadd.s32 s14, s9  }
0x1f: {  	[sflag:s11] =	ssyncadd.s32 $0xFFFFC000;
	s14 =	smov.u32 s15;
	s17 =	sadd.s32 $0x10, s15  }
0x20: {  	[tilespmem:s3], [sflag:$0x1] =	stream.linear.gather [hbm4b:s16+s3], $0x80, $0x38;
	[tilespmem:$0x17C80] =	vst v63  }
0x21: {  	p0 =	sne.s32 s15, $0x4F0;
	_ =	swait.ge [sflag:s11], $0x80  }
.Ltmp0:
0x22: {  	[sflag:s11] =	ssyncset.done $0x0;
	(pc) =	sbr.rel @p0 .LBB2_2-.Ltmp0, $4  }
0x23: {  	[sflag:s11] =	ssyncadd.s32 $0xFFFFFF80  }
0x24: {  	[spmem:s2] =	stream.indirect.scatter.add.f32 [tilespmem:s12], [sflag:$0x1], $0x80, s3, s12, $0xb8;
	[tilespmem:$0x17C80] =	vst v63  }
0x25: {  	_ =	swait.ge [sflag:s11], $0x4000  }
0x26: {  	s15 =	smov.u32 s17;
	[sflag:s11] =	ssyncset.done $0x0  }
0x27: {  	s14 =	sadd.s32 s14, s9;
	[sflag:s11] =	ssyncadd.s32 $0xFFFFC000  }
0x28: {  	[tilespmem:s3], [sflag:$0x1] =	stream.linear.gather [hbm4b:s14+s3], $0x80, $0x38;
	[tilespmem:$0x17C80] =	vst v63  }
0x29: {  	_ =	swait.ge [sflag:s11], $0x80  }
0x2a: {  	[sflag:s11] =	ssyncset.done $0x0  }
0x2b: {  	[sflag:s11] =	ssyncadd.s32 $0xFFFFFF80  }
0x2c: {  	[spmem:s2] =	stream.indirect.scatter.add.f32 [tilespmem:s12], [sflag:$0x1], $0x80, s3, s12, $0xb8;
	[tilespmem:$0x17C80] =	vst v63  }
0x2d: {  	_ =	swait.ge [sflag:s11], $0x4000  }
0x2e: {  	s13 =	sadd.s32 $0x1, s13;
	[sflag:s11] =	ssyncset.done $0x0  }
0x2f: {  	p0 =	sne.s32 s13, s8;
	[sflag:s11] =	ssyncadd.s32 $0xFFFFC000  }
.Ltmp1:
0x30: {  	[bflag:$0x0] =	sbarrier.arrive $0xFFFF;
	(pc) =	sbr.rel @p0 .LBB2_1-.Ltmp1, $4  }
0x31: {  	[hbm:s7], [sflag:s6] =	dma.local [spmem:s10], $0x2780  }
0x32: {  	_ =	swait.ge [sflag:s11], $0x2780  }
0x33: {  	[sflag:s11] =	ssyncset.done $0x0  }
0x34: {  	[sflag:s11] =	ssyncadd.s32 $0xFFFFD880  }
0x35: {  	_ =	sfence.sel $0x180000  }
0x36: {  	[bflag:$0x0] =	sbarrier.arrive $0xFFFF  }
0x37: {  	p0 =	sne.s32 s1, $0x0;
	_ =	strace $0x9000004A  }
0x38: {  	s0 =	sadd.s32 @!p0 $0x100000, s0;
	[bflag:$0x2] =	sbarrier.arrive $0xFFFF  }
0x39: {  	[sflag:s0] =	ssyncadd.tile.s32 @!p0 $0x1;
	_ =	shalt  }
.Lfunc_end2:
_tile_overlayer_lowered:
.L_overlay_start_2:
0x3a: {  	(tag) =	ssettag $0x2  }
0x3b: {  	s0 =	rddreg [dreg:$0x0];
	s2 =	stileid.u32  }
0x3c: {  	s1 =	rddreg [dreg:$0x1];
	p0 =	sne.s32 s2, $0x0  }
0x3d: {  	s3 =	rddreg [dreg:$0x2];
	[bflag:$0x3] =	sbarrier.arrive $0xFFFF;
	s2 =	simm.s32 @!p0 $0x1C01  }
0x3e: {  	[timem:s3], [sflag:s2] =	dma.local @!p0 [hbm:s0], s1  }
0x3f: {  	s0 =	simm.s32 @!p0 $0x1  }
0x40: {  	_ =	swait.ge @!p0 [sflag:s0], s1  }
0x41: {  	s1 =	ssub.s32 @!p0 $0x0, s1;
	[sflag:s0] =	ssyncset.done @!p0 $0x0  }
0x42: {  	[sflag:s0] =	ssyncadd.s32 @!p0 s1  }
0x43: {  	[bflag:$0x3] =	sbarrier.arrive $0xFFFF  }
0x44: {  	_ =	shalt  }

// kernel: kernel.14.cloned.1.call-start
scs
__scs_entry_jumppad:
0x0: {  	(pc) =	sbr.rel $0x88, $3  }
0x1: {  	(tag) =	ssettag $0x0;
	lr =	simm.s32 $0x1  }
0x2: {  	[smem:$0x3F96] =	sst lr;
	_ =	strace $0xD0000000  }
0x3: {  	_ = 	snop  }
0x4: {  	_ = 	snop  }
0x5: {  	_ = 	snop  }
0x6: {  	_ = 	snop  }
0x7: {  	_ = 	snop  }
__scs_overlays_trampoline_lowered:
0x8: {  	[smem:$0x3FA5] =	sst s0  }
0x9: {  	[smem:$0x3FA6] =	sst s1  }
0xa: {  	[smem:$0x3FA7] =	sst s2  }
0xb: {  	[smem:$0x3FA8] =	sst s3  }
0xc: {  	[smem:$0x3FA9] =	sst s4  }
0xd: {  	[smem:$0x3FAA] =	sst s5  }
0xe: {  	[smem:$0x3FAB] =	sst s6  }
0xf: {  	[smem:$0x3FAC] =	sst s7  }
0x10: {  	[smem:$0x3FAD] =	sst s8  }
0x11: {  	[smem:$0x3FAE] =	sst s9;
	s0 =	simm.s32 @!p0 $0x0  }
0x12: {  	s1 =	sld [smem:$0x3F94];
	s0 =	simm.s32 @p0 $0x1  }
0x13: {  	[smem:$0x3FAF] =	sst s0;
	s0 =	simm.s32 @!p1 $0x0  }
0x14: {  	s2 =	sld [smem:$0x3F93];
	s0 =	simm.s32 @p1 $0x1  }
0x15: {  	[smem:$0x3FB0] =	sst s0;
	s0 =	simm.s32 @!p2 $0x0  }
0x16: {  	s3 =	sld [smem:$0x3FDB];
	s0 =	simm.s32 @p2 $0x1  }
0x17: {  	s4 =	simm.s32 $0x1BF5;
	[smem:$0x3FB2] =	sst s0  }
0x18: {  	s0 =	sld [smem:$0x3F95];
	_ =	swait.ge [sflag:s4], $0x0  }
0x19: {  	s7 =	sld [smem:$0x3F96]  }
0x1a: {  	s8 =	sadd.s32 $0xFFFFE003, lr  }
0x1b: {  	s9 =	sadd.s32 $0xFFFFFEF7, lr;
	s5 =	simm.s32 $0xFFFFFFFF;
	p2 =	slt.u32 s8, $0xFFFFF086  }
0x1c: {  	p1 =	slt.u32 s9, $0xF7A;
	s5 =	simm.s32 @!p2 $0x0  }
0x1d: {  	s5 =	simm.s32 @p1 $0x1;
	p0 =	seq.s32 s7, s2  }
0x1e: {  	s7 =	smul.u32 @!p0 $0xF7A, s2;
	p2 =	seq.s32 @!p0 s5, $0x0  }
0x1f: {  	s9 =	smul.u32 $0xF7A, s1;
	s8 =	simm.s32 @!p0 $0x1BF5;
	p2 =	por !p2, p0  }
0x20: {  	[sflag:s8] =	ssyncset.s32 @!p0 $0xFFFFF086;
	s6 =	sadd.s32 @!p0 s3, s7;
	s7 =	simm.s32 @!p0 $0x108  }
0x21: {  	s3 =	sadd.s32 s3, s9;
	s6 =	sadd.s32 @!p0 $0x88, s6;
	s7 =	simm.s32 @p2 $0x1082  }
0x22: {  	[simem:s7], [sflag:s8] =	dma.local @!p0 [hbm:s6], $0xF7A  }
0x23: {  	s9 =	sor.u32 $0xD0000000, s2;
	s6 =	simm.s32 $0x108;
	_ =	swait.ge @!p0 [sflag:s8], $0x0  }
0x24: {  	s3 =	sadd.s32 $0x88, s3;
	s6 =	simm.s32 @!p1 $0x1082;
	[sflag:s4] =	ssyncset.s32 $0xFFFFF086  }
0x25: {  	[simem:s6], [sflag:s4] =	dma.local [hbm:s3], $0xF7A  }
0x26: {  	[smem:$0x3F96] =	sst s1;
	(tag) =	ssettag s2;
	_ =	strace s9  }
0x27: {  	s1 =	sld [smem:$0x3FA6]  }
0x28: {  	s2 =	sld [smem:$0x3FA7]  }
0x29: {  	s4 =	sld [smem:$0x3FA9]  }
0x2a: {  	p0 =	seq.s32 s5, $0x0;
	s5 =	sld [smem:$0x3FAA]  }
0x2b: {  	s6 =	sld [smem:$0x3FAB]  }
0x2c: {  	s7 =	sld [smem:$0x3FAC]  }
0x2d: {  	s3 =	simm.s32 $0x108;
	s8 =	sld [smem:$0x3FAD]  }
0x2e: {  	s3 =	simm.s32 @!p0 $0x1082;
	s9 =	sld [smem:$0x3FAE]  }
0x2f: {  	lr =	sadd.s32 s0, s3;
	s0 =	sld [smem:$0x3FA5]  }
0x30: {  	s3 =	sld [smem:$0x3FA8]  }
0x31: {  	[smem:$0x3FB1] =	sst s10  }
0x32: {  	s10 =	sld [smem:$0x3FAF];
	_ =	sdelay $0x3  }
0x33: {  	p0 =	seq.s32 s10, $0x1;
	s10 =	sld [smem:$0x3FB1];
	_ =	sdelay $0x3  }
0x34: {  	[smem:$0x3FB1] =	sst s10  }
0x35: {  	s10 =	sld [smem:$0x3FB0];
	_ =	sdelay $0x3  }
0x36: {  	p1 =	seq.s32 s10, $0x1;
	s10 =	sld [smem:$0x3FB1];
	_ =	sdelay $0x3  }
0x37: {  	[smem:$0x3FB1] =	sst s10  }
0x38: {  	s10 =	sld [smem:$0x3FB2]  }
0x39: {  	_ = 	snop;
	(pc) =	sbr.ind lr, $3  }
0x3a: {  	_ = 	snop  }
0x3b: {  	_ = 	snop  }
0x3c: {  	p2 =	seq.s32 s10, $0x1;
	s10 =	sld [smem:$0x3FB1]  }
0x3d: {  	_ =	shalt  }
0x3e: {  	_ =	shalt  }
0x3f: {  	_ =	shalt  }
0x40: {  	_ =	shalt  }
0x41: {  	_ =	shalt  }
0x42: {  	_ =	shalt  }
0x43: {  	_ =	shalt  }
0x44: {  	_ =	shalt  }
0x45: {  	_ =	shalt  }
0x46: {  	_ =	shalt  }
0x47: {  	_ =	shalt  }
0x48: {  	_ =	shalt  }
0x49: {  	_ =	shalt  }
0x4a: {  	_ =	shalt  }
0x4b: {  	_ =	shalt  }
0x4c: {  	_ =	shalt  }
0x4d: {  	_ =	shalt  }
0x4e: {  	_ =	shalt  }
0x4f: {  	_ =	shalt  }
0x50: {  	_ =	shalt  }
0x51: {  	_ =	shalt  }
0x52: {  	_ =	shalt  }
0x53: {  	_ =	shalt  }
0x54: {  	_ =	shalt  }
0x55: {  	_ =	shalt  }
0x56: {  	_ =	shalt  }
0x57: {  	_ =	shalt  }
0x58: {  	_ =	shalt  }
0x59: {  	_ =	shalt  }
0x5a: {  	_ =	shalt  }
0x5b: {  	_ =	shalt  }
0x5c: {  	_ =	shalt  }
0x5d: {  	_ =	shalt  }
0x5e: {  	_ =	shalt  }
0x5f: {  	_ =	shalt  }
0x60: {  	_ =	shalt  }
0x61: {  	_ =	shalt  }
0x62: {  	_ =	shalt  }
0x63: {  	_ =	shalt  }
0x64: {  	_ =	shalt  }
0x65: {  	_ =	shalt  }
0x66: {  	_ =	shalt  }
0x67: {  	_ =	shalt  }
0x68: {  	_ =	shalt  }
0x69: {  	_ =	shalt  }
0x6a: {  	_ =	shalt  }
0x6b: {  	_ =	shalt  }
0x6c: {  	_ =	shalt  }
0x6d: {  	_ =	shalt  }
0x6e: {  	_ =	shalt  }
0x6f: {  	_ =	shalt  }
0x70: {  	_ =	shalt  }
0x71: {  	_ =	shalt  }
0x72: {  	_ =	shalt  }
0x73: {  	_ =	shalt  }
0x74: {  	_ =	shalt  }
0x75: {  	_ =	shalt  }
0x76: {  	_ =	shalt  }
0x77: {  	_ =	shalt  }
0x78: {  	_ =	shalt  }
0x79: {  	_ =	shalt  }
0x7a: {  	_ =	shalt  }
0x7b: {  	_ =	shalt  }
0x7c: {  	_ =	shalt  }
0x7d: {  	_ =	shalt  }
0x7e: {  	_ =	shalt  }
0x7f: {  	_ =	shalt  }
0x80: {  	_ =	shalt  }
0x81: {  	_ =	shalt  }
0x82: {  	_ =	shalt  }
0x83: {  	_ =	shalt  }
0x84: {  	_ =	shalt  }
0x85: {  	_ =	shalt  }
0x86: {  	_ =	shalt  }
0x87: {  	_ =	shalt  }
.Lfunc_end0:
.L_simem_size_0:
called_computation.2_lowered:
.L_overlay_start_0:
0x88: {  	s2 =	sld [smem:$0x3FD9]  }
0x89: {  	s3 =	sld [smem:$0x3FFE];
	_ =	sdelay $0x1  }
0x8a: {  	s1 =	srdreg.scid  }
0x8b: {  	s0 =	sand.u32 $0x1, s1  }
0x8c: {  	s17 =	sshll.u32 s0, $0xA;
	s2 =	sadd.s32 s3, s2  }
0x8d: {  	s2 =	sadd.s32 s2, s17  }
0x8e: {  	[smem:$0x3FBD] =	sst s2  }
0x8f: {  	_ = 	snop  }
0x90: {  	(tm) =	ssettm $0x1  }
0x91: {  	s18 =	sld [smem:$0x3FFB];
	_ =	sdelay $0x3  }
0x92: {  	_ =	strace s18  }
0x93: {  	s2 =	sld [smem:$0x3FFC];
	_ =	sdelay $0x3  }
0x94: {  	_ =	strace s2  }
0x95: {  	s2 =	sld [smem:$0x3FFD];
	_ =	sdelay $0x3  }
0x96: {  	_ =	strace s2  }
0x97: {  	_ =	strace $0x8FFFFFFF  }
0x98: {  	s19 =	sld [smem:$0x3FDB];
	_ =	sdelay $0x1  }
0x99: {  	s20 =	simm.s32 $_scs_section_size  }
0x9a: {  	s4 =	simm.s32 $_size__tile_overlayer_lowered;
	s5 =	simm.s32 $_tile_overlayer_lowered  }
0x9b: {  	s6 =	simm.s32 $0x1BFF;
	s21 =	sshll.u32 s5, $0x1;
	s3 =	sadd.s32 s20, s19  }
0x9c: {  	s22 =	simm.s32 $0x0;
	s4 =	sshll.u32 s4, $0x1;
	s5 =	sadd.s32 s21, s3  }
0x9d: {  	[timem:s22], [sflag:s6] =	dma.local [hbm:s5], s4  }
0x9e: {  	_ =	swait.ge [sflag:s6], s4  }
0x9f: {  	s4 =	ssub.s32 $0x0, s4;
	[sflag:s6] =	ssyncset.done $0x0  }
0xa0: {  	[sflag:s6] =	ssyncadd.s32 s4;
	_ =	sdelay $0x1  }
0xa1: {  	s23 =	simm.s32 $0x1B8B  }
0xa2: {  	_ =	swait.ge [sflag:s23], $0x1  }
0xa3: {  	[sflag:s23] =	ssyncset.done $0x0  }
0xa4: {  	[sflag:s23] =	ssyncadd.s32 $0xFFFFFFFF  }
0xa5: {  	s4 =	sld [smem:$0x0]  }
0xa6: {  	s5 =	sand.u32 $0xFFFFFFFE, s1  }
0xa7: {  	p0 =	sne.s32 s1, s5  }
0xa8: {  	s5 =	sshll.u32 @p0 s5, $0xE  }
0xa9: {  	s5 =	sadd.s32 @p0 $0x11B8D, s5;
	s6 =	sshll.u32 @p0 s4, $0x11  }
0xaa: {  	s5 =	sor.u32 @p0 s6, s5  }
0xab: {  	[sflag:s5] =	ssyncadd.remote.s32 @p0 $0x1;
	_ =	sdelay $0x1  }
0xac: {  	s5 =	simm.s32 @p0 $0x1B8D  }
0xad: {  	_ =	swait.eq @p0 [sflag:s5], $0x1  }
0xae: {  	[sflag:s5] =	ssyncadd.s32 @p0 $0xFFFFFFFF  }
0xaf: {  	s6 =	sshll.u32 @!p0 s1, $0xE  }
0xb0: {  	s6 =	sor.u32 @!p0 $0x4000, s6;
	s5 =	simm.s32 @!p0 $0x1B8D  }
0xb1: {  	s4 =	sshll.u32 @!p0 s4, $0x11;
	s6 =	sadd.s32 @!p0 $0x11B8D, s6;
	_ =	swait.eq @!p0 [sflag:s5], $0x1  }
0xb2: {  	s4 =	sor.u32 @!p0 s4, s6;
	[sflag:s5] =	ssyncadd.s32 @!p0 $0xFFFFFFFF  }
0xb3: {  	s25 =	simm.s32 $0x1B8E;
	s24 =	sld [smem:$0x3FFE];
	[sflag:s4] =	ssyncadd.remote.s32 @!p0 $0x1  }
0xb4: {  	s26 =	simm.s32 $execute0_lowered;
	[smem:$0x3FD2] =	sst s25  }
0xb5: {  	s5 =	sshll.u32 s26, $0x1;
	_ =	strace $0x8000004F;
	[dreg:$0x1] =	wrdreg $0xFFFFFFFF  }
0xb6: {  	s28 =	simm.s32 $_size_execute0_lowered;
	s3 =	sadd.s32 s3, s5;
	[dreg:$0x0] =	wrdreg $0x0  }
0xb7: {  	s5 =	sshll.u32 s28, $0x1;
	[dreg:$0x2] =	wrdreg s3  }
0xb8: {  	[dreg:$0x3] =	wrdreg s5  }
0xb9: {  	[dreg:$0x4] =	wrdreg $0xC0  }
0xba: {  	_ =	task [dreg:s22], $0x5FFFF  }
0xbb: {  	[dreg:$0x1] =	wrdreg $0xFFFFFFFF  }
0xbc: {  	[dreg:$0x0] =	wrdreg $0x60  }
0xbd: {  	[dreg:$0x2] =	wrdreg s24  }
0xbe: {  	[dreg:$0x3] =	wrdreg $0x82000  }
0xbf: {  	[dreg:$0x4] =	wrdreg $0x9  }
0xc0: {  	_ =	task.clear_ibuf [dreg:s22], $0x5FFFF;
	_ =	strace $0x9000004F  }
0xc1: {  	s29 =	simm.s32 $0x9;
	_ =	strace $0x80000051  }
0xc2: {  	_ =	swait.ge [sflag:s29], $0x1  }
0xc3: {  	[sflag:s29] =	ssyncadd.s32 $0xFFFFFFFF  }
0xc4: {  	_ =	strace $0x90000051  }
0xc5: {  	_ =	sfence  }
0xc6: {  	s30 =	sld [smem:$0x0];
	_ =	sdelay $0x2  }
0xc7: {  	s31 =	sshll.u32 s1, $0xD;
	s1 =	sshrl.u32 s1, $0x2  }
0xc8: {  	s4 =	sand.u32 $0x4000, s31;
	s1 =	sadd.s32 s1, s30  }
0xc9: {  	s0 =	sor.u32 s4, s0;
	s1 =	sshll.u32 s1, $0x11  }
0xca: {  	s0 =	sor.u32 s1, s0  }
0xcb: {  	s0 =	sadd.s32 $0x8F2B, s0  }
0xcc: {  	[sflag:s0] =	ssyncadd.remote.s32 $0x1  }
0xcd: {  	_ =	sfence.sel $0xFFFF  }
0xce: {  	[dreg:$0x0] =	wrdreg $0xFFFFFFFF;
	(pc) =	sbr.abs _section_cstart, $3  }
0xcf: {  	[dreg:$0x1] =	wrdreg $0xFFFFFFFF  }
0xd0: {  	_ =	task.clear_ibuf [dreg:s22], $0x2FFFF;
	_ =	strace $0x9FFFFFFF  }
0xd1: {  	(tm) =	ssettm $0x7FFFFFFF  }
tec
execute0_lowered:
.L_overlay_start_1:
0x0: {  	(tag) =	ssettag $0x1  }
0x1: {  	s5 =	rddreg [dreg:$0x0]  }
0x2: {  	s1 =	rddreg [dreg:$0x1]  }
0x3: {  	s3 =	simm.s32 $0x0;
	s2 =	stileid.u32;
	s6 =	srdreg.scid  }
0x4: {  	s19 =	simm.s32 $0x80;
	s20 =	simm.s32 $0x200;
	s21 =	simm.s32 $0x100  }
0x5: {  	s22 =	simm.s32 $0x180;
	[smem:$0x7FF] =	sst s3;
	s7 =	smul.u32 $0x2780, s2  }
0x6: {  	s4 =	sadd.s32 $0x66000, s5;
	s15 =	sadd.s32 $0xD600, s5;
	s11 =	smul.u32 $0x4F000, s2  }
0x7: {  	s6 =	sand.u32 $0x1, s6;
	s16 =	sadd.s32 $0x3600, s5;
	s28 =	smul.u32 $0x50, s2  }
0x8: {  	s29 =	sshll.u32 s2, $0x6;
	_ =	strace $0x80000050;
	s8 =	smul.u32 $0x27800, s6  }
0x9: {  	s9 =	sshll.u32 s6, $0x4;
	s23 =	ssub.s32 $0x2, s6;
	s13 =	smul.u32 $0x500, s6  }
0xa: {  	s6 =	sor.u32 $0x1C03, s29;
	s10 =	sadd.s32 s7, s5;
	s9 =	sor.u32 s2, s9  }
0xb: {  	s25 =	sshrl.u32 s23, $0x1;
	s26 =	sshrl.u32 s11, $0x2;
	s7 =	sadd.s32 s7, s8  }
0xc: {  	s12 =	smul.u32 $0x500, s9;
	s14 =	ssub.s32 s23, s25;
	s17 =	sadd.s32 s26, s1  }
0xd: {  	s30 =	sadd.s32 s28, s13;
	s23 =	simm.s32 $0x4200;
	s25 =	simm.s32 $0x2  }
0xe: {  	s26 =	simm.s32 $0x0;
	s24 =	sadd.s32 s7, s5;
	s5 =	sadd.s32 $0x17600, s10  }
0xf: {  	s18 =	sshll.u32 s30, $0x4;
	s10 =	smax.u32 s14, $0x1;
	s17 =	sshrl.u32 s17, $0x3  }
0x10: {  	s7 =	sadd.s32 s15, s12;
	s8 =	sadd.s32 s16, s12;
	s9 =	sadd.s32 $0x152C00, s24  }
0x11: {  	s12 =	sadd.s32 $0x4F0, s12;
	s31 =	sor.u32 $0x20, s18;
	s24 =	simm.s32 $0x1  }
0x12: {  	s11 =	sadd.s32 s15, s12;
	s12 =	sadd.s32 s16, s12;
	s13 =	sadd.s32 s31, s15  }
0x13: {  	s14 =	sadd.s32 s31, s16;
	s15 =	sadd.s32 s18, s15;
	s16 =	sadd.s32 s18, s16  }
0x14: {  	s18 =	simm.s32 $0x3;
	s15 =	sadd.s32 $0x10, s15;
	s16 =	sadd.s32 $0x10, s16  }
.LBB2_1:
0x15: {  	[spmem:s17], [sflag:s6] =	dma.local [hbm:s5], $0x2780  }
0x16: {  	_ =	swait.ge [sflag:s18], $0x2780  }
0x17: {  	[sflag:s18] =	ssyncset.done $0x0  }
0x18: {  	[sflag:s18] =	ssyncadd.s32 $0xFFFFD880  }
0x19: {  	[bflag:$0x0] =	sbarrier.arrive $0xFFFF  }
0x1a: {  	[tilespmem:s3], [sflag:$0x3] =	stream.linear.gather [hbm4b:s7+s3], $0x80, $0x38;
	[tilespmem:$0x1BE00] =	vst v63  }
0x1b: {  	_ =	swait.ge [sflag:s18], $0x80  }
0x1c: {  	[sflag:s18] =	ssyncset.done $0x0  }
0x1d: {  	[sflag:s18] =	ssyncadd.s32 $0xFFFFFF80  }
0x1e: {  	[tilespmem:s19], [sflag:$0x3] =	stream.linear.gather [hbm4b:s8+s3], $0x80, $0x38;
	[tilespmem:$0x1BE00] =	vst v63  }
0x1f: {  	_ =	swait.ge [sflag:s18], $0x80  }
0x20: {  	[sflag:s18] =	ssyncset.done $0x0  }
0x21: {  	[sflag:s18] =	ssyncadd.s32 $0xFFFFFF80  }
0x22: {  	[tilespmem:s20], [sflag:$0x1] =	stream.indirect.gather [hbm4b:s4+s19], $0x80, s3, s19, $0xb8;
	[tilespmem:$0x1BE00] =	vst v63  }
0x23: {  	s28 =	sadd.s32 $0x0, s15  }
0x24: {  	[tilespmem:s21], [sflag:$0x3] =	stream.linear.gather [hbm4b:s28+s3], $0x80, $0x38;
	[tilespmem:$0x1BE00] =	vst v63  }
0x25: {  	_ =	swait.ge [sflag:s18], $0x80  }
0x26: {  	[sflag:s18] =	ssyncset.done $0x0  }
0x27: {  	s28 =	sadd.s32 $0x0, s16;
	[sflag:s18] =	ssyncadd.s32 $0xFFFFFF80  }
0x28: {  	[tilespmem:s22], [sflag:$0x3] =	stream.linear.gather [hbm4b:s28+s3], $0x80, $0x38;
	[tilespmem:$0x1BE00] =	vst v63  }
0x29: {  	_ =	swait.ge [sflag:s18], $0x80  }
0x2a: {  	[sflag:s18] =	ssyncset.done $0x0  }
0x2b: {  	[sflag:s18] =	ssyncadd.s32 $0xFFFFFF80  }
0x2c: {  	[tilespmem:s23], [sflag:$0x2] =	stream.indirect.gather [hbm4b:s4+s19], $0x80, s21, s19, $0xb8;
	[tilespmem:$0x1BE00] =	vst v63  }
0x2d: {  	_ =	swait.ge [sflag:s24], $0x4000  }
0x2e: {  	[sflag:s24] =	ssyncset.done $0x0  }
0x2f: {  	[sflag:s24] =	ssyncadd.s32 $0xFFFFC000  }
0x30: {  	[spmem:s1] =	stream.indirect.scatter.add.f32 [tilespmem:s20], [sflag:$0x3], $0x80, s19, s19, $0xb8;
	[tilespmem:$0x1BE00] =	vst v63  }
0x31: {  	_ =	swait.ge [sflag:s18], $0x4000  }
0x32: {  	[sflag:s18] =	ssyncset.done $0x0  }
0x33: {  	s28 =	sadd.s32 $0x0, s13;
	[sflag:s18] =	ssyncadd.s32 $0xFFFFC000  }
0x34: {  	[tilespmem:s3], [sflag:$0x3] =	stream.linear.gather [hbm4b:s28+s3], $0x80, $0x38;
	[tilespmem:$0x1BE00] =	vst v63  }
0x35: {  	_ =	swait.ge [sflag:s18], $0x80  }
0x36: {  	[sflag:s18] =	ssyncset.done $0x0  }
0x37: {  	s28 =	sadd.s32 $0x0, s14;
	[sflag:s18] =	ssyncadd.s32 $0xFFFFFF80  }
0x38: {  	[tilespmem:s19], [sflag:$0x3] =	stream.linear.gather [hbm4b:s28+s3], $0x80, $0x38;
	[tilespmem:$0x1BE00] =	vst v63  }
0x39: {  	_ =	swait.ge [sflag:s18], $0x80  }
0x3a: {  	[sflag:s18] =	ssyncset.done $0x0  }
0x3b: {  	[sflag:s18] =	ssyncadd.s32 $0xFFFFFF80  }
0x3c: {  	[tilespmem:s20], [sflag:$0x1] =	stream.indirect.gather [hbm4b:s4+s19], $0x80, s3, s19, $0xb8;
	[tilespmem:$0x1BE00] =	vst v63  }
0x3d: {  	_ =	swait.ge [sflag:s25], $0x4000  }
0x3e: {  	[sflag:s25] =	ssyncset.done $0x0  }
0x3f: {  	[sflag:s25] =	ssyncadd.s32 $0xFFFFC000  }
0x40: {  	[spmem:s1] =	stream.indirect.scatter.add.f32 [tilespmem:s23], [sflag:$0x3], $0x80, s22, s19, $0xb8;
	[tilespmem:$0x1BE00] =	vst v63  }
0x41: {  	_ =	swait.ge [sflag:s18], $0x4000  }
0x42: {  	s30 =	simm.s32 $0x40;
	s28 =	simm.s32 $0x20;
	[sflag:s18] =	ssyncset.done $0x0  }
.LBB2_2:
0x43: {  	s31 =	sadd.s32 s28, s15  }
0x44: {  	[sflag:s18] =	ssyncadd.s32 $0xFFFFC000;
	s0 =	smov.u32 s30;
	s29 =	sadd.s32 $0x20, s30  }
0x45: {  	[tilespmem:s21], [sflag:$0x3] =	stream.linear.gather [hbm4b:s31+s3], $0x80, $0x38;
	[tilespmem:$0x1BE00] =	vst v63  }
0x46: {  	p0 =	sne.s32 s30, $0x4C0;
	_ =	swait.ge [sflag:s18], $0x80  }
0x47: {  	[sflag:s18] =	ssyncset.done $0x0  }
0x48: {  	s30 =	sadd.s32 s28, s16;
	[sflag:s18] =	ssyncadd.s32 $0xFFFFFF80  }
0x49: {  	[tilespmem:s22], [sflag:$0x3] =	stream.linear.gather [hbm4b:s30+s3], $0x80, $0x38;
	[tilespmem:$0x1BE00] =	vst v63  }
0x4a: {  	_ =	swait.ge [sflag:s18], $0x80  }
0x4b: {  	[sflag:s18] =	ssyncset.done $0x0  }
0x4c: {  	[sflag:s18] =	ssyncadd.s32 $0xFFFFFF80  }
0x4d: {  	[tilespmem:s23], [sflag:$0x2] =	stream.indirect.gather [hbm4b:s4+s19], $0x80, s21, s19, $0xb8;
	[tilespmem:$0x1BE00] =	vst v63  }
0x4e: {  	_ =	swait.ge [sflag:s24], $0x4000  }
0x4f: {  	[sflag:s24] =	ssyncset.done $0x0  }
0x50: {  	[sflag:s24] =	ssyncadd.s32 $0xFFFFC000  }
0x51: {  	[spmem:s1] =	stream.indirect.scatter.add.f32 [tilespmem:s20], [sflag:$0x3], $0x80, s19, s19, $0xb8;
	[tilespmem:$0x1BE00] =	vst v63  }
0x52: {  	_ =	swait.ge [sflag:s18], $0x4000  }
0x53: {  	[sflag:s18] =	ssyncset.done $0x0  }
0x54: {  	s30 =	sadd.s32 s28, s13;
	[sflag:s18] =	ssyncadd.s32 $0xFFFFC000  }
0x55: {  	[tilespmem:s3], [sflag:$0x3] =	stream.linear.gather [hbm4b:s30+s3], $0x80, $0x38;
	[tilespmem:$0x1BE00] =	vst v63  }
0x56: {  	_ =	swait.ge [sflag:s18], $0x80  }
0x57: {  	[sflag:s18] =	ssyncset.done $0x0  }
0x58: {  	s30 =	sadd.s32 s28, s14;
	s28 =	smov.u32 s0;
	[sflag:s18] =	ssyncadd.s32 $0xFFFFFF80  }
0x59: {  	[tilespmem:s19], [sflag:$0x3] =	stream.linear.gather [hbm4b:s30+s3], $0x80, $0x38;
	[tilespmem:$0x1BE00] =	vst v63  }
0x5a: {  	_ =	swait.ge [sflag:s18], $0x80  }
0x5b: {  	[sflag:s18] =	ssyncset.done $0x0  }
0x5c: {  	[sflag:s18] =	ssyncadd.s32 $0xFFFFFF80  }
0x5d: {  	[tilespmem:s20], [sflag:$0x1] =	stream.indirect.gather [hbm4b:s4+s19], $0x80, s3, s19, $0xb8;
	[tilespmem:$0x1BE00] =	vst v63  }
0x5e: {  	_ =	swait.ge [sflag:s25], $0x4000  }
.Ltmp0:
0x5f: {  	[sflag:s25] =	ssyncset.done $0x0;
	(pc) =	sbr.rel @p0 .LBB2_2-.Ltmp0, $4  }
0x60: {  	[sflag:s25] =	ssyncadd.s32 $0xFFFFC000  }
0x61: {  	[spmem:s1] =	stream.indirect.scatter.add.f32 [tilespmem:s23], [sflag:$0x3], $0x80, s22, s19, $0xb8;
	[tilespmem:$0x1BE00] =	vst v63  }
0x62: {  	_ =	swait.ge [sflag:s18], $0x4000  }
0x63: {  	s30 =	smov.u32 s29;
	[sflag:s18] =	ssyncset.done $0x0  }
0x64: {  	s0 =	sadd.s32 s28, s15;
	[sflag:s18] =	ssyncadd.s32 $0xFFFFC000  }
0x65: {  	[tilespmem:s21], [sflag:$0x3] =	stream.linear.gather [hbm4b:s0+s3], $0x80, $0x38;
	[tilespmem:$0x1BE00] =	vst v63  }
0x66: {  	_ =	swait.ge [sflag:s18], $0x80  }
0x67: {  	[sflag:s18] =	ssyncset.done $0x0  }
0x68: {  	s29 =	sadd.s32 s28, s16;
	[sflag:s18] =	ssyncadd.s32 $0xFFFFFF80  }
0x69: {  	[tilespmem:s22], [sflag:$0x3] =	stream.linear.gather [hbm4b:s29+s3], $0x80, $0x38;
	[tilespmem:$0x1BE00] =	vst v63  }
0x6a: {  	_ =	swait.ge [sflag:s18], $0x80  }
0x6b: {  	[sflag:s18] =	ssyncset.done $0x0  }
0x6c: {  	[sflag:s18] =	ssyncadd.s32 $0xFFFFFF80  }
0x6d: {  	[tilespmem:s23], [sflag:$0x2] =	stream.indirect.gather [hbm4b:s4+s19], $0x80, s21, s19, $0xb8;
	[tilespmem:$0x1BE00] =	vst v63  }
0x6e: {  	_ =	swait.ge [sflag:s24], $0x4000  }
0x6f: {  	[sflag:s24] =	ssyncset.done $0x0  }
0x70: {  	[sflag:s24] =	ssyncadd.s32 $0xFFFFC000  }
0x71: {  	[spmem:s1] =	stream.indirect.scatter.add.f32 [tilespmem:s20], [sflag:$0x3], $0x80, s19, s19, $0xb8;
	[tilespmem:$0x1BE00] =	vst v63  }
0x72: {  	_ =	swait.ge [sflag:s18], $0x4000  }
0x73: {  	[sflag:s18] =	ssyncset.done $0x0  }
0x74: {  	s30 =	sadd.s32 s28, s13;
	[sflag:s18] =	ssyncadd.s32 $0xFFFFC000  }
0x75: {  	[tilespmem:s3], [sflag:$0x3] =	stream.linear.gather [hbm4b:s30+s3], $0x80, $0x38;
	[tilespmem:$0x1BE00] =	vst v63  }
0x76: {  	_ =	swait.ge [sflag:s18], $0x80  }
0x77: {  	[sflag:s18] =	ssyncset.done $0x0  }
0x78: {  	s31 =	sadd.s32 s28, s14;
	[sflag:s18] =	ssyncadd.s32 $0xFFFFFF80  }
0x79: {  	[tilespmem:s19], [sflag:$0x3] =	stream.linear.gather [hbm4b:s31+s3], $0x80, $0x38;
	[tilespmem:$0x1BE00] =	vst v63  }
0x7a: {  	_ =	swait.ge [sflag:s18], $0x80  }
0x7b: {  	[sflag:s18] =	ssyncset.done $0x0  }
0x7c: {  	[sflag:s18] =	ssyncadd.s32 $0xFFFFFF80  }
0x7d: {  	[tilespmem:s20], [sflag:$0x1] =	stream.indirect.gather [hbm4b:s4+s19], $0x80, s3, s19, $0xb8;
	[tilespmem:$0x1BE00] =	vst v63  }
0x7e: {  	_ =	swait.ge [sflag:s25], $0x4000  }
0x7f: {  	[sflag:s25] =	ssyncset.done $0x0  }
0x80: {  	[sflag:s25] =	ssyncadd.s32 $0xFFFFC000  }
0x81: {  	[spmem:s1] =	stream.indirect.scatter.add.f32 [tilespmem:s23], [sflag:$0x3], $0x80, s22, s19, $0xb8;
	[tilespmem:$0x1BE00] =	vst v63  }
0x82: {  	_ =	swait.ge [sflag:s18], $0x4000  }
0x83: {  	[sflag:s18] =	ssyncset.done $0x0  }
0x84: {  	[sflag:s18] =	ssyncadd.s32 $0xFFFFC000  }
0x85: {  	[tilespmem:s21], [sflag:$0x3] =	stream.linear.gather [hbm4b:s11+s3], $0x80, $0x38;
	[tilespmem:$0x1BE00] =	vst v63  }
0x86: {  	_ =	swait.ge [sflag:s18], $0x80  }
0x87: {  	[sflag:s18] =	ssyncset.done $0x0  }
0x88: {  	[sflag:s18] =	ssyncadd.s32 $0xFFFFFF80  }
0x89: {  	[tilespmem:s22], [sflag:$0x3] =	stream.linear.gather [hbm4b:s12+s3], $0x80, $0x38;
	[tilespmem:$0x1BE00] =	vst v63  }
0x8a: {  	_ =	swait.ge [sflag:s18], $0x80  }
0x8b: {  	[sflag:s18] =	ssyncset.done $0x0  }
0x8c: {  	[sflag:s18] =	ssyncadd.s32 $0xFFFFFF80  }
0x8d: {  	[tilespmem:s23], [sflag:$0x2] =	stream.indirect.gather [hbm4b:s4+s19], $0x80, s21, s19, $0xb8;
	[tilespmem:$0x1BE00] =	vst v63  }
0x8e: {  	_ =	swait.ge [sflag:s24], $0x4000  }
0x8f: {  	[sflag:s24] =	ssyncset.done $0x0  }
0x90: {  	[sflag:s24] =	ssyncadd.s32 $0xFFFFC000  }
0x91: {  	[spmem:s1] =	stream.indirect.scatter.add.f32 [tilespmem:s20], [sflag:$0x3], $0x80, s19, s19, $0xb8;
	[tilespmem:$0x1BE00] =	vst v63  }
0x92: {  	_ =	swait.ge [sflag:s18], $0x4000  }
0x93: {  	[sflag:s18] =	ssyncset.done $0x0  }
0x94: {  	[sflag:s18] =	ssyncadd.s32 $0xFFFFC000  }
0x95: {  	_ =	swait.ge [sflag:s25], $0x4000  }
0x96: {  	[sflag:s25] =	ssyncset.done $0x0  }
0x97: {  	[sflag:s25] =	ssyncadd.s32 $0xFFFFC000  }
0x98: {  	[spmem:s1] =	stream.indirect.scatter.add.f32 [tilespmem:s23], [sflag:$0x3], $0x80, s22, s19, $0xb8;
	[tilespmem:$0x1BE00] =	vst v63  }
0x99: {  	_ =	swait.ge [sflag:s18], $0x4000  }
0x9a: {  	s26 =	sadd.s32 $0x1, s26;
	[sflag:s18] =	ssyncset.done $0x0  }
0x9b: {  	p0 =	sne.s32 s26, s10;
	[sflag:s18] =	ssyncadd.s32 $0xFFFFC000  }
.Ltmp1:
0x9c: {  	[bflag:$0x0] =	sbarrier.arrive $0xFFFF;
	(pc) =	sbr.rel @p0 .LBB2_1-.Ltmp1, $4  }
0x9d: {  	[hbm:s9], [sflag:s6] =	dma.local [spmem:s17], $0x2780  }
0x9e: {  	_ =	swait.ge [sflag:s18], $0x2780  }
0x9f: {  	[sflag:s18] =	ssyncset.done $0x0  }
0xa0: {  	[sflag:s18] =	ssyncadd.s32 $0xFFFFD880  }
0xa1: {  	_ =	sfence.sel $0x180000  }
0xa2: {  	[bflag:$0x0] =	sbarrier.arrive $0xFFFF  }
0xa3: {  	_ =	strace $0x90000050  }
0xa4: {  	[bflag:$0x2] =	sbarrier.arrive $0xFFFF  }
0xa5: {  	p0 =	sne.s32 s2, $0x0;
	s0 =	rddreg [dreg:$0x2]  }
0xa6: {  	s0 =	sadd.s32 @!p0 $0x100000, s0  }
0xa7: {  	[sflag:s0] =	ssyncadd.tile.s32 @!p0 $0x1;
	_ =	shalt  }
.Lfunc_end2:
_tile_overlayer_lowered:
.L_overlay_start_2:
0xa8: {  	(tag) =	ssettag $0x2  }
0xa9: {  	s0 =	rddreg [dreg:$0x0];
	s2 =	stileid.u32  }
0xaa: {  	s1 =	rddreg [dreg:$0x1];
	p0 =	sne.s32 s2, $0x0  }
0xab: {  	s3 =	rddreg [dreg:$0x2];
	[bflag:$0x3] =	sbarrier.arrive $0xFFFF;
	s2 =	simm.s32 @!p0 $0x1C03  }
0xac: {  	[timem:s3], [sflag:s2] =	dma.local @!p0 [hbm:s0], s1  }
0xad: {  	s0 =	simm.s32 @!p0 $0x3  }
0xae: {  	_ =	swait.ge @!p0 [sflag:s0], s1  }
0xaf: {  	s1 =	ssub.s32 @!p0 $0x0, s1;
	[sflag:s0] =	ssyncset.done @!p0 $0x0  }
0xb0: {  	[sflag:s0] =	ssyncadd.s32 @!p0 s1  }
0xb1: {  	[bflag:$0x3] =	sbarrier.arrive $0xFFFF  }
0xb2: {  	_ =	shalt  }

// kernel: kernel.17.cloned.1.call-start
scs
__scs_entry_jumppad:
0x0: {  	(pc) =	sbr.rel $0x88, $3  }
0x1: {  	(tag) =	ssettag $0x0;
	lr =	simm.s32 $0x1  }
0x2: {  	[smem:$0x3F96] =	sst lr;
	_ =	strace $0xD0000000  }
0x3: {  	_ = 	snop  }
0x4: {  	_ = 	snop  }
0x5: {  	_ = 	snop  }
0x6: {  	_ = 	snop  }
0x7: {  	_ = 	snop  }
__scs_overlays_trampoline_lowered:
0x8: {  	[smem:$0x3FA5] =	sst s0  }
0x9: {  	[smem:$0x3FA6] =	sst s1  }
0xa: {  	[smem:$0x3FA7] =	sst s2  }
0xb: {  	[smem:$0x3FA8] =	sst s3  }
0xc: {  	[smem:$0x3FA9] =	sst s4  }
0xd: {  	[smem:$0x3FAA] =	sst s5  }
0xe: {  	[smem:$0x3FAB] =	sst s6  }
0xf: {  	[smem:$0x3FAC] =	sst s7  }
0x10: {  	[smem:$0x3FAD] =	sst s8  }
0x11: {  	[smem:$0x3FAE] =	sst s9;
	s0 =	simm.s32 @!p0 $0x0  }
0x12: {  	s1 =	sld [smem:$0x3F94];
	s0 =	simm.s32 @p0 $0x1  }
0x13: {  	[smem:$0x3FAF] =	sst s0;
	s0 =	simm.s32 @!p1 $0x0  }
0x14: {  	s2 =	sld [smem:$0x3F93];
	s0 =	simm.s32 @p1 $0x1  }
0x15: {  	[smem:$0x3FB0] =	sst s0;
	s0 =	simm.s32 @!p2 $0x0  }
0x16: {  	s3 =	sld [smem:$0x3FDB];
	s0 =	simm.s32 @p2 $0x1  }
0x17: {  	s4 =	simm.s32 $0x1BF5;
	[smem:$0x3FB2] =	sst s0  }
0x18: {  	s0 =	sld [smem:$0x3F95];
	_ =	swait.ge [sflag:s4], $0x0  }
0x19: {  	s7 =	sld [smem:$0x3F96]  }
0x1a: {  	s8 =	sadd.s32 $0xFFFFE003, lr  }
0x1b: {  	s9 =	sadd.s32 $0xFFFFFEF7, lr;
	s5 =	simm.s32 $0xFFFFFFFF;
	p2 =	slt.u32 s8, $0xFFFFF086  }
0x1c: {  	p1 =	slt.u32 s9, $0xF7A;
	s5 =	simm.s32 @!p2 $0x0  }
0x1d: {  	s5 =	simm.s32 @p1 $0x1;
	p0 =	seq.s32 s7, s2  }
0x1e: {  	s7 =	smul.u32 @!p0 $0xF7A, s2;
	p2 =	seq.s32 @!p0 s5, $0x0  }
0x1f: {  	s9 =	smul.u32 $0xF7A, s1;
	s8 =	simm.s32 @!p0 $0x1BF5;
	p2 =	por !p2, p0  }
0x20: {  	[sflag:s8] =	ssyncset.s32 @!p0 $0xFFFFF086;
	s6 =	sadd.s32 @!p0 s3, s7;
	s7 =	simm.s32 @!p0 $0x108  }
0x21: {  	s3 =	sadd.s32 s3, s9;
	s6 =	sadd.s32 @!p0 $0x88, s6;
	s7 =	simm.s32 @p2 $0x1082  }
0x22: {  	[simem:s7], [sflag:s8] =	dma.local @!p0 [hbm:s6], $0xF7A  }
0x23: {  	s9 =	sor.u32 $0xD0000000, s2;
	s6 =	simm.s32 $0x108;
	_ =	swait.ge @!p0 [sflag:s8], $0x0  }
0x24: {  	s3 =	sadd.s32 $0x88, s3;
	s6 =	simm.s32 @!p1 $0x1082;
	[sflag:s4] =	ssyncset.s32 $0xFFFFF086  }
0x25: {  	[simem:s6], [sflag:s4] =	dma.local [hbm:s3], $0xF7A  }
0x26: {  	[smem:$0x3F96] =	sst s1;
	(tag) =	ssettag s2;
	_ =	strace s9  }
0x27: {  	s1 =	sld [smem:$0x3FA6]  }
0x28: {  	s2 =	sld [smem:$0x3FA7]  }
0x29: {  	s4 =	sld [smem:$0x3FA9]  }
0x2a: {  	p0 =	seq.s32 s5, $0x0;
	s5 =	sld [smem:$0x3FAA]  }
0x2b: {  	s6 =	sld [smem:$0x3FAB]  }
0x2c: {  	s7 =	sld [smem:$0x3FAC]  }
0x2d: {  	s3 =	simm.s32 $0x108;
	s8 =	sld [smem:$0x3FAD]  }
0x2e: {  	s3 =	simm.s32 @!p0 $0x1082;
	s9 =	sld [smem:$0x3FAE]  }
0x2f: {  	lr =	sadd.s32 s0, s3;
	s0 =	sld [smem:$0x3FA5]  }
0x30: {  	s3 =	sld [smem:$0x3FA8]  }
0x31: {  	[smem:$0x3FB1] =	sst s10  }
0x32: {  	s10 =	sld [smem:$0x3FAF];
	_ =	sdelay $0x3  }
0x33: {  	p0 =	seq.s32 s10, $0x1;
	s10 =	sld [smem:$0x3FB1];
	_ =	sdelay $0x3  }
0x34: {  	[smem:$0x3FB1] =	sst s10  }
0x35: {  	s10 =	sld [smem:$0x3FB0];
	_ =	sdelay $0x3  }
0x36: {  	p1 =	seq.s32 s10, $0x1;
	s10 =	sld [smem:$0x3FB1];
	_ =	sdelay $0x3  }
0x37: {  	[smem:$0x3FB1] =	sst s10  }
0x38: {  	s10 =	sld [smem:$0x3FB2]  }
0x39: {  	_ = 	snop;
	(pc) =	sbr.ind lr, $3  }
0x3a: {  	_ = 	snop  }
0x3b: {  	_ = 	snop  }
0x3c: {  	p2 =	seq.s32 s10, $0x1;
	s10 =	sld [smem:$0x3FB1]  }
0x3d: {  	_ =	shalt  }
0x3e: {  	_ =	shalt  }
0x3f: {  	_ =	shalt  }
0x40: {  	_ =	shalt  }
0x41: {  	_ =	shalt  }
0x42: {  	_ =	shalt  }
0x43: {  	_ =	shalt  }
0x44: {  	_ =	shalt  }
0x45: {  	_ =	shalt  }
0x46: {  	_ =	shalt  }
0x47: {  	_ =	shalt  }
0x48: {  	_ =	shalt  }
0x49: {  	_ =	shalt  }
0x4a: {  	_ =	shalt  }
0x4b: {  	_ =	shalt  }
0x4c: {  	_ =	shalt  }
0x4d: {  	_ =	shalt  }
0x4e: {  	_ =	shalt  }
0x4f: {  	_ =	shalt  }
0x50: {  	_ =	shalt  }
0x51: {  	_ =	shalt  }
0x52: {  	_ =	shalt  }
0x53: {  	_ =	shalt  }
0x54: {  	_ =	shalt  }
0x55: {  	_ =	shalt  }
0x56: {  	_ =	shalt  }
0x57: {  	_ =	shalt  }
0x58: {  	_ =	shalt  }
0x59: {  	_ =	shalt  }
0x5a: {  	_ =	shalt  }
0x5b: {  	_ =	shalt  }
0x5c: {  	_ =	shalt  }
0x5d: {  	_ =	shalt  }
0x5e: {  	_ =	shalt  }
0x5f: {  	_ =	shalt  }
0x60: {  	_ =	shalt  }
0x61: {  	_ =	shalt  }
0x62: {  	_ =	shalt  }
0x63: {  	_ =	shalt  }
0x64: {  	_ =	shalt  }
0x65: {  	_ =	shalt  }
0x66: {  	_ =	shalt  }
0x67: {  	_ =	shalt  }
0x68: {  	_ =	shalt  }
0x69: {  	_ =	shalt  }
0x6a: {  	_ =	shalt  }
0x6b: {  	_ =	shalt  }
0x6c: {  	_ =	shalt  }
0x6d: {  	_ =	shalt  }
0x6e: {  	_ =	shalt  }
0x6f: {  	_ =	shalt  }
0x70: {  	_ =	shalt  }
0x71: {  	_ =	shalt  }
0x72: {  	_ =	shalt  }
0x73: {  	_ =	shalt  }
0x74: {  	_ =	shalt  }
0x75: {  	_ =	shalt  }
0x76: {  	_ =	shalt  }
0x77: {  	_ =	shalt  }
0x78: {  	_ =	shalt  }
0x79: {  	_ =	shalt  }
0x7a: {  	_ =	shalt  }
0x7b: {  	_ =	shalt  }
0x7c: {  	_ =	shalt  }
0x7d: {  	_ =	shalt  }
0x7e: {  	_ =	shalt  }
0x7f: {  	_ =	shalt  }
0x80: {  	_ =	shalt  }
0x81: {  	_ =	shalt  }
0x82: {  	_ =	shalt  }
0x83: {  	_ =	shalt  }
0x84: {  	_ =	shalt  }
0x85: {  	_ =	shalt  }
0x86: {  	_ =	shalt  }
0x87: {  	_ =	shalt  }
.Lfunc_end0:
.L_simem_size_0:
called_computation.3_lowered:
.L_overlay_start_0:
0x88: {  	s2 =	sld [smem:$0x3FD9]  }
0x89: {  	s3 =	sld [smem:$0x3FFE];
	_ =	sdelay $0x1  }
0x8a: {  	s1 =	srdreg.scid  }
0x8b: {  	s0 =	sand.u32 $0x1, s1  }
0x8c: {  	s16 =	sshll.u32 s0, $0xA;
	s2 =	sadd.s32 s3, s2  }
0x8d: {  	s2 =	sadd.s32 s2, s16  }
0x8e: {  	[smem:$0x3FBD] =	sst s2  }
0x8f: {  	_ = 	snop  }
0x90: {  	(tm) =	ssettm $0x1  }
0x91: {  	s17 =	sld [smem:$0x3FFB];
	_ =	sdelay $0x3  }
0x92: {  	_ =	strace s17  }
0x93: {  	s2 =	sld [smem:$0x3FFC];
	_ =	sdelay $0x3  }
0x94: {  	_ =	strace s2  }
0x95: {  	s2 =	sld [smem:$0x3FFD];
	_ =	sdelay $0x3  }
0x96: {  	_ =	strace s2  }
0x97: {  	_ =	strace $0x8FFFFFFF  }
0x98: {  	s18 =	sld [smem:$0x3FDB];
	_ =	sdelay $0x1  }
0x99: {  	s19 =	simm.s32 $_scs_section_size  }
0x9a: {  	s4 =	simm.s32 $_size__tile_overlayer_lowered;
	s5 =	simm.s32 $_tile_overlayer_lowered  }
0x9b: {  	s22 =	simm.s32 $0x1BFF;
	s21 =	sshll.u32 s5, $0x1;
	s2 =	sadd.s32 s19, s18  }
0x9c: {  	s6 =	simm.s32 $0x0;
	s20 =	sshll.u32 s4, $0x1;
	s4 =	sadd.s32 s21, s2  }
0x9d: {  	[timem:s6], [sflag:s22] =	dma.local [hbm:s4], s20  }
0x9e: {  	_ =	swait.ge [sflag:s22], s20  }
0x9f: {  	s3 =	ssub.s32 $0x0, s20;
	[sflag:s22] =	ssyncset.done $0x0  }
0xa0: {  	[sflag:s22] =	ssyncadd.s32 s3;
	_ =	sdelay $0x1  }
0xa1: {  	s23 =	simm.s32 $0x1B8B  }
0xa2: {  	_ =	swait.ge [sflag:s23], $0x1  }
0xa3: {  	[sflag:s23] =	ssyncset.done $0x0  }
0xa4: {  	s25 =	simm.s32 $0x1B8E;
	s24 =	sld [smem:$0x3FFE];
	[sflag:s23] =	ssyncadd.s32 $0xFFFFFFFF  }
0xa5: {  	s26 =	simm.s32 $execute0_lowered;
	[smem:$0x3FD2] =	sst s25  }
0xa6: {  	s4 =	sshll.u32 s26, $0x1;
	_ =	strace $0x8000004C;
	[dreg:$0x1] =	wrdreg $0xFFFFFFFF  }
0xa7: {  	s28 =	simm.s32 $_size_execute0_lowered;
	s2 =	sadd.s32 s2, s4;
	[dreg:$0x0] =	wrdreg $0x0  }
0xa8: {  	s4 =	sshll.u32 s28, $0x1;
	[dreg:$0x2] =	wrdreg s2  }
0xa9: {  	[dreg:$0x3] =	wrdreg s4  }
0xaa: {  	[dreg:$0x4] =	wrdreg $0xC0  }
0xab: {  	_ =	task [dreg:s6], $0x5FFFF  }
0xac: {  	[dreg:$0x1] =	wrdreg $0xFFFFFFFF  }
0xad: {  	[dreg:$0x0] =	wrdreg $0x60  }
0xae: {  	[dreg:$0x2] =	wrdreg s24  }
0xaf: {  	[dreg:$0x3] =	wrdreg $0x82000  }
0xb0: {  	[dreg:$0x4] =	wrdreg $0xA  }
0xb1: {  	_ =	task.clear_ibuf [dreg:s6], $0x5FFFF;
	_ =	strace $0x9000004C  }
0xb2: {  	s29 =	simm.s32 $0xA;
	_ =	strace $0x8000004E  }
0xb3: {  	_ =	swait.ge [sflag:s29], $0x1  }
0xb4: {  	[sflag:s29] =	ssyncadd.s32 $0xFFFFFFFF  }
0xb5: {  	_ =	strace $0x9000004E  }
0xb6: {  	_ =	sfence  }
0xb7: {  	s30 =	sld [smem:$0x0];
	_ =	sdelay $0x2  }
0xb8: {  	s31 =	sshll.u32 s1, $0xD;
	s1 =	sshrl.u32 s1, $0x2  }
0xb9: {  	s3 =	sand.u32 $0x4000, s31;
	s1 =	sadd.s32 s1, s30  }
0xba: {  	s0 =	sor.u32 s3, s0;
	s1 =	sshll.u32 s1, $0x11  }
0xbb: {  	s0 =	sor.u32 s1, s0  }
0xbc: {  	s0 =	sadd.s32 $0x8F2B, s0  }
0xbd: {  	[sflag:s0] =	ssyncadd.remote.s32 $0x1  }
0xbe: {  	_ =	sfence.sel $0xFFFF  }
0xbf: {  	[dreg:$0x0] =	wrdreg $0xFFFFFFFF;
	(pc) =	sbr.abs _section_cstart, $3  }
0xc0: {  	[dreg:$0x1] =	wrdreg $0xFFFFFFFF  }
0xc1: {  	_ =	task.clear_ibuf [dreg:s6], $0x2FFFF;
	_ =	strace $0x9FFFFFFF  }
0xc2: {  	(tm) =	ssettm $0x7FFFFFFF  }
0xc3: {  	_ =	shalt  }
tec
execute0_lowered:
.L_overlay_start_1:
0x0: {  	(tag) =	ssettag $0x1  }
0x1: {  	s5 =	rddreg [dreg:$0x0]  }
0x2: {  	s1 =	rddreg [dreg:$0x1]  }
0x3: {  	s3 =	simm.s32 $0x0;
	s2 =	stileid.u32;
	s6 =	srdreg.scid  }
0x4: {  	s19 =	simm.s32 $0x80;
	s20 =	simm.s32 $0x200;
	s21 =	simm.s32 $0x100  }
0x5: {  	s22 =	simm.s32 $0x180;
	[smem:$0x7FF] =	sst s3;
	s7 =	smul.u32 $0x2780, s2  }
0x6: {  	s4 =	sadd.s32 $0x3EE00, s5;
	s15 =	sadd.s32 $0xD600, s5;
	s11 =	smul.u32 $0x4F000, s2  }
0x7: {  	s6 =	sand.u32 $0x1, s6;
	s16 =	sadd.s32 $0x3600, s5;
	s28 =	smul.u32 $0x50, s2  }
0x8: {  	s29 =	sshll.u32 s2, $0x6;
	_ =	strace $0x8000004D;
	s8 =	smul.u32 $0x27800, s6  }
0x9: {  	s9 =	sshll.u32 s6, $0x4;
	s23 =	ssub.s32 $0x2, s6;
	s13 =	smul.u32 $0x500, s6  }
0xa: {  	s6 =	sor.u32 $0x1C03, s29;
	s10 =	sadd.s32 s7, s5;
	s9 =	sor.u32 s2, s9  }
0xb: {  	s25 =	sshrl.u32 s23, $0x1;
	s26 =	sshrl.u32 s11, $0x2;
	s7 =	sadd.s32 s7, s8  }
0xc: {  	s12 =	smul.u32 $0x500, s9;
	s14 =	ssub.s32 s23, s25;
	s17 =	sadd.s32 s26, s1  }
0xd: {  	s30 =	sadd.s32 s28, s13;
	s23 =	simm.s32 $0x4200;
	s25 =	simm.s32 $0x2  }
0xe: {  	s26 =	simm.s32 $0x0;
	s24 =	sadd.s32 s7, s5;
	s5 =	sadd.s32 $0x17600, s10  }
0xf: {  	s18 =	sshll.u32 s30, $0x4;
	s10 =	smax.u32 s14, $0x1;
	s17 =	sshrl.u32 s17, $0x3  }
0x10: {  	s7 =	sadd.s32 s15, s12;
	s8 =	sadd.s32 s16, s12;
	s9 =	sadd.s32 $0x8D200, s24  }
0x11: {  	s12 =	sadd.s32 $0x4F0, s12;
	s31 =	sor.u32 $0x20, s18;
	s24 =	simm.s32 $0x1  }
0x12: {  	s11 =	sadd.s32 s15, s12;
	s12 =	sadd.s32 s16, s12;
	s13 =	sadd.s32 s31, s15  }
0x13: {  	s14 =	sadd.s32 s31, s16;
	s15 =	sadd.s32 s18, s15;
	s16 =	sadd.s32 s18, s16  }
0x14: {  	s18 =	simm.s32 $0x3;
	s15 =	sadd.s32 $0x10, s15;
	s16 =	sadd.s32 $0x10, s16  }
.LBB2_1:
0x15: {  	[spmem:s17], [sflag:s6] =	dma.local [hbm:s5], $0x2780  }
0x16: {  	_ =	swait.ge [sflag:s18], $0x2780  }
0x17: {  	[sflag:s18] =	ssyncset.done $0x0  }
0x18: {  	[sflag:s18] =	ssyncadd.s32 $0xFFFFD880  }
0x19: {  	[bflag:$0x0] =	sbarrier.arrive $0xFFFF  }
0x1a: {  	[tilespmem:s3], [sflag:$0x3] =	stream.linear.gather [hbm4b:s7+s3], $0x80, $0x38;
	[tilespmem:$0x1BE00] =	vst v63  }
0x1b: {  	_ =	swait.ge [sflag:s18], $0x80  }
0x1c: {  	[sflag:s18] =	ssyncset.done $0x0  }
0x1d: {  	[sflag:s18] =	ssyncadd.s32 $0xFFFFFF80  }
0x1e: {  	[tilespmem:s19], [sflag:$0x3] =	stream.linear.gather [hbm4b:s8+s3], $0x80, $0x38;
	[tilespmem:$0x1BE00] =	vst v63  }
0x1f: {  	_ =	swait.ge [sflag:s18], $0x80  }
0x20: {  	[sflag:s18] =	ssyncset.done $0x0  }
0x21: {  	[sflag:s18] =	ssyncadd.s32 $0xFFFFFF80  }
0x22: {  	[tilespmem:s20], [sflag:$0x1] =	stream.indirect.gather [hbm4b:s4+s19], $0x80, s3, s19, $0xb8;
	[tilespmem:$0x1BE00] =	vst v63  }
0x23: {  	s28 =	sadd.s32 $0x0, s15  }
0x24: {  	[tilespmem:s21], [sflag:$0x3] =	stream.linear.gather [hbm4b:s28+s3], $0x80, $0x38;
	[tilespmem:$0x1BE00] =	vst v63  }
0x25: {  	_ =	swait.ge [sflag:s18], $0x80  }
0x26: {  	[sflag:s18] =	ssyncset.done $0x0  }
0x27: {  	s28 =	sadd.s32 $0x0, s16;
	[sflag:s18] =	ssyncadd.s32 $0xFFFFFF80  }
0x28: {  	[tilespmem:s22], [sflag:$0x3] =	stream.linear.gather [hbm4b:s28+s3], $0x80, $0x38;
	[tilespmem:$0x1BE00] =	vst v63  }
0x29: {  	_ =	swait.ge [sflag:s18], $0x80  }
0x2a: {  	[sflag:s18] =	ssyncset.done $0x0  }
0x2b: {  	[sflag:s18] =	ssyncadd.s32 $0xFFFFFF80  }
0x2c: {  	[tilespmem:s23], [sflag:$0x2] =	stream.indirect.gather [hbm4b:s4+s19], $0x80, s21, s19, $0xb8;
	[tilespmem:$0x1BE00] =	vst v63  }
0x2d: {  	_ =	swait.ge [sflag:s24], $0x4000  }
0x2e: {  	[sflag:s24] =	ssyncset.done $0x0  }
0x2f: {  	[sflag:s24] =	ssyncadd.s32 $0xFFFFC000  }
0x30: {  	[spmem:s1] =	stream.indirect.scatter.add.f32 [tilespmem:s20], [sflag:$0x3], $0x80, s19, s19, $0xb8;
	[tilespmem:$0x1BE00] =	vst v63  }
0x31: {  	_ =	swait.ge [sflag:s18], $0x4000  }
0x32: {  	[sflag:s18] =	ssyncset.done $0x0  }
0x33: {  	s28 =	sadd.s32 $0x0, s13;
	[sflag:s18] =	ssyncadd.s32 $0xFFFFC000  }
0x34: {  	[tilespmem:s3], [sflag:$0x3] =	stream.linear.gather [hbm4b:s28+s3], $0x80, $0x38;
	[tilespmem:$0x1BE00] =	vst v63  }
0x35: {  	_ =	swait.ge [sflag:s18], $0x80  }
0x36: {  	[sflag:s18] =	ssyncset.done $0x0  }
0x37: {  	s28 =	sadd.s32 $0x0, s14;
	[sflag:s18] =	ssyncadd.s32 $0xFFFFFF80  }
0x38: {  	[tilespmem:s19], [sflag:$0x3] =	stream.linear.gather [hbm4b:s28+s3], $0x80, $0x38;
	[tilespmem:$0x1BE00] =	vst v63  }
0x39: {  	_ =	swait.ge [sflag:s18], $0x80  }
0x3a: {  	[sflag:s18] =	ssyncset.done $0x0  }
0x3b: {  	[sflag:s18] =	ssyncadd.s32 $0xFFFFFF80  }
0x3c: {  	[tilespmem:s20], [sflag:$0x1] =	stream.indirect.gather [hbm4b:s4+s19], $0x80, s3, s19, $0xb8;
	[tilespmem:$0x1BE00] =	vst v63  }
0x3d: {  	_ =	swait.ge [sflag:s25], $0x4000  }
0x3e: {  	[sflag:s25] =	ssyncset.done $0x0  }
0x3f: {  	[sflag:s25] =	ssyncadd.s32 $0xFFFFC000  }
0x40: {  	[spmem:s1] =	stream.indirect.scatter.add.f32 [tilespmem:s23], [sflag:$0x3], $0x80, s22, s19, $0xb8;
	[tilespmem:$0x1BE00] =	vst v63  }
0x41: {  	_ =	swait.ge [sflag:s18], $0x4000  }
0x42: {  	s30 =	simm.s32 $0x40;
	s28 =	simm.s32 $0x20;
	[sflag:s18] =	ssyncset.done $0x0  }
.LBB2_2:
0x43: {  	s31 =	sadd.s32 s28, s15  }
0x44: {  	[sflag:s18] =	ssyncadd.s32 $0xFFFFC000;
	s0 =	smov.u32 s30;
	s29 =	sadd.s32 $0x20, s30  }
0x45: {  	[tilespmem:s21], [sflag:$0x3] =	stream.linear.gather [hbm4b:s31+s3], $0x80, $0x38;
	[tilespmem:$0x1BE00] =	vst v63  }
0x46: {  	p0 =	sne.s32 s30, $0x4C0;
	_ =	swait.ge [sflag:s18], $0x80  }
0x47: {  	[sflag:s18] =	ssyncset.done $0x0  }
0x48: {  	s30 =	sadd.s32 s28, s16;
	[sflag:s18] =	ssyncadd.s32 $0xFFFFFF80  }
0x49: {  	[tilespmem:s22], [sflag:$0x3] =	stream.linear.gather [hbm4b:s30+s3], $0x80, $0x38;
	[tilespmem:$0x1BE00] =	vst v63  }
0x4a: {  	_ =	swait.ge [sflag:s18], $0x80  }
0x4b: {  	[sflag:s18] =	ssyncset.done $0x0  }
0x4c: {  	[sflag:s18] =	ssyncadd.s32 $0xFFFFFF80  }
0x4d: {  	[tilespmem:s23], [sflag:$0x2] =	stream.indirect.gather [hbm4b:s4+s19], $0x80, s21, s19, $0xb8;
	[tilespmem:$0x1BE00] =	vst v63  }
0x4e: {  	_ =	swait.ge [sflag:s24], $0x4000  }
0x4f: {  	[sflag:s24] =	ssyncset.done $0x0  }
0x50: {  	[sflag:s24] =	ssyncadd.s32 $0xFFFFC000  }
0x51: {  	[spmem:s1] =	stream.indirect.scatter.add.f32 [tilespmem:s20], [sflag:$0x3], $0x80, s19, s19, $0xb8;
	[tilespmem:$0x1BE00] =	vst v63  }
0x52: {  	_ =	swait.ge [sflag:s18], $0x4000  }
0x53: {  	[sflag:s18] =	ssyncset.done $0x0  }
0x54: {  	s30 =	sadd.s32 s28, s13;
	[sflag:s18] =	ssyncadd.s32 $0xFFFFC000  }
0x55: {  	[tilespmem:s3], [sflag:$0x3] =	stream.linear.gather [hbm4b:s30+s3], $0x80, $0x38;
	[tilespmem:$0x1BE00] =	vst v63  }
0x56: {  	_ =	swait.ge [sflag:s18], $0x80  }
0x57: {  	[sflag:s18] =	ssyncset.done $0x0  }
0x58: {  	s30 =	sadd.s32 s28, s14;
	s28 =	smov.u32 s0;
	[sflag:s18] =	ssyncadd.s32 $0xFFFFFF80  }
0x59: {  	[tilespmem:s19], [sflag:$0x3] =	stream.linear.gather [hbm4b:s30+s3], $0x80, $0x38;
	[tilespmem:$0x1BE00] =	vst v63  }
0x5a: {  	_ =	swait.ge [sflag:s18], $0x80  }
0x5b: {  	[sflag:s18] =	ssyncset.done $0x0  }
0x5c: {  	[sflag:s18] =	ssyncadd.s32 $0xFFFFFF80  }
0x5d: {  	[tilespmem:s20], [sflag:$0x1] =	stream.indirect.gather [hbm4b:s4+s19], $0x80, s3, s19, $0xb8;
	[tilespmem:$0x1BE00] =	vst v63  }
0x5e: {  	_ =	swait.ge [sflag:s25], $0x4000  }
.Ltmp0:
0x5f: {  	[sflag:s25] =	ssyncset.done $0x0;
	(pc) =	sbr.rel @p0 .LBB2_2-.Ltmp0, $4  }
0x60: {  	[sflag:s25] =	ssyncadd.s32 $0xFFFFC000  }
0x61: {  	[spmem:s1] =	stream.indirect.scatter.add.f32 [tilespmem:s23], [sflag:$0x3], $0x80, s22, s19, $0xb8;
	[tilespmem:$0x1BE00] =	vst v63  }
0x62: {  	_ =	swait.ge [sflag:s18], $0x4000  }
0x63: {  	s30 =	smov.u32 s29;
	[sflag:s18] =	ssyncset.done $0x0  }
0x64: {  	s0 =	sadd.s32 s28, s15;
	[sflag:s18] =	ssyncadd.s32 $0xFFFFC000  }
0x65: {  	[tilespmem:s21], [sflag:$0x3] =	stream.linear.gather [hbm4b:s0+s3], $0x80, $0x38;
	[tilespmem:$0x1BE00] =	vst v63  }
0x66: {  	_ =	swait.ge [sflag:s18], $0x80  }
0x67: {  	[sflag:s18] =	ssyncset.done $0x0  }
0x68: {  	s29 =	sadd.s32 s28, s16;
	[sflag:s18] =	ssyncadd.s32 $0xFFFFFF80  }
0x69: {  	[tilespmem:s22], [sflag:$0x3] =	stream.linear.gather [hbm4b:s29+s3], $0x80, $0x38;
	[tilespmem:$0x1BE00] =	vst v63  }
0x6a: {  	_ =	swait.ge [sflag:s18], $0x80  }
0x6b: {  	[sflag:s18] =	ssyncset.done $0x0  }
0x6c: {  	[sflag:s18] =	ssyncadd.s32 $0xFFFFFF80  }
0x6d: {  	[tilespmem:s23], [sflag:$0x2] =	stream.indirect.gather [hbm4b:s4+s19], $0x80, s21, s19, $0xb8;
	[tilespmem:$0x1BE00] =	vst v63  }
0x6e: {  	_ =	swait.ge [sflag:s24], $0x4000  }
0x6f: {  	[sflag:s24] =	ssyncset.done $0x0  }
0x70: {  	[sflag:s24] =	ssyncadd.s32 $0xFFFFC000  }
0x71: {  	[spmem:s1] =	stream.indirect.scatter.add.f32 [tilespmem:s20], [sflag:$0x3], $0x80, s19, s19, $0xb8;
	[tilespmem:$0x1BE00] =	vst v63  }
0x72: {  	_ =	swait.ge [sflag:s18], $0x4000  }
0x73: {  	[sflag:s18] =	ssyncset.done $0x0  }
0x74: {  	s30 =	sadd.s32 s28, s13;
	[sflag:s18] =	ssyncadd.s32 $0xFFFFC000  }
0x75: {  	[tilespmem:s3], [sflag:$0x3] =	stream.linear.gather [hbm4b:s30+s3], $0x80, $0x38;
	[tilespmem:$0x1BE00] =	vst v63  }
0x76: {  	_ =	swait.ge [sflag:s18], $0x80  }
0x77: {  	[sflag:s18] =	ssyncset.done $0x0  }
0x78: {  	s31 =	sadd.s32 s28, s14;
	[sflag:s18] =	ssyncadd.s32 $0xFFFFFF80  }
0x79: {  	[tilespmem:s19], [sflag:$0x3] =	stream.linear.gather [hbm4b:s31+s3], $0x80, $0x38;
	[tilespmem:$0x1BE00] =	vst v63  }
0x7a: {  	_ =	swait.ge [sflag:s18], $0x80  }
0x7b: {  	[sflag:s18] =	ssyncset.done $0x0  }
0x7c: {  	[sflag:s18] =	ssyncadd.s32 $0xFFFFFF80  }
0x7d: {  	[tilespmem:s20], [sflag:$0x1] =	stream.indirect.gather [hbm4b:s4+s19], $0x80, s3, s19, $0xb8;
	[tilespmem:$0x1BE00] =	vst v63  }
0x7e: {  	_ =	swait.ge [sflag:s25], $0x4000  }
0x7f: {  	[sflag:s25] =	ssyncset.done $0x0  }
0x80: {  	[sflag:s25] =	ssyncadd.s32 $0xFFFFC000  }
0x81: {  	[spmem:s1] =	stream.indirect.scatter.add.f32 [tilespmem:s23], [sflag:$0x3], $0x80, s22, s19, $0xb8;
	[tilespmem:$0x1BE00] =	vst v63  }
0x82: {  	_ =	swait.ge [sflag:s18], $0x4000  }
0x83: {  	[sflag:s18] =	ssyncset.done $0x0  }
0x84: {  	[sflag:s18] =	ssyncadd.s32 $0xFFFFC000  }
0x85: {  	[tilespmem:s21], [sflag:$0x3] =	stream.linear.gather [hbm4b:s11+s3], $0x80, $0x38;
	[tilespmem:$0x1BE00] =	vst v63  }
0x86: {  	_ =	swait.ge [sflag:s18], $0x80  }
0x87: {  	[sflag:s18] =	ssyncset.done $0x0  }
0x88: {  	[sflag:s18] =	ssyncadd.s32 $0xFFFFFF80  }
0x89: {  	[tilespmem:s22], [sflag:$0x3] =	stream.linear.gather [hbm4b:s12+s3], $0x80, $0x38;
	[tilespmem:$0x1BE00] =	vst v63  }
0x8a: {  	_ =	swait.ge [sflag:s18], $0x80  }
0x8b: {  	[sflag:s18] =	ssyncset.done $0x0  }
0x8c: {  	[sflag:s18] =	ssyncadd.s32 $0xFFFFFF80  }
0x8d: {  	[tilespmem:s23], [sflag:$0x2] =	stream.indirect.gather [hbm4b:s4+s19], $0x80, s21, s19, $0xb8;
	[tilespmem:$0x1BE00] =	vst v63  }
0x8e: {  	_ =	swait.ge [sflag:s24], $0x4000  }
0x8f: {  	[sflag:s24] =	ssyncset.done $0x0  }
0x90: {  	[sflag:s24] =	ssyncadd.s32 $0xFFFFC000  }
0x91: {  	[spmem:s1] =	stream.indirect.scatter.add.f32 [tilespmem:s20], [sflag:$0x3], $0x80, s19, s19, $0xb8;
	[tilespmem:$0x1BE00] =	vst v63  }
0x92: {  	_ =	swait.ge [sflag:s18], $0x4000  }
0x93: {  	[sflag:s18] =	ssyncset.done $0x0  }
0x94: {  	[sflag:s18] =	ssyncadd.s32 $0xFFFFC000  }
0x95: {  	_ =	swait.ge [sflag:s25], $0x4000  }
0x96: {  	[sflag:s25] =	ssyncset.done $0x0  }
0x97: {  	[sflag:s25] =	ssyncadd.s32 $0xFFFFC000  }
0x98: {  	[spmem:s1] =	stream.indirect.scatter.add.f32 [tilespmem:s23], [sflag:$0x3], $0x80, s22, s19, $0xb8;
	[tilespmem:$0x1BE00] =	vst v63  }
0x99: {  	_ =	swait.ge [sflag:s18], $0x4000  }
0x9a: {  	s26 =	sadd.s32 $0x1, s26;
	[sflag:s18] =	ssyncset.done $0x0  }
0x9b: {  	p0 =	sne.s32 s26, s10;
	[sflag:s18] =	ssyncadd.s32 $0xFFFFC000  }
.Ltmp1:
0x9c: {  	[bflag:$0x0] =	sbarrier.arrive $0xFFFF;
	(pc) =	sbr.rel @p0 .LBB2_1-.Ltmp1, $4  }
0x9d: {  	[hbm:s9], [sflag:s6] =	dma.local [spmem:s17], $0x2780  }
0x9e: {  	_ =	swait.ge [sflag:s18], $0x2780  }
0x9f: {  	[sflag:s18] =	ssyncset.done $0x0  }
0xa0: {  	[sflag:s18] =	ssyncadd.s32 $0xFFFFD880  }
0xa1: {  	_ =	sfence.sel $0x180000  }
0xa2: {  	[bflag:$0x0] =	sbarrier.arrive $0xFFFF  }
0xa3: {  	_ =	strace $0x9000004D  }
0xa4: {  	[bflag:$0x2] =	sbarrier.arrive $0xFFFF  }
0xa5: {  	p0 =	sne.s32 s2, $0x0;
	s0 =	rddreg [dreg:$0x2]  }
0xa6: {  	s0 =	sadd.s32 @!p0 $0x100000, s0  }
0xa7: {  	[sflag:s0] =	ssyncadd.tile.s32 @!p0 $0x1;
	_ =	shalt  }
.Lfunc_end2:
_tile_overlayer_lowered:
.L_overlay_start_2:
0xa8: {  	(tag) =	ssettag $0x2  }
0xa9: {  	s0 =	rddreg [dreg:$0x0];
	s2 =	stileid.u32  }
0xaa: {  	s1 =	rddreg [dreg:$0x1];
	p0 =	sne.s32 s2, $0x0  }
0xab: {  	s3 =	rddreg [dreg:$0x2];
	[bflag:$0x3] =	sbarrier.arrive $0xFFFF;
	s2 =	simm.s32 @!p0 $0x1C03  }
0xac: {  	[timem:s3], [sflag:s2] =	dma.local @!p0 [hbm:s0], s1  }
0xad: {  	s0 =	simm.s32 @!p0 $0x3  }
0xae: {  	_ =	swait.ge @!p0 [sflag:s0], s1  }
0xaf: {  	s1 =	ssub.s32 @!p0 $0x0, s1;
	[sflag:s0] =	ssyncset.done @!p0 $0x0  }
0xb0: {  	[sflag:s0] =	ssyncadd.s32 @!p0 s1  }
0xb1: {  	[bflag:$0x3] =	sbarrier.arrive $0xFFFF  }
0xb2: {  	_ =	shalt  }

// kernel: kernel.8.cloned.1.call-start
scs
__scs_entry_jumppad:
0x0: {  	(pc) =	sbr.rel $0x88, $3  }
0x1: {  	(tag) =	ssettag $0x0;
	lr =	simm.s32 $0x1  }
0x2: {  	[smem:$0x3F96] =	sst lr;
	_ =	strace $0xD0000000  }
0x3: {  	_ = 	snop  }
0x4: {  	_ = 	snop  }
0x5: {  	_ = 	snop  }
0x6: {  	_ = 	snop  }
0x7: {  	_ = 	snop  }
__scs_overlays_trampoline_lowered:
0x8: {  	[smem:$0x3FA5] =	sst s0  }
0x9: {  	[smem:$0x3FA6] =	sst s1  }
0xa: {  	[smem:$0x3FA7] =	sst s2  }
0xb: {  	[smem:$0x3FA8] =	sst s3  }
0xc: {  	[smem:$0x3FA9] =	sst s4  }
0xd: {  	[smem:$0x3FAA] =	sst s5  }
0xe: {  	[smem:$0x3FAB] =	sst s6  }
0xf: {  	[smem:$0x3FAC] =	sst s7  }
0x10: {  	[smem:$0x3FAD] =	sst s8  }
0x11: {  	[smem:$0x3FAE] =	sst s9;
	s0 =	simm.s32 @!p0 $0x0  }
0x12: {  	s1 =	sld [smem:$0x3F94];
	s0 =	simm.s32 @p0 $0x1  }
0x13: {  	[smem:$0x3FAF] =	sst s0;
	s0 =	simm.s32 @!p1 $0x0  }
0x14: {  	s2 =	sld [smem:$0x3F93];
	s0 =	simm.s32 @p1 $0x1  }
0x15: {  	[smem:$0x3FB0] =	sst s0;
	s0 =	simm.s32 @!p2 $0x0  }
0x16: {  	s3 =	sld [smem:$0x3FDB];
	s0 =	simm.s32 @p2 $0x1  }
0x17: {  	s4 =	simm.s32 $0x1BF5;
	[smem:$0x3FB2] =	sst s0  }
0x18: {  	s0 =	sld [smem:$0x3F95];
	_ =	swait.ge [sflag:s4], $0x0  }
0x19: {  	s7 =	sld [smem:$0x3F96]  }
0x1a: {  	s8 =	sadd.s32 $0xFFFFE003, lr  }
0x1b: {  	s9 =	sadd.s32 $0xFFFFFEF7, lr;
	s5 =	simm.s32 $0xFFFFFFFF;
	p2 =	slt.u32 s8, $0xFFFFF086  }
0x1c: {  	p1 =	slt.u32 s9, $0xF7A;
	s5 =	simm.s32 @!p2 $0x0  }
0x1d: {  	s5 =	simm.s32 @p1 $0x1;
	p0 =	seq.s32 s7, s2  }
0x1e: {  	s7 =	smul.u32 @!p0 $0xF7A, s2;
	p2 =	seq.s32 @!p0 s5, $0x0  }
0x1f: {  	s9 =	smul.u32 $0xF7A, s1;
	s8 =	simm.s32 @!p0 $0x1BF5;
	p2 =	por !p2, p0  }
0x20: {  	[sflag:s8] =	ssyncset.s32 @!p0 $0xFFFFF086;
	s6 =	sadd.s32 @!p0 s3, s7;
	s7 =	simm.s32 @!p0 $0x108  }
0x21: {  	s3 =	sadd.s32 s3, s9;
	s6 =	sadd.s32 @!p0 $0x88, s6;
	s7 =	simm.s32 @p2 $0x1082  }
0x22: {  	[simem:s7], [sflag:s8] =	dma.local @!p0 [hbm:s6], $0xF7A  }
0x23: {  	s9 =	sor.u32 $0xD0000000, s2;
	s6 =	simm.s32 $0x108;
	_ =	swait.ge @!p0 [sflag:s8], $0x0  }
0x24: {  	s3 =	sadd.s32 $0x88, s3;
	s6 =	simm.s32 @!p1 $0x1082;
	[sflag:s4] =	ssyncset.s32 $0xFFFFF086  }
0x25: {  	[simem:s6], [sflag:s4] =	dma.local [hbm:s3], $0xF7A  }
0x26: {  	[smem:$0x3F96] =	sst s1;
	(tag) =	ssettag s2;
	_ =	strace s9  }
0x27: {  	s1 =	sld [smem:$0x3FA6]  }
0x28: {  	s2 =	sld [smem:$0x3FA7]  }
0x29: {  	s4 =	sld [smem:$0x3FA9]  }
0x2a: {  	p0 =	seq.s32 s5, $0x0;
	s5 =	sld [smem:$0x3FAA]  }
0x2b: {  	s6 =	sld [smem:$0x3FAB]  }
0x2c: {  	s7 =	sld [smem:$0x3FAC]  }
0x2d: {  	s3 =	simm.s32 $0x108;
	s8 =	sld [smem:$0x3FAD]  }
0x2e: {  	s3 =	simm.s32 @!p0 $0x1082;
	s9 =	sld [smem:$0x3FAE]  }
0x2f: {  	lr =	sadd.s32 s0, s3;
	s0 =	sld [smem:$0x3FA5]  }
0x30: {  	s3 =	sld [smem:$0x3FA8]  }
0x31: {  	[smem:$0x3FB1] =	sst s10  }
0x32: {  	s10 =	sld [smem:$0x3FAF];
	_ =	sdelay $0x3  }
0x33: {  	p0 =	seq.s32 s10, $0x1;
	s10 =	sld [smem:$0x3FB1];
	_ =	sdelay $0x3  }
0x34: {  	[smem:$0x3FB1] =	sst s10  }
0x35: {  	s10 =	sld [smem:$0x3FB0];
	_ =	sdelay $0x3  }
0x36: {  	p1 =	seq.s32 s10, $0x1;
	s10 =	sld [smem:$0x3FB1];
	_ =	sdelay $0x3  }
0x37: {  	[smem:$0x3FB1] =	sst s10  }
0x38: {  	s10 =	sld [smem:$0x3FB2]  }
0x39: {  	_ = 	snop;
	(pc) =	sbr.ind lr, $3  }
0x3a: {  	_ = 	snop  }
0x3b: {  	_ = 	snop  }
0x3c: {  	p2 =	seq.s32 s10, $0x1;
	s10 =	sld [smem:$0x3FB1]  }
0x3d: {  	_ =	shalt  }
0x3e: {  	_ =	shalt  }
0x3f: {  	_ =	shalt  }
0x40: {  	_ =	shalt  }
0x41: {  	_ =	shalt  }
0x42: {  	_ =	shalt  }
0x43: {  	_ =	shalt  }
0x44: {  	_ =	shalt  }
0x45: {  	_ =	shalt  }
0x46: {  	_ =	shalt  }
0x47: {  	_ =	shalt  }
0x48: {  	_ =	shalt  }
0x49: {  	_ =	shalt  }
0x4a: {  	_ =	shalt  }
0x4b: {  	_ =	shalt  }
0x4c: {  	_ =	shalt  }
0x4d: {  	_ =	shalt  }
0x4e: {  	_ =	shalt  }
0x4f: {  	_ =	shalt  }
0x50: {  	_ =	shalt  }
0x51: {  	_ =	shalt  }
0x52: {  	_ =	shalt  }
0x53: {  	_ =	shalt  }
0x54: {  	_ =	shalt  }
0x55: {  	_ =	shalt  }
0x56: {  	_ =	shalt  }
0x57: {  	_ =	shalt  }
0x58: {  	_ =	shalt  }
0x59: {  	_ =	shalt  }
0x5a: {  	_ =	shalt  }
0x5b: {  	_ =	shalt  }
0x5c: {  	_ =	shalt  }
0x5d: {  	_ =	shalt  }
0x5e: {  	_ =	shalt  }
0x5f: {  	_ =	shalt  }
0x60: {  	_ =	shalt  }
0x61: {  	_ =	shalt  }
0x62: {  	_ =	shalt  }
0x63: {  	_ =	shalt  }
0x64: {  	_ =	shalt  }
0x65: {  	_ =	shalt  }
0x66: {  	_ =	shalt  }
0x67: {  	_ =	shalt  }
0x68: {  	_ =	shalt  }
0x69: {  	_ =	shalt  }
0x6a: {  	_ =	shalt  }
0x6b: {  	_ =	shalt  }
0x6c: {  	_ =	shalt  }
0x6d: {  	_ =	shalt  }
0x6e: {  	_ =	shalt  }
0x6f: {  	_ =	shalt  }
0x70: {  	_ =	shalt  }
0x71: {  	_ =	shalt  }
0x72: {  	_ =	shalt  }
0x73: {  	_ =	shalt  }
0x74: {  	_ =	shalt  }
0x75: {  	_ =	shalt  }
0x76: {  	_ =	shalt  }
0x77: {  	_ =	shalt  }
0x78: {  	_ =	shalt  }
0x79: {  	_ =	shalt  }
0x7a: {  	_ =	shalt  }
0x7b: {  	_ =	shalt  }
0x7c: {  	_ =	shalt  }
0x7d: {  	_ =	shalt  }
0x7e: {  	_ =	shalt  }
0x7f: {  	_ =	shalt  }
0x80: {  	_ =	shalt  }
0x81: {  	_ =	shalt  }
0x82: {  	_ =	shalt  }
0x83: {  	_ =	shalt  }
0x84: {  	_ =	shalt  }
0x85: {  	_ =	shalt  }
0x86: {  	_ =	shalt  }
0x87: {  	_ =	shalt  }
.Lfunc_end0:
.L_simem_size_0:
called_computation_lowered:
.L_overlay_start_0:
0x88: {  	s2 =	sld [smem:$0x3FD9]  }
0x89: {  	s3 =	sld [smem:$0x3FFE];
	_ =	sdelay $0x1  }
0x8a: {  	s1 =	srdreg.scid  }
0x8b: {  	s0 =	sand.u32 $0x1, s1  }
0x8c: {  	s17 =	sshll.u32 s0, $0xA;
	s2 =	sadd.s32 s3, s2  }
0x8d: {  	s2 =	sadd.s32 s2, s17  }
0x8e: {  	[smem:$0x3FBD] =	sst s2  }
0x8f: {  	_ = 	snop  }
0x90: {  	s2 =	sld [smem:$0x3FC9];
	(tm) =	ssettm $0x1  }
0x91: {  	s18 =	sld [smem:$0x3FFB];
	_ =	sdelay $0x3  }
0x92: {  	_ =	strace s18  }
0x93: {  	s3 =	sld [smem:$0x3FFC];
	_ =	sdelay $0x3  }
0x94: {  	_ =	strace s3  }
0x95: {  	s3 =	sld [smem:$0x3FFD];
	_ =	sdelay $0x3  }
0x96: {  	_ =	strace s3  }
0x97: {  	_ =	strace $0x8FFFFFFF  }
0x98: {  	s19 =	sld [smem:$0x3FDB];
	_ =	sdelay $0x1  }
0x99: {  	s4 =	simm.s32 $_scs_section_size  }
0x9a: {  	s5 =	simm.s32 $_size__tile_overlayer_lowered;
	s6 =	simm.s32 $_tile_overlayer_lowered  }
0x9b: {  	s22 =	simm.s32 $0x1BFF;
	s21 =	sshll.u32 s6, $0x1;
	s3 =	sadd.s32 s4, s19  }
0x9c: {  	s7 =	simm.s32 $0x0;
	s20 =	sshll.u32 s5, $0x1;
	s5 =	sadd.s32 s21, s3  }
0x9d: {  	[timem:s7], [sflag:s22] =	dma.local [hbm:s5], s20  }
0x9e: {  	_ =	swait.ge [sflag:s22], s20  }
0x9f: {  	s4 =	ssub.s32 $0x0, s20;
	[sflag:s22] =	ssyncset.done $0x0  }
0xa0: {  	[sflag:s22] =	ssyncadd.s32 s4;
	_ =	sdelay $0x1  }
0xa1: {  	s23 =	simm.s32 $0x1B8B  }
0xa2: {  	_ =	swait.ge [sflag:s23], $0x1  }
0xa3: {  	[sflag:s23] =	ssyncset.done $0x0  }
0xa4: {  	s25 =	simm.s32 $0x1B8E;
	s24 =	sld [smem:$0x3FFE];
	[sflag:s23] =	ssyncadd.s32 $0xFFFFFFFF  }
0xa5: {  	s26 =	simm.s32 $execute0_lowered;
	[smem:$0x3FD2] =	sst s25  }
0xa6: {  	s5 =	sshll.u32 s26, $0x1;
	_ =	strace $0x80000046;
	[dreg:$0x1] =	wrdreg $0xFFFFFFFF  }
0xa7: {  	s28 =	simm.s32 $_size_execute0_lowered;
	s3 =	sadd.s32 s3, s5;
	[dreg:$0x0] =	wrdreg $0x0  }
0xa8: {  	s5 =	sshll.u32 s28, $0x1;
	[dreg:$0x2] =	wrdreg s3  }
0xa9: {  	[dreg:$0x3] =	wrdreg s5  }
0xaa: {  	[dreg:$0x4] =	wrdreg $0xC0  }
0xab: {  	_ =	task [dreg:s7], $0x5FFFF  }
0xac: {  	[dreg:$0x1] =	wrdreg $0xFFFFFFFF  }
0xad: {  	[dreg:$0x0] =	wrdreg $0x60  }
0xae: {  	[dreg:$0x2] =	wrdreg s2  }
0xaf: {  	[dreg:$0x3] =	wrdreg s24  }
0xb0: {  	[dreg:$0x4] =	wrdreg $0x82000  }
0xb1: {  	[dreg:$0x5] =	wrdreg $0x9  }
0xb2: {  	_ =	task.clear_ibuf [dreg:s7], $0x6FFFF;
	_ =	strace $0x90000046  }
0xb3: {  	s29 =	simm.s32 $0x9;
	_ =	strace $0x80000048  }
0xb4: {  	_ =	swait.ge [sflag:s29], $0x1  }
0xb5: {  	[sflag:s29] =	ssyncadd.s32 $0xFFFFFFFF  }
0xb6: {  	_ =	strace $0x90000048  }
0xb7: {  	_ =	sfence  }
0xb8: {  	s30 =	sld [smem:$0x0];
	_ =	sdelay $0x2  }
0xb9: {  	s31 =	sshll.u32 s1, $0xD;
	s1 =	sshrl.u32 s1, $0x2  }
0xba: {  	s3 =	sand.u32 $0x4000, s31;
	s1 =	sadd.s32 s1, s30  }
0xbb: {  	s0 =	sor.u32 s3, s0;
	s1 =	sshll.u32 s1, $0x11  }
0xbc: {  	s0 =	sor.u32 s1, s0  }
0xbd: {  	s0 =	sadd.s32 $0x8F2B, s0  }
0xbe: {  	[sflag:s0] =	ssyncadd.remote.s32 $0x1  }
0xbf: {  	_ =	sfence.sel $0xFFFF  }
0xc0: {  	[dreg:$0x0] =	wrdreg $0xFFFFFFFF;
	(pc) =	sbr.abs _section_cstart, $3  }
0xc1: {  	[dreg:$0x1] =	wrdreg $0xFFFFFFFF  }
0xc2: {  	_ =	task.clear_ibuf [dreg:s7], $0x2FFFF;
	_ =	strace $0x9FFFFFFF  }
0xc3: {  	(tm) =	ssettm $0x7FFFFFFF  }
tec
execute0_lowered:
.L_overlay_start_1:
0x0: {  	(tag) =	ssettag $0x1  }
0x1: {  	s1 =	rddreg [dreg:$0x0]  }
0x2: {  	s5 =	rddreg [dreg:$0x1]  }
0x3: {  	s2 =	rddreg [dreg:$0x2];
	s4 =	simm.s32 $0x0;
	s3 =	stileid.u32  }
0x4: {  	s6 =	srdreg.scid;
	s19 =	simm.s32 $0x80;
	s20 =	simm.s32 $0x200  }
0x5: {  	s21 =	simm.s32 $0x100;
	s22 =	simm.s32 $0x180;
	s7 =	smul.u32 $0x2780, s3  }
0x6: {  	[smem:$0x7FF] =	sst s4;
	s15 =	sadd.s32 $0xD600, s5;
	s11 =	smul.u32 $0x4F000, s3  }
0x7: {  	s6 =	sand.u32 $0x1, s6;
	s16 =	sadd.s32 $0x3600, s5;
	s28 =	smul.u32 $0x50, s3  }
0x8: {  	s29 =	sshll.u32 s3, $0x6;
	_ =	strace $0x80000047;
	s8 =	smul.u32 $0x27800, s6  }
0x9: {  	s9 =	sshll.u32 s6, $0x4;
	s23 =	ssub.s32 $0x2, s6;
	s13 =	smul.u32 $0x500, s6  }
0xa: {  	s6 =	sor.u32 $0x1C03, s29;
	s10 =	sadd.s32 s7, s5;
	s9 =	sor.u32 s3, s9  }
0xb: {  	s25 =	sshrl.u32 s23, $0x1;
	s26 =	sshrl.u32 s11, $0x2;
	s7 =	sadd.s32 s7, s8  }
0xc: {  	s12 =	smul.u32 $0x500, s9;
	s14 =	ssub.s32 s23, s25;
	s17 =	sadd.s32 s26, s2  }
0xd: {  	s30 =	sadd.s32 s28, s13;
	s23 =	simm.s32 $0x4200;
	s25 =	simm.s32 $0x2  }
0xe: {  	s26 =	simm.s32 $0x0;
	s24 =	sadd.s32 s7, s5;
	s5 =	sadd.s32 $0x17600, s10  }
0xf: {  	s18 =	sshll.u32 s30, $0x4;
	s10 =	smax.u32 s14, $0x1;
	s17 =	sshrl.u32 s17, $0x3  }
0x10: {  	s7 =	sadd.s32 s15, s12;
	s8 =	sadd.s32 s16, s12;
	s9 =	sadd.s32 $0x3EE00, s24  }
0x11: {  	s12 =	sadd.s32 $0x4F0, s12;
	s31 =	sor.u32 $0x20, s18;
	s24 =	simm.s32 $0x1  }
0x12: {  	s11 =	sadd.s32 s15, s12;
	s12 =	sadd.s32 s16, s12;
	s13 =	sadd.s32 s31, s15  }
0x13: {  	s14 =	sadd.s32 s31, s16;
	s15 =	sadd.s32 s18, s15;
	s16 =	sadd.s32 s18, s16  }
0x14: {  	s18 =	simm.s32 $0x3;
	s15 =	sadd.s32 $0x10, s15;
	s16 =	sadd.s32 $0x10, s16  }
.LBB2_1:
0x15: {  	[spmem:s17], [sflag:s6] =	dma.local [hbm:s5], $0x2780  }
0x16: {  	_ =	swait.ge [sflag:s18], $0x2780  }
0x17: {  	[sflag:s18] =	ssyncset.done $0x0  }
0x18: {  	[sflag:s18] =	ssyncadd.s32 $0xFFFFD880  }
0x19: {  	[bflag:$0x0] =	sbarrier.arrive $0xFFFF  }
0x1a: {  	[tilespmem:s4], [sflag:$0x3] =	stream.linear.gather [hbm4b:s7+s4], $0x80, $0x38;
	[tilespmem:$0x1BE00] =	vst v63  }
0x1b: {  	_ =	swait.ge [sflag:s18], $0x80  }
0x1c: {  	[sflag:s18] =	ssyncset.done $0x0  }
0x1d: {  	[sflag:s18] =	ssyncadd.s32 $0xFFFFFF80  }
0x1e: {  	[tilespmem:s19], [sflag:$0x3] =	stream.linear.gather [hbm4b:s8+s4], $0x80, $0x38;
	[tilespmem:$0x1BE00] =	vst v63  }
0x1f: {  	_ =	swait.ge [sflag:s18], $0x80  }
0x20: {  	[sflag:s18] =	ssyncset.done $0x0  }
0x21: {  	[sflag:s18] =	ssyncadd.s32 $0xFFFFFF80  }
0x22: {  	[tilespmem:s20], [sflag:$0x1] =	stream.indirect.gather [hbm4b:s1+s19], $0x80, s4, s19, $0xb8;
	[tilespmem:$0x1BE00] =	vst v63  }
0x23: {  	s28 =	sadd.s32 $0x0, s15  }
0x24: {  	[tilespmem:s21], [sflag:$0x3] =	stream.linear.gather [hbm4b:s28+s4], $0x80, $0x38;
	[tilespmem:$0x1BE00] =	vst v63  }
0x25: {  	_ =	swait.ge [sflag:s18], $0x80  }
0x26: {  	[sflag:s18] =	ssyncset.done $0x0  }
0x27: {  	s28 =	sadd.s32 $0x0, s16;
	[sflag:s18] =	ssyncadd.s32 $0xFFFFFF80  }
0x28: {  	[tilespmem:s22], [sflag:$0x3] =	stream.linear.gather [hbm4b:s28+s4], $0x80, $0x38;
	[tilespmem:$0x1BE00] =	vst v63  }
0x29: {  	_ =	swait.ge [sflag:s18], $0x80  }
0x2a: {  	[sflag:s18] =	ssyncset.done $0x0  }
0x2b: {  	[sflag:s18] =	ssyncadd.s32 $0xFFFFFF80  }
0x2c: {  	[tilespmem:s23], [sflag:$0x2] =	stream.indirect.gather [hbm4b:s1+s19], $0x80, s21, s19, $0xb8;
	[tilespmem:$0x1BE00] =	vst v63  }
0x2d: {  	_ =	swait.ge [sflag:s24], $0x4000  }
0x2e: {  	[sflag:s24] =	ssyncset.done $0x0  }
0x2f: {  	[sflag:s24] =	ssyncadd.s32 $0xFFFFC000  }
0x30: {  	[spmem:s2] =	stream.indirect.scatter.add.f32 [tilespmem:s20], [sflag:$0x3], $0x80, s19, s19, $0xb8;
	[tilespmem:$0x1BE00] =	vst v63  }
0x31: {  	_ =	swait.ge [sflag:s18], $0x4000  }
0x32: {  	[sflag:s18] =	ssyncset.done $0x0  }
0x33: {  	s28 =	sadd.s32 $0x0, s13;
	[sflag:s18] =	ssyncadd.s32 $0xFFFFC000  }
0x34: {  	[tilespmem:s4], [sflag:$0x3] =	stream.linear.gather [hbm4b:s28+s4], $0x80, $0x38;
	[tilespmem:$0x1BE00] =	vst v63  }
0x35: {  	_ =	swait.ge [sflag:s18], $0x80  }
0x36: {  	[sflag:s18] =	ssyncset.done $0x0  }
0x37: {  	s28 =	sadd.s32 $0x0, s14;
	[sflag:s18] =	ssyncadd.s32 $0xFFFFFF80  }
0x38: {  	[tilespmem:s19], [sflag:$0x3] =	stream.linear.gather [hbm4b:s28+s4], $0x80, $0x38;
	[tilespmem:$0x1BE00] =	vst v63  }
0x39: {  	_ =	swait.ge [sflag:s18], $0x80  }
0x3a: {  	[sflag:s18] =	ssyncset.done $0x0  }
0x3b: {  	[sflag:s18] =	ssyncadd.s32 $0xFFFFFF80  }
0x3c: {  	[tilespmem:s20], [sflag:$0x1] =	stream.indirect.gather [hbm4b:s1+s19], $0x80, s4, s19, $0xb8;
	[tilespmem:$0x1BE00] =	vst v63  }
0x3d: {  	_ =	swait.ge [sflag:s25], $0x4000  }
0x3e: {  	[sflag:s25] =	ssyncset.done $0x0  }
0x3f: {  	[sflag:s25] =	ssyncadd.s32 $0xFFFFC000  }
0x40: {  	[spmem:s2] =	stream.indirect.scatter.add.f32 [tilespmem:s23], [sflag:$0x3], $0x80, s22, s19, $0xb8;
	[tilespmem:$0x1BE00] =	vst v63  }
0x41: {  	_ =	swait.ge [sflag:s18], $0x4000  }
0x42: {  	s30 =	simm.s32 $0x40;
	s28 =	simm.s32 $0x20;
	[sflag:s18] =	ssyncset.done $0x0  }
.LBB2_2:
0x43: {  	s31 =	sadd.s32 s28, s15  }
0x44: {  	[sflag:s18] =	ssyncadd.s32 $0xFFFFC000;
	s0 =	smov.u32 s30;
	s29 =	sadd.s32 $0x20, s30  }
0x45: {  	[tilespmem:s21], [sflag:$0x3] =	stream.linear.gather [hbm4b:s31+s4], $0x80, $0x38;
	[tilespmem:$0x1BE00] =	vst v63  }
0x46: {  	p0 =	sne.s32 s30, $0x4C0;
	_ =	swait.ge [sflag:s18], $0x80  }
0x47: {  	[sflag:s18] =	ssyncset.done $0x0  }
0x48: {  	s30 =	sadd.s32 s28, s16;
	[sflag:s18] =	ssyncadd.s32 $0xFFFFFF80  }
0x49: {  	[tilespmem:s22], [sflag:$0x3] =	stream.linear.gather [hbm4b:s30+s4], $0x80, $0x38;
	[tilespmem:$0x1BE00] =	vst v63  }
0x4a: {  	_ =	swait.ge [sflag:s18], $0x80  }
0x4b: {  	[sflag:s18] =	ssyncset.done $0x0  }
0x4c: {  	[sflag:s18] =	ssyncadd.s32 $0xFFFFFF80  }
0x4d: {  	[tilespmem:s23], [sflag:$0x2] =	stream.indirect.gather [hbm4b:s1+s19], $0x80, s21, s19, $0xb8;
	[tilespmem:$0x1BE00] =	vst v63  }
0x4e: {  	_ =	swait.ge [sflag:s24], $0x4000  }
0x4f: {  	[sflag:s24] =	ssyncset.done $0x0  }
0x50: {  	[sflag:s24] =	ssyncadd.s32 $0xFFFFC000  }
0x51: {  	[spmem:s2] =	stream.indirect.scatter.add.f32 [tilespmem:s20], [sflag:$0x3], $0x80, s19, s19, $0xb8;
	[tilespmem:$0x1BE00] =	vst v63  }
0x52: {  	_ =	swait.ge [sflag:s18], $0x4000  }
0x53: {  	[sflag:s18] =	ssyncset.done $0x0  }
0x54: {  	s30 =	sadd.s32 s28, s13;
	[sflag:s18] =	ssyncadd.s32 $0xFFFFC000  }
0x55: {  	[tilespmem:s4], [sflag:$0x3] =	stream.linear.gather [hbm4b:s30+s4], $0x80, $0x38;
	[tilespmem:$0x1BE00] =	vst v63  }
0x56: {  	_ =	swait.ge [sflag:s18], $0x80  }
0x57: {  	[sflag:s18] =	ssyncset.done $0x0  }
0x58: {  	s30 =	sadd.s32 s28, s14;
	s28 =	smov.u32 s0;
	[sflag:s18] =	ssyncadd.s32 $0xFFFFFF80  }
0x59: {  	[tilespmem:s19], [sflag:$0x3] =	stream.linear.gather [hbm4b:s30+s4], $0x80, $0x38;
	[tilespmem:$0x1BE00] =	vst v63  }
0x5a: {  	_ =	swait.ge [sflag:s18], $0x80  }
0x5b: {  	[sflag:s18] =	ssyncset.done $0x0  }
0x5c: {  	[sflag:s18] =	ssyncadd.s32 $0xFFFFFF80  }
0x5d: {  	[tilespmem:s20], [sflag:$0x1] =	stream.indirect.gather [hbm4b:s1+s19], $0x80, s4, s19, $0xb8;
	[tilespmem:$0x1BE00] =	vst v63  }
0x5e: {  	_ =	swait.ge [sflag:s25], $0x4000  }
.Ltmp0:
0x5f: {  	[sflag:s25] =	ssyncset.done $0x0;
	(pc) =	sbr.rel @p0 .LBB2_2-.Ltmp0, $4  }
0x60: {  	[sflag:s25] =	ssyncadd.s32 $0xFFFFC000  }
0x61: {  	[spmem:s2] =	stream.indirect.scatter.add.f32 [tilespmem:s23], [sflag:$0x3], $0x80, s22, s19, $0xb8;
	[tilespmem:$0x1BE00] =	vst v63  }
0x62: {  	_ =	swait.ge [sflag:s18], $0x4000  }
0x63: {  	s30 =	smov.u32 s29;
	[sflag:s18] =	ssyncset.done $0x0  }
0x64: {  	s0 =	sadd.s32 s28, s15;
	[sflag:s18] =	ssyncadd.s32 $0xFFFFC000  }
0x65: {  	[tilespmem:s21], [sflag:$0x3] =	stream.linear.gather [hbm4b:s0+s4], $0x80, $0x38;
	[tilespmem:$0x1BE00] =	vst v63  }
0x66: {  	_ =	swait.ge [sflag:s18], $0x80  }
0x67: {  	[sflag:s18] =	ssyncset.done $0x0  }
0x68: {  	s29 =	sadd.s32 s28, s16;
	[sflag:s18] =	ssyncadd.s32 $0xFFFFFF80  }
0x69: {  	[tilespmem:s22], [sflag:$0x3] =	stream.linear.gather [hbm4b:s29+s4], $0x80, $0x38;
	[tilespmem:$0x1BE00] =	vst v63  }
0x6a: {  	_ =	swait.ge [sflag:s18], $0x80  }
0x6b: {  	[sflag:s18] =	ssyncset.done $0x0  }
0x6c: {  	[sflag:s18] =	ssyncadd.s32 $0xFFFFFF80  }
0x6d: {  	[tilespmem:s23], [sflag:$0x2] =	stream.indirect.gather [hbm4b:s1+s19], $0x80, s21, s19, $0xb8;
	[tilespmem:$0x1BE00] =	vst v63  }
0x6e: {  	_ =	swait.ge [sflag:s24], $0x4000  }
0x6f: {  	[sflag:s24] =	ssyncset.done $0x0  }
0x70: {  	[sflag:s24] =	ssyncadd.s32 $0xFFFFC000  }
0x71: {  	[spmem:s2] =	stream.indirect.scatter.add.f32 [tilespmem:s20], [sflag:$0x3], $0x80, s19, s19, $0xb8;
	[tilespmem:$0x1BE00] =	vst v63  }
0x72: {  	_ =	swait.ge [sflag:s18], $0x4000  }
0x73: {  	[sflag:s18] =	ssyncset.done $0x0  }
0x74: {  	s30 =	sadd.s32 s28, s13;
	[sflag:s18] =	ssyncadd.s32 $0xFFFFC000  }
0x75: {  	[tilespmem:s4], [sflag:$0x3] =	stream.linear.gather [hbm4b:s30+s4], $0x80, $0x38;
	[tilespmem:$0x1BE00] =	vst v63  }
0x76: {  	_ =	swait.ge [sflag:s18], $0x80  }
0x77: {  	[sflag:s18] =	ssyncset.done $0x0  }
0x78: {  	s31 =	sadd.s32 s28, s14;
	[sflag:s18] =	ssyncadd.s32 $0xFFFFFF80  }
0x79: {  	[tilespmem:s19], [sflag:$0x3] =	stream.linear.gather [hbm4b:s31+s4], $0x80, $0x38;
	[tilespmem:$0x1BE00] =	vst v63  }
0x7a: {  	_ =	swait.ge [sflag:s18], $0x80  }
0x7b: {  	[sflag:s18] =	ssyncset.done $0x0  }
0x7c: {  	[sflag:s18] =	ssyncadd.s32 $0xFFFFFF80  }
0x7d: {  	[tilespmem:s20], [sflag:$0x1] =	stream.indirect.gather [hbm4b:s1+s19], $0x80, s4, s19, $0xb8;
	[tilespmem:$0x1BE00] =	vst v63  }
0x7e: {  	_ =	swait.ge [sflag:s25], $0x4000  }
0x7f: {  	[sflag:s25] =	ssyncset.done $0x0  }
0x80: {  	[sflag:s25] =	ssyncadd.s32 $0xFFFFC000  }
0x81: {  	[spmem:s2] =	stream.indirect.scatter.add.f32 [tilespmem:s23], [sflag:$0x3], $0x80, s22, s19, $0xb8;
	[tilespmem:$0x1BE00] =	vst v63  }
0x82: {  	_ =	swait.ge [sflag:s18], $0x4000  }
0x83: {  	[sflag:s18] =	ssyncset.done $0x0  }
0x84: {  	[sflag:s18] =	ssyncadd.s32 $0xFFFFC000  }
0x85: {  	[tilespmem:s21], [sflag:$0x3] =	stream.linear.gather [hbm4b:s11+s4], $0x80, $0x38;
	[tilespmem:$0x1BE00] =	vst v63  }
0x86: {  	_ =	swait.ge [sflag:s18], $0x80  }
0x87: {  	[sflag:s18] =	ssyncset.done $0x0  }
0x88: {  	[sflag:s18] =	ssyncadd.s32 $0xFFFFFF80  }
0x89: {  	[tilespmem:s22], [sflag:$0x3] =	stream.linear.gather [hbm4b:s12+s4], $0x80, $0x38;
	[tilespmem:$0x1BE00] =	vst v63  }
0x8a: {  	_ =	swait.ge [sflag:s18], $0x80  }
0x8b: {  	[sflag:s18] =	ssyncset.done $0x0  }
0x8c: {  	[sflag:s18] =	ssyncadd.s32 $0xFFFFFF80  }
0x8d: {  	[tilespmem:s23], [sflag:$0x2] =	stream.indirect.gather [hbm4b:s1+s19], $0x80, s21, s19, $0xb8;
	[tilespmem:$0x1BE00] =	vst v63  }
0x8e: {  	_ =	swait.ge [sflag:s24], $0x4000  }
0x8f: {  	[sflag:s24] =	ssyncset.done $0x0  }
0x90: {  	[sflag:s24] =	ssyncadd.s32 $0xFFFFC000  }
0x91: {  	[spmem:s2] =	stream.indirect.scatter.add.f32 [tilespmem:s20], [sflag:$0x3], $0x80, s19, s19, $0xb8;
	[tilespmem:$0x1BE00] =	vst v63  }
0x92: {  	_ =	swait.ge [sflag:s18], $0x4000  }
0x93: {  	[sflag:s18] =	ssyncset.done $0x0  }
0x94: {  	[sflag:s18] =	ssyncadd.s32 $0xFFFFC000  }
0x95: {  	_ =	swait.ge [sflag:s25], $0x4000  }
0x96: {  	[sflag:s25] =	ssyncset.done $0x0  }
0x97: {  	[sflag:s25] =	ssyncadd.s32 $0xFFFFC000  }
0x98: {  	[spmem:s2] =	stream.indirect.scatter.add.f32 [tilespmem:s23], [sflag:$0x3], $0x80, s22, s19, $0xb8;
	[tilespmem:$0x1BE00] =	vst v63  }
0x99: {  	_ =	swait.ge [sflag:s18], $0x4000  }
0x9a: {  	s26 =	sadd.s32 $0x1, s26;
	[sflag:s18] =	ssyncset.done $0x0  }
0x9b: {  	p0 =	sne.s32 s26, s10;
	[sflag:s18] =	ssyncadd.s32 $0xFFFFC000  }
.Ltmp1:
0x9c: {  	[bflag:$0x0] =	sbarrier.arrive $0xFFFF;
	(pc) =	sbr.rel @p0 .LBB2_1-.Ltmp1, $4  }
0x9d: {  	[hbm:s9], [sflag:s6] =	dma.local [spmem:s17], $0x2780  }
0x9e: {  	_ =	swait.ge [sflag:s18], $0x2780  }
0x9f: {  	[sflag:s18] =	ssyncset.done $0x0  }
0xa0: {  	[sflag:s18] =	ssyncadd.s32 $0xFFFFD880  }
0xa1: {  	_ =	sfence.sel $0x180000  }
0xa2: {  	[bflag:$0x0] =	sbarrier.arrive $0xFFFF  }
0xa3: {  	_ =	strace $0x90000047  }
0xa4: {  	[bflag:$0x2] =	sbarrier.arrive $0xFFFF  }
0xa5: {  	p0 =	sne.s32 s3, $0x0;
	s0 =	rddreg [dreg:$0x3]  }
0xa6: {  	s0 =	sadd.s32 @!p0 $0x100000, s0  }
0xa7: {  	[sflag:s0] =	ssyncadd.tile.s32 @!p0 $0x1;
	_ =	shalt  }
.Lfunc_end2:
_tile_overlayer_lowered:
.L_overlay_start_2:
0xa8: {  	(tag) =	ssettag $0x2  }
0xa9: {  	s0 =	rddreg [dreg:$0x0];
	s2 =	stileid.u32  }
0xaa: {  	s1 =	rddreg [dreg:$0x1];
	p0 =	sne.s32 s2, $0x0  }
0xab: {  	s3 =	rddreg [dreg:$0x2];
	[bflag:$0x3] =	sbarrier.arrive $0xFFFF;
	s2 =	simm.s32 @!p0 $0x1C03  }
0xac: {  	[timem:s3], [sflag:s2] =	dma.local @!p0 [hbm:s0], s1  }
0xad: {  	s0 =	simm.s32 @!p0 $0x3  }
0xae: {  	_ =	swait.ge @!p0 [sflag:s0], s1  }
0xaf: {  	s1 =	ssub.s32 @!p0 $0x0, s1;
	[sflag:s0] =	ssyncset.done @!p0 $0x0  }
0xb0: {  	[sflag:s0] =	ssyncadd.s32 @!p0 s1  }
0xb1: {  	[bflag:$0x3] =	sbarrier.arrive $0xFFFF  }
0xb2: {  	_ =	shalt  }

</sc_bundles>
